<compile_context>
chip_gen: v7x
topology: tpu7x:2x2x1
jax: 0.10.2.dev20260603
libtpu: 0.0.44.dev20260713+nightly
codegen_flags: <defaults>
</compile_context>

<pallas_src>
import dataclasses
import functools

import jax
import jax.numpy as jnp
from jax import lax
from jax.experimental import pallas as pl
from jax.experimental.pallas import tpu as pltpu
from jax.experimental.pallas import tpu_sc as plsc

F32 = jnp.float32


def _sc_compiler_params():
    cp = pltpu.CompilerParams()
    if "needs_layout_passes" in pltpu.CompilerParams.__dataclass_fields__:
        cp = dataclasses.replace(cp, needs_layout_passes=False)
    return cp


def _gelu(x):
    return x * 0.5 * (1.0 + lax.erf(x * (2.0 ** -0.5)))


def _ln_rows(r, g, b, eps=1e-5):
    m = jnp.mean(r, axis=1, keepdims=True)
    c = r - m
    v = jnp.mean(c * c, axis=1, keepdims=True)
    return c * jax.lax.rsqrt(v + eps) * g + b



def _proj_body(nf, w, b, tsrc, tdst, pn):
    pr = jnp.dot(nf[...], w[...], preferred_element_type=F32) + b[...]
    tsrc[...] = pr[:, 0:512]
    tdst[...] = pr[:, 512:1024]
    pn[...] = pr[:, 1024:1280]


def _node_proj(nf, w_all, b_all, blk):
    n, h = nf.shape
    grid = n // blk
    full = lambda a: pl.BlockSpec(a.shape, lambda i: (0, 0))
    return pl.pallas_call(
        _proj_body,
        grid=(grid,),
        in_specs=[pl.BlockSpec((blk, h), lambda i: (i, 0)),
                  full(w_all), full(b_all)],
        out_specs=[pl.BlockSpec((blk, 2 * h), lambda i: (i, 0)),
                   pl.BlockSpec((blk, 2 * h), lambda i: (i, 0)),
                   pl.BlockSpec((blk, h), lambda i: (i, 0))],
        out_shape=[jax.ShapeDtypeStruct((n, 2 * h), F32),
                   jax.ShapeDtypeStruct((n, 2 * h), F32),
                   jax.ShapeDtypeStruct((n, h), F32)],
    )(nf, w_all, b_all)



def _edge_gather(tsrc, tdst, src1d, dst1d):
    e = src1d.shape[0]
    d = tsrc.shape[1]
    dt = tsrc.dtype
    nw = 32
    eps = e // nw
    gw = 40
    mesh = plsc.VectorSubcoreMesh(core_axis_name="core", subcore_axis_name="subcore")

    @functools.partial(
        pl.kernel,
        out_type=[jax.ShapeDtypeStruct((e, d), dt),
                  jax.ShapeDtypeStruct((e, d), dt)],
        mesh=mesh,
        scratch_types=[pltpu.VMEM((2, gw), jnp.int32),
                       pltpu.VMEM((2, gw), jnp.int32),
                       pltpu.VMEM((2, gw, d), dt),
                       pltpu.VMEM((2, gw, d), dt),
                       pltpu.SemaphoreType.DMA,
                       pltpu.SemaphoreType.DMA,
                       pltpu.SemaphoreType.DMA,
                       pltpu.SemaphoreType.DMA],
        compiler_params=_sc_compiler_params(),
    )
    def gather_kernel(tsrc_hbm, tdst_hbm, src_hbm, dst_hbm, osrc_hbm, odst_hbm,
                      idx1, idx2, rows1, rows2, sem1a, sem1b_, sem2a, sem2b_):
        t = lax.axis_index("subcore") * 2 + lax.axis_index("core")
        base0 = t * eps
        nsteps = eps // gw

        idx1b = (idx1.at[0], idx1.at[1])
        idx2b = (idx2.at[0], idx2.at[1])
        rows1b = (rows1.at[0], rows1.at[1])
        rows2b = (rows2.at[0], rows2.at[1])
        sem1b = (sem1a, sem1b_)
        sem2b = (sem2a, sem2b_)

        def start(s, db):
            b = base0 + s * gw
            pltpu.sync_copy(src_hbm.at[pl.ds(b, gw)], idx1b[db])
            pltpu.sync_copy(dst_hbm.at[pl.ds(b, gw)], idx2b[db])
            pltpu.async_copy(tsrc_hbm.at[idx1b[db]], rows1b[db], sem1b[db])
            pltpu.async_copy(tdst_hbm.at[idx2b[db]], rows2b[db], sem2b[db])

        def finish(s, db):
            b = base0 + s * gw
            pltpu.make_async_copy(tsrc_hbm.at[idx1b[db]], rows1b[db],
                                  sem1b[db]).wait()
            pltpu.make_async_copy(tdst_hbm.at[idx2b[db]], rows2b[db],
                                  sem2b[db]).wait()
            pltpu.sync_copy(rows1b[db], osrc_hbm.at[pl.ds(b, gw)])
            pltpu.sync_copy(rows2b[db], odst_hbm.at[pl.ds(b, gw)])

        start(0, 0)
        rem = nsteps % 2

        @pl.loop(0, nsteps - rem, step=2)
        def _(m):
            for db in range(2):
                mm = m + db

                @pl.when(mm + 1 < nsteps)
                def _():
                    start(mm + 1, 1 - db)

                finish(mm, db)

        if rem:
            finish(nsteps - 1, (nsteps - 1) % 2)

    return gather_kernel(tsrc, tdst, src1d, dst1d)



def _edge_body(gs, gd, ef, wmq, weq, mw2, ew2, eb2, lg, lb, msgt, ne):
    x = ef[...]
    gsv = gs[...]
    gdv = gd[...]
    pre_m = (gsv[:, 0:256] + gdv[:, 0:256]
             + jnp.dot(x, wmq[...], preferred_element_type=F32))
    h_m = _gelu(pre_m)
    msgt[...] = lax.dot_general(mw2[...], h_m,
                                dimension_numbers=(((0,), (1,)), ((), ())),
                                preferred_element_type=F32)
    pre_e = (gsv[:, 256:512] + gdv[:, 256:512]
             + jnp.dot(x, weq[...], preferred_element_type=F32))
    h_e = _gelu(pre_e)
    eu = jnp.dot(h_e, ew2[...], preferred_element_type=F32) + eb2[...]
    ne[...] = _ln_rows(x + eu, lg[...], lb[...])


def _edge_mlp(gs, gd, ef, wmq, weq, mw2, ew2, eb2, lg, lb, blk):
    e, h = ef.shape
    grid = e // blk
    full = lambda a: pl.BlockSpec(a.shape, lambda i: (0, 0))
    rowblk = pl.BlockSpec((blk, h), lambda i: (i, 0))
    wideblk = pl.BlockSpec((blk, 2 * h), lambda i: (i, 0))
    return pl.pallas_call(
        _edge_body,
        grid=(grid,),
        in_specs=[wideblk, wideblk, rowblk,
                  full(wmq), full(weq),
                  full(mw2), full(ew2), full(eb2), full(lg), full(lb)],
        out_specs=[pl.BlockSpec((h, blk), lambda i: (0, i)), rowblk],
        out_shape=[jax.ShapeDtypeStruct((h, e), F32),
                   jax.ShapeDtypeStruct((e, h), F32)],
    )(gs, gd, ef, wmq, weq, mw2, ew2, eb2, lg, lb)



def _scatter_agg(msgt, dst1d, n_nodes):
    h, e = msgt.shape
    ngroups = 32
    gw = h // ngroups
    npad = ((n_nodes + 7) // 8) * 8 + 48
    acc_len = npad * gw
    dlen = ((n_nodes + 15) // 16) * 16
    ch = 640
    nch = e // ch
    ndw = 16
    eps = e // ndw
    mesh = plsc.VectorSubcoreMesh(core_axis_name="core", subcore_axis_name="subcore")

    @functools.partial(
        pl.kernel,
        out_type=[jax.ShapeDtypeStruct((32 * acc_len,), F32),
                  jax.ShapeDtypeStruct((32 * dlen,), F32)],
        mesh=mesh,
        scratch_types=[pltpu.VMEM((acc_len,), F32),
                       pltpu.VMEM((dlen,), F32),
                       pltpu.VMEM((gw, ch), F32),
                       pltpu.VMEM((gw, ch), F32),
                       pltpu.VMEM((gw, ch), F32),
                       pltpu.VMEM((gw, ch), F32),
                       pltpu.VMEM((ch,), jnp.int32),
                       pltpu.VMEM((ch,), jnp.int32),
                       pltpu.VMEM((ch,), jnp.int32),
                       pltpu.VMEM((ch,), jnp.int32),
                       pltpu.VMEM((eps,), jnp.int32),
                       pltpu.SemaphoreType.DMA,
                       pltpu.SemaphoreType.DMA,
                       pltpu.SemaphoreType.DMA,
                       pltpu.SemaphoreType.DMA,
                       pltpu.SemaphoreType.DMA,
                       pltpu.SemaphoreType.DMA,
                       pltpu.SemaphoreType.DMA,
                       pltpu.SemaphoreType.DMA],
        compiler_params=_sc_compiler_params(),
    )
    def scatter_kernel(msgt_hbm, dst_hbm, agg_hbm, deg_hbm,
                       acc1, dhist, vals0, vals1, vals2, vals3,
                       raw0, raw1, raw2, raw3, rawd,
                       sg0, sg1, sg2, sg3, sr0, sr1, sr2, sr3):
        t = lax.axis_index("subcore") * 2 + lax.axis_index("core")
        iota = lax.iota(jnp.int32, 16)
        zero16 = jnp.zeros((16,), F32)
        ones16 = jnp.ones((16,), F32)

        valsb = (vals0, vals1, vals2, vals3)
        rawb = (raw0, raw1, raw2, raw3)
        semgb = (sg0, sg1, sg2, sg3)
        semrb = (sr0, sr1, sr2, sr3)

        @pl.loop(0, acc_len, step=16)
        def _(i):
            acc1[pl.ds(i, 16)] = zero16

        @pl.loop(0, dlen, step=16)
        def _(i):
            dhist[pl.ds(i, 16)] = zero16

        def issue(mm, b):
            e0 = mm * ch
            pltpu.async_copy(msgt_hbm.at[pl.ds(t * gw, gw), pl.ds(e0, ch)],
                             valsb[b], semgb[b])
            pltpu.async_copy(dst_hbm.at[pl.ds(e0, ch)], rawb[b], semrb[b])

        def wait(mm, b):
            e0 = mm * ch
            pltpu.make_async_copy(msgt_hbm.at[pl.ds(t * gw, gw), pl.ds(e0, ch)],
                                  valsb[b], semgb[b]).wait()
            pltpu.make_async_copy(dst_hbm.at[pl.ds(e0, ch)], rawb[b], semrb[b]).wait()

        def compute(b):
            @pl.loop(0, ch, step=16)
            def _(j):
                offs0 = rawb[b][pl.ds(j, 16)] * gw
                for r in range(gw):
                    vv = valsb[b][r, pl.ds(j, 16)]
                    plsc.addupdate_scatter(acc1, [offs0 + r], vv)

        issue(0, 0)
        issue(1, 1)
        issue(2, 2)

        main = (nch // 4) * 4 - 4

        @pl.loop(0, main + 4, step=4)
        def _(m):
            for db in range(4):
                mm = m + db

                @pl.when(mm + 3 < nch)
                def _():
                    issue(mm + 3, (db + 3) % 4)

                wait(mm, db)
                compute(db)

        for mm in range(main + 4, nch):
            wait(mm, mm % 4)
            compute(mm % 4)

        full16 = (eps // 16) * 16

        @pl.when(t < ndw)
        def _():
            e0d = t * eps
            pltpu.sync_copy(dst_hbm.at[pl.ds(e0d, eps)], rawd)

            @pl.loop(0, full16, step=16)
            def _(j):
                plsc.addupdate_scatter(dhist, [rawd[pl.ds(j, 16)]], ones16)

        if eps != full16:
            @pl.when(t < ndw)
            def _():
                tail = rawd[pl.ds(eps - 16, 16)]
                plsc.addupdate_scatter(dhist, [tail], ones16,
                                       mask=iota >= (16 - (eps - full16)))

        pltpu.sync_copy(acc1, agg_hbm.at[pl.ds(t * acc_len, acc_len)])
        pltpu.sync_copy(dhist, deg_hbm.at[pl.ds(t * dlen, dlen)])

    agg_f, deg_f = scatter_kernel(msgt, dst1d)
    agg = agg_f.reshape(32, npad, gw).transpose(1, 0, 2).reshape(npad, h)[:n_nodes]
    deg_t = deg_f.reshape(32, dlen)[:, :n_nodes].T
    return agg, deg_t



def _node_body(pn, nf, agg, deg, w1a, nb1, mb2r, nw2, nb2, lg, lb, out):
    xn = nf[...]
    degree = jnp.sum(deg[...], axis=1, keepdims=True)
    aggn = (agg[...] + degree * mb2r[...]) / (degree + 1e-8)
    pre = (pn[...] + jnp.dot(aggn, w1a[...], preferred_element_type=F32)
           + nb1[...])
    hh = _gelu(pre)
    upd = jnp.dot(hh, nw2[...], preferred_element_type=F32) + nb2[...]
    out[...] = _ln_rows(xn + upd, lg[...], lb[...])


def _node_update(pn, nf, agg, deg, w1a, nb1, mb2r, nw2, nb2, lg, lb, blk):
    n, h = nf.shape
    grid = n // blk
    full = lambda a: pl.BlockSpec(a.shape, lambda i: (0, 0))
    rowblk = pl.BlockSpec((blk, h), lambda i: (i, 0))
    degblk = pl.BlockSpec((blk, 32), lambda i: (i, 0))
    return pl.pallas_call(
        _node_body,
        grid=(grid,),
        in_specs=[rowblk, rowblk, rowblk, degblk,
                  full(w1a), full(nb1), full(mb2r), full(nw2), full(nb2),
                  full(lg), full(lb)],
        out_specs=rowblk,
        out_shape=jax.ShapeDtypeStruct((n, h), F32),
    )(pn, nf, agg, deg, w1a, nb1, mb2r, nw2, nb2, lg, lb)



def kernel(node_features, edge_features, edge_index, params):
    p = params
    n, h = node_features.shape
    e = edge_features.shape[0]

    w_all = jnp.concatenate(
        [p['mW1'][0:h], p['eW1'][0:h],
         p['mW1'][h:2 * h], p['eW1'][h:2 * h],
         p['nW1'][0:h]], axis=1)
    b_all = jnp.concatenate(
        [p['mb1'], p['eb1'], jnp.zeros((3 * h,), F32)]).reshape(1, 5 * h)

    tsrc, tdst, pn = _node_proj(node_features, w_all, b_all, blk=2000)

    src = edge_index[0]
    dst = edge_index[1]

    gs, gd = _edge_gather(tsrc, tdst, src, dst)

    msgt, new_edge = _edge_mlp(
        gs, gd, edge_features,
        p['mW1'][2 * h:3 * h], p['eW1'][2 * h:3 * h],
        p['mW2'], p['eW2'], p['eb2'].reshape(1, h),
        p['edge_ln_g'].reshape(1, h), p['edge_ln_b'].reshape(1, h),
        blk=1280)

    agg, deg_t = _scatter_agg(msgt, dst, n)

    new_node = _node_update(
        pn, node_features, agg, deg_t,
        p['nW1'][h:2 * h], p['nb1'].reshape(1, h), p['mb2'].reshape(1, h),
        p['nW2'], p['nb2'].reshape(1, h),
        p['node_ln_g'].reshape(1, h), p['node_ln_b'].reshape(1, h), blk=1000)

    return (new_node, new_edge)

# --- scband reference (transcript-rebuilt; emitter-appended) ---
"""Pipeline reference for scband-interaction-block-24945170055394 (READ-ONLY COPY).

The authoritative reference and input builder live on the scoring server;
editing this copy changes nothing except your own understanding.
"""

import jax, jax.numpy as jnp
import numpy as np

N = 10000
E = 160000
H = 256

def _mlp(x, W1, b1, W2, b2):
    h = jax.nn.gelu(x @ W1 + b1, approximate=False)
    return h @ W2 + b2

def _ln(x, g, b, eps=1e-5):
    m = jnp.mean(x, axis=-1, keepdims=True)
    v = jnp.var(x, axis=-1, keepdims=True)
    return (x - m) / jnp.sqrt(v + eps) * g + b

def setup_inputs(seed: int = 0) -> dict:
    key = jax.random.key(seed)
    ks = jax.random.split(key, 20)
    node_features = jax.random.normal(ks[0], (N, H), dtype=jnp.float32)
    edge_features = jax.random.normal(ks[1], (E, H), dtype=jnp.float32)
    edge_index = jax.random.randint(ks[2], (2, E), 0, N, dtype=jnp.int32)
    s = 0.02
    params = {
        'mW1': jax.random.normal(ks[3], (3 * H, H), dtype=jnp.float32) * s,
        'mb1': jnp.zeros((H,), dtype=jnp.float32),
        'mW2': jax.random.normal(ks[4], (H, H), dtype=jnp.float32) * s,
        'mb2': jnp.zeros((H,), dtype=jnp.float32),
        'nW1': jax.random.normal(ks[5], (2 * H, H), dtype=jnp.float32) * s,
        'nb1': jnp.zeros((H,), dtype=jnp.float32),
        'nW2': jax.random.normal(ks[6], (H, H), dtype=jnp.float32) * s,
        'nb2': jnp.zeros((H,), dtype=jnp.float32),
        'eW1': jax.random.normal(ks[7], (3 * H, H), dtype=jnp.float32) * s,
        'eb1': jnp.zeros((H,), dtype=jnp.float32),
        'eW2': jax.random.normal(ks[8], (H, H), dtype=jnp.float32) * s,
        'eb2': jnp.zeros((H,), dtype=jnp.float32),
        'node_ln_g': jnp.ones((H,), dtype=jnp.float32),
        'node_ln_b': jnp.zeros((H,), dtype=jnp.float32),
        'edge_ln_g': jnp.ones((H,), dtype=jnp.float32),
        'edge_ln_b': jnp.zeros((H,), dtype=jnp.float32),
    }
    return {'node_features': node_features, 'edge_features': edge_features,
            'edge_index': edge_index, 'params': params}

def reference(node_features, edge_features, edge_index, params):
    p = params
    src = edge_index[0]
    dst = edge_index[1]
    src_features = node_features[src]
    dst_features = node_features[dst]
    message_input = jnp.concatenate([src_features, dst_features, edge_features], axis=-1)
    messages = _mlp(message_input, p['mW1'], p['mb1'], p['mW2'], p['mb2'])
    aggregated = jnp.zeros_like(node_features).at[dst].add(messages)
    degree = jnp.zeros((node_features.shape[0], 1), dtype=jnp.float32).at[dst].add(
        jnp.ones((messages.shape[0], 1), dtype=jnp.float32))
    aggregated = aggregated / (degree + 1e-08)
    node_input = jnp.concatenate([node_features, aggregated], axis=-1)
    node_update = _mlp(node_input, p['nW1'], p['nb1'], p['nW2'], p['nb2'])
    new_node = _ln(node_features + node_update, p['node_ln_g'], p['node_ln_b'])
    edge_input = jnp.concatenate([src_features, dst_features, edge_features], axis=-1)
    edge_update = _mlp(edge_input, p['eW1'], p['eb1'], p['eW2'], p['eb2'])
    new_edge = _ln(edge_features + edge_update, p['edge_ln_g'], p['edge_ln_b'])
    return (new_node, new_edge)

if __name__ == "__main__":
    import jax
    _d = setup_inputs()
    print(jax.jit(kernel)(*tuple(_d.values())))

</pallas_src>

<mosaic_0001>
#map = affine_map<(d0, d1) -> (0, 0)>
#map1 = affine_map<(d0, d1) -> (0)>
module attributes {stable_mosaic.version = 14 : i64} {
  func.func @scatter_kernel(%arg0: i32, %arg1: i32, %arg2: memref<256x160000xf32, #tpu.memory_space<hbm>>, %arg3: memref<160000xi32, #tpu.memory_space<hbm>>, %arg4: memref<2572288xf32, #tpu.memory_space<hbm>>, %arg5: memref<320000xf32, #tpu.memory_space<hbm>>, %arg6: memref<80384xf32, #tpu.memory_space<vmem>>, %arg7: memref<10000xf32, #tpu.memory_space<vmem>>, %arg8: memref<8x640xf32, #tpu.memory_space<vmem>>, %arg9: memref<8x640xf32, #tpu.memory_space<vmem>>, %arg10: memref<8x640xf32, #tpu.memory_space<vmem>>, %arg11: memref<8x640xf32, #tpu.memory_space<vmem>>, %arg12: memref<640xi32, #tpu.memory_space<vmem>>, %arg13: memref<640xi32, #tpu.memory_space<vmem>>, %arg14: memref<640xi32, #tpu.memory_space<vmem>>, %arg15: memref<640xi32, #tpu.memory_space<vmem>>, %arg16: memref<10000xi32, #tpu.memory_space<vmem>>, %arg17: memref<!tpu.dma_semaphore, #tpu.memory_space<semaphore_mem>>, %arg18: memref<!tpu.dma_semaphore, #tpu.memory_space<semaphore_mem>>, %arg19: memref<!tpu.dma_semaphore, #tpu.memory_space<semaphore_mem>>, %arg20: memref<!tpu.dma_semaphore, #tpu.memory_space<semaphore_mem>>, %arg21: memref<!tpu.dma_semaphore, #tpu.memory_space<semaphore_mem>>, %arg22: memref<!tpu.dma_semaphore, #tpu.memory_space<semaphore_mem>>, %arg23: memref<!tpu.dma_semaphore, #tpu.memory_space<semaphore_mem>>, %arg24: memref<!tpu.dma_semaphore, #tpu.memory_space<semaphore_mem>>) attributes {dimension_semantics = [#tpu.dimension_semantics<core_parallel>, #tpu.dimension_semantics<subcore_parallel>], iteration_bounds = array<i64: 2, 16>, scalar_prefetch = 0 : i64, scratch_operands = 19 : i64, tpu.core_type = #tpu.core_type<sc_vector_subcore>, window_params = [{transform_indices = #map}, {transform_indices = #map1}, {transform_indices = #map1}, {transform_indices = #map1}]} {
    %mul3A = arith.constant 2 : i32
    %mul3A_0 = arith.muli %arg1, %mul3A : i32
    %add3A = arith.addi %mul3A_0, %arg0 : i32
    %iota3A = tpu.iota {dimensions = array<i32: 0>} : vector<16xi32>
    %broadcast_in_dim3A = arith.constant 0.000000e+00 : f32
    %broadcast_in_dim3A_1 = vector.broadcast %broadcast_in_dim3A : f32 to vector<16xf32>
    %broadcast_in_dim3A_2 = arith.constant 1.000000e+00 : f32
    %broadcast_in_dim3A_3 = vector.broadcast %broadcast_in_dim3A_2 : f32 to vector<16xf32>
    %scan3A = arith.constant 0 : i32
    %scan3A_4 = arith.constant 5024 : i32
    %scan3A_5 = arith.addi %scan3A, %scan3A_4 : i32
    %scan3A_6 = arith.constant 1 : i32
    scf.for %scan3A_82 = %scan3A to %scan3A_5 step %scan3A_6  : i32 {
      %mul3A_83 = arith.constant 16 : i32
      %mul3A_84 = arith.muli %scan3A_82, %mul3A_83 : i32
      %add3A_85 = arith.constant 0 : i32
      %add3A_86 = arith.addi %add3A_85, %mul3A_84 : i32
      %swap3A = arith.index_cast %add3A_86 : i32 to index
      %swap3A_87 = tpu.vector_load %arg6[%swap3A] {strides = array<i32>} : memref<80384xf32, #tpu.memory_space<vmem>>, vector<16xf32>,
      tpu.vector_store %arg6[%swap3A], %broadcast_in_dim3A_1 {strides = array<i32>} : memref<80384xf32, #tpu.memory_space<vmem>>, vector<16xf32>,
    }
    %scan3A_7 = arith.constant 5024 : i32
    %scan3A_8 = arith.constant 0 : i32
    %scan3A_9 = arith.constant 625 : i32
    %scan3A_10 = arith.addi %scan3A_8, %scan3A_9 : i32
    %scan3A_11 = arith.constant 1 : i32
    scf.for %scan3A_82 = %scan3A_8 to %scan3A_10 step %scan3A_11  : i32 {
      %mul3A_83 = arith.constant 16 : i32
      %mul3A_84 = arith.muli %scan3A_82, %mul3A_83 : i32
      %add3A_85 = arith.constant 0 : i32
      %add3A_86 = arith.addi %add3A_85, %mul3A_84 : i32
      %swap3A = arith.index_cast %add3A_86 : i32 to index
      %swap3A_87 = tpu.vector_load %arg7[%swap3A] {strides = array<i32>} : memref<10000xf32, #tpu.memory_space<vmem>>, vector<16xf32>,
      tpu.vector_store %arg7[%swap3A], %broadcast_in_dim3A_1 {strides = array<i32>} : memref<10000xf32, #tpu.memory_space<vmem>>, vector<16xf32>,
    }
    %scan3A_12 = arith.constant 625 : i32
    %mul3A_13 = arith.constant 8 : i32
    %mul3A_14 = arith.muli %add3A, %mul3A_13 : i32
    %dma_start3A = arith.constant 0 : i32
    %dma_start3A_15 = tpu.memref_slice %arg2[%mul3A_14, %dma_start3A] : memref<256x160000xf32, #tpu.memory_space<hbm>> -> memref<8x640xf32, #tpu.memory_space<hbm>>
    %dma_start3A_16 = arith.constant 0 : i32
    %dma_start3A_17 = tpu.memref_slice %arg2[%mul3A_14, %dma_start3A_16] : memref<256x160000xf32, #tpu.memory_space<hbm>> -> memref<8x640xf32, #tpu.memory_space<hbm>>
    tpu.enqueue_dma source(%dma_start3A_17 : memref<8x640xf32, #tpu.memory_space<hbm>>) target(%arg8 : memref<8x640xf32, #tpu.memory_space<vmem>>) target_semaphore(%arg17 : memref<!tpu.dma_semaphore, #tpu.memory_space<semaphore_mem>>)
    %dma_start3A_18 = arith.constant 0 : i32
    %dma_start3A_19 = tpu.memref_slice %arg3[%dma_start3A_18] : memref<160000xi32, #tpu.memory_space<hbm>> -> memref<640xi32, #tpu.memory_space<hbm>>
    %dma_start3A_20 = arith.constant 0 : i32
    %dma_start3A_21 = tpu.memref_slice %arg3[%dma_start3A_20] : memref<160000xi32, #tpu.memory_space<hbm>> -> memref<640xi32, #tpu.memory_space<hbm>>
    tpu.enqueue_dma source(%dma_start3A_21 : memref<640xi32, #tpu.memory_space<hbm>>) target(%arg12 : memref<640xi32, #tpu.memory_space<vmem>>) target_semaphore(%arg21 : memref<!tpu.dma_semaphore, #tpu.memory_space<semaphore_mem>>)
    %mul3A_22 = arith.constant 8 : i32
    %mul3A_23 = arith.muli %add3A, %mul3A_22 : i32
    %dma_start3A_24 = arith.constant 640 : i32
    %dma_start3A_25 = tpu.memref_slice %arg2[%mul3A_23, %dma_start3A_24] : memref<256x160000xf32, #tpu.memory_space<hbm>> -> memref<8x640xf32, #tpu.memory_space<hbm>>
    %dma_start3A_26 = arith.constant 640 : i32
    %dma_start3A_27 = tpu.memref_slice %arg2[%mul3A_23, %dma_start3A_26] : memref<256x160000xf32, #tpu.memory_space<hbm>> -> memref<8x640xf32, #tpu.memory_space<hbm>>
    tpu.enqueue_dma source(%dma_start3A_27 : memref<8x640xf32, #tpu.memory_space<hbm>>) target(%arg9 : memref<8x640xf32, #tpu.memory_space<vmem>>) target_semaphore(%arg18 : memref<!tpu.dma_semaphore, #tpu.memory_space<semaphore_mem>>)
    %dma_start3A_28 = arith.constant 640 : i32
    %dma_start3A_29 = tpu.memref_slice %arg3[%dma_start3A_28] : memref<160000xi32, #tpu.memory_space<hbm>> -> memref<640xi32, #tpu.memory_space<hbm>>
    %dma_start3A_30 = arith.constant 640 : i32
    %dma_start3A_31 = tpu.memref_slice %arg3[%dma_start3A_30] : memref<160000xi32, #tpu.memory_space<hbm>> -> memref<640xi32, #tpu.memory_space<hbm>>
    tpu.enqueue_dma source(%dma_start3A_31 : memref<640xi32, #tpu.memory_space<hbm>>) target(%arg13 : memref<640xi32, #tpu.memory_space<vmem>>) target_semaphore(%arg22 : memref<!tpu.dma_semaphore, #tpu.memory_space<semaphore_mem>>)
    %mul3A_32 = arith.constant 8 : i32
    %mul3A_33 = arith.muli %add3A, %mul3A_32 : i32
    %dma_start3A_34 = arith.constant 1280 : i32
    %dma_start3A_35 = tpu.memref_slice %arg2[%mul3A_33, %dma_start3A_34] : memref<256x160000xf32, #tpu.memory_space<hbm>> -> memref<8x640xf32, #tpu.memory_space<hbm>>
    %dma_start3A_36 = arith.constant 1280 : i32
    %dma_start3A_37 = tpu.memref_slice %arg2[%mul3A_33, %dma_start3A_36] : memref<256x160000xf32, #tpu.memory_space<hbm>> -> memref<8x640xf32, #tpu.memory_space<hbm>>
    tpu.enqueue_dma source(%dma_start3A_37 : memref<8x640xf32, #tpu.memory_space<hbm>>) target(%arg10 : memref<8x640xf32, #tpu.memory_space<vmem>>) target_semaphore(%arg19 : memref<!tpu.dma_semaphore, #tpu.memory_space<semaphore_mem>>)
    %dma_start3A_38 = arith.constant 1280 : i32
    %dma_start3A_39 = tpu.memref_slice %arg3[%dma_start3A_38] : memref<160000xi32, #tpu.memory_space<hbm>> -> memref<640xi32, #tpu.memory_space<hbm>>
    %dma_start3A_40 = arith.constant 1280 : i32
    %dma_start3A_41 = tpu.memref_slice %arg3[%dma_start3A_40] : memref<160000xi32, #tpu.memory_space<hbm>> -> memref<640xi32, #tpu.memory_space<hbm>>
    tpu.enqueue_dma source(%dma_start3A_41 : memref<640xi32, #tpu.memory_space<hbm>>) target(%arg14 : memref<640xi32, #tpu.memory_space<vmem>>) target_semaphore(%arg23 : memref<!tpu.dma_semaphore, #tpu.memory_space<semaphore_mem>>)
    %scan3A_42 = arith.constant 0 : i32
    %scan3A_43 = arith.constant 62 : i32
    %scan3A_44 = arith.addi %scan3A_42, %scan3A_43 : i32
    %scan3A_45 = arith.constant 1 : i32
    scf.for %scan3A_82 = %scan3A_42 to %scan3A_44 step %scan3A_45  : i32 {
      %mul3A_83 = arith.constant 4 : i32
      %mul3A_84 = arith.muli %scan3A_82, %mul3A_83 : i32
      %add3A_85 = arith.constant 0 : i32
      %add3A_86 = arith.addi %add3A_85, %mul3A_84 : i32
      %add3A_87 = arith.constant 0 : i32
      %add3A_88 = arith.addi %add3A_86, %add3A_87 : i32
      %add3A_89 = arith.constant 3 : i32
      %add3A_90 = arith.addi %add3A_88, %add3A_89 : i32
      %lt3A_91 = arith.constant 250 : i32
      %lt3A_92 = arith.cmpi slt, %add3A_90, %lt3A_91 : i32
      %convert_element_type3A_93 = arith.extui %lt3A_92 : i1 to i32
      %cond3A_94 = arith.constant 0 : i32
      %cond3A_95 = arith.cmpi ne, %convert_element_type3A_93, %cond3A_94 : i32
      scf.if %cond3A_95 {
        %add3A_175 = arith.constant 3 : i32
        %add3A_176 = arith.addi %add3A_88, %add3A_175 : i32
        %mul3A_177 = arith.constant 640 : i32
        %mul3A_178 = arith.muli %add3A_176, %mul3A_177 : i32
        %mul3A_179 = arith.constant 8 : i32
        %mul3A_180 = arith.muli %add3A, %mul3A_179 : i32
        %dma_start3A_181 = tpu.memref_slice %arg2[%mul3A_180, %mul3A_178] : memref<256x160000xf32, #tpu.memory_space<hbm>> -> memref<8x640xf32, #tpu.memory_space<hbm>>
        %dma_start3A_182 = tpu.memref_slice %arg2[%mul3A_180, %mul3A_178] : memref<256x160000xf32, #tpu.memory_space<hbm>> -> memref<8x640xf32, #tpu.memory_space<hbm>>
        tpu.enqueue_dma source(%dma_start3A_182 : memref<8x640xf32, #tpu.memory_space<hbm>>) target(%arg11 : memref<8x640xf32, #tpu.memory_space<vmem>>) target_semaphore(%arg20 : memref<!tpu.dma_semaphore, #tpu.memory_space<semaphore_mem>>)
        %dma_start3A_183 = tpu.memref_slice %arg3[%mul3A_178] : memref<160000xi32, #tpu.memory_space<hbm>> -> memref<640xi32, #tpu.memory_space<hbm>>
        %dma_start3A_184 = tpu.memref_slice %arg3[%mul3A_178] : memref<160000xi32, #tpu.memory_space<hbm>> -> memref<640xi32, #tpu.memory_space<hbm>>
        tpu.enqueue_dma source(%dma_start3A_184 : memref<640xi32, #tpu.memory_space<hbm>>) target(%arg15 : memref<640xi32, #tpu.memory_space<vmem>>) target_semaphore(%arg24 : memref<!tpu.dma_semaphore, #tpu.memory_space<semaphore_mem>>)
      } else {
      }
      %mul3A_96 = arith.constant 640 : i32
      %mul3A_97 = arith.muli %add3A_88, %mul3A_96 : i32
      %mul3A_98 = arith.constant 8 : i32
      %mul3A_99 = arith.muli %add3A, %mul3A_98 : i32
      %dma_wait3A_100 = tpu.memref_slice %arg2[%mul3A_99, %mul3A_97] : memref<256x160000xf32, #tpu.memory_space<hbm>> -> memref<8x640xf32, #tpu.memory_space<hbm>>
      %dma_wait3A_101 = tpu.memref_slice %arg2[%mul3A_99, %mul3A_97] : memref<256x160000xf32, #tpu.memory_space<hbm>> -> memref<8x640xf32, #tpu.memory_space<hbm>>
      tpu.wait_dma2 semaphore(%arg17 : memref<!tpu.dma_semaphore, #tpu.memory_space<semaphore_mem>>) src(%dma_wait3A_101 : memref<8x640xf32, #tpu.memory_space<hbm>>) dst(%arg8 : memref<8x640xf32, #tpu.memory_space<vmem>>)
      %dma_wait3A_102 = tpu.memref_slice %arg3[%mul3A_97] : memref<160000xi32, #tpu.memory_space<hbm>> -> memref<640xi32, #tpu.memory_space<hbm>>
      %dma_wait3A_103 = tpu.memref_slice %arg3[%mul3A_97] : memref<160000xi32, #tpu.memory_space<hbm>> -> memref<640xi32, #tpu.memory_space<hbm>>
      tpu.wait_dma2 semaphore(%arg21 : memref<!tpu.dma_semaphore, #tpu.memory_space<semaphore_mem>>) src(%dma_wait3A_103 : memref<640xi32, #tpu.memory_space<hbm>>) dst(%arg12 : memref<640xi32, #tpu.memory_space<vmem>>)
      %scan3A_104 = arith.constant 0 : i32
      %scan3A_105 = arith.constant 40 : i32
      %scan3A_106 = arith.addi %scan3A_104, %scan3A_105 : i32
      %scan3A_107 = arith.constant 1 : i32
      scf.for %scan3A_175 = %scan3A_104 to %scan3A_106 step %scan3A_107  : i32 {
        %mul3A_176 = arith.constant 16 : i32
        %mul3A_177 = arith.muli %scan3A_175, %mul3A_176 : i32
        %add3A_178 = arith.constant 0 : i32
        %add3A_179 = arith.addi %add3A_178, %mul3A_177 : i32
        %get3A = arith.index_cast %add3A_179 : i32 to index
        %get3A_180 = tpu.vector_load %arg12[%get3A] {strides = array<i32>} : memref<640xi32, #tpu.memory_space<vmem>>, vector<16xi32>,
        %mul3A_181 = arith.constant 8 : i32
        %mul3A_182 = vector.broadcast %mul3A_181 : i32 to vector<16xi32>
        %mul3A_183 = arith.muli %get3A_180, %mul3A_182 : vector<16xi32>
        %get3A_184 = arith.constant 0 : i32
        %get3A_185 = arith.index_cast %get3A_184 : i32 to index
        %get3A_186 = arith.index_cast %add3A_179 : i32 to index
        %get3A_187 = tpu.vector_load %arg8[%get3A_185, %get3A_186] {strides = array<i32>} : memref<8x640xf32, #tpu.memory_space<vmem>>, vector<16xf32>,
        %add3A_188 = arith.constant 0 : i32
        %add3A_189 = vector.broadcast %add3A_188 : i32 to vector<16xi32>
        %add3A_190 = arith.addi %mul3A_183, %add3A_189 : vector<16xi32>
        tpu.vector_store_idx %arg6[%add3A_190], %get3A_187 {add = true} : memref<80384xf32, #tpu.memory_space<vmem>>[vector<16xi32>], vector<16xf32>,
        %get3A_191 = arith.constant 1 : i32
        %get3A_192 = arith.index_cast %get3A_191 : i32 to index
        %get3A_193 = arith.index_cast %add3A_179 : i32 to index
        %get3A_194 = tpu.vector_load %arg8[%get3A_192, %get3A_193] {strides = array<i32>} : memref<8x640xf32, #tpu.memory_space<vmem>>, vector<16xf32>,
        %add3A_195 = arith.constant 1 : i32
        %add3A_196 = vector.broadcast %add3A_195 : i32 to vector<16xi32>
        %add3A_197 = arith.addi %mul3A_183, %add3A_196 : vector<16xi32>
        tpu.vector_store_idx %arg6[%add3A_197], %get3A_194 {add = true} : memref<80384xf32, #tpu.memory_space<vmem>>[vector<16xi32>], vector<16xf32>,
        %get3A_198 = arith.constant 2 : i32
        %get3A_199 = arith.index_cast %get3A_198 : i32 to index
        %get3A_200 = arith.index_cast %add3A_179 : i32 to index
        %get3A_201 = tpu.vector_load %arg8[%get3A_199, %get3A_200] {strides = array<i32>} : memref<8x640xf32, #tpu.memory_space<vmem>>, vector<16xf32>,
        %add3A_202 = arith.constant 2 : i32
        %add3A_203 = vector.broadcast %add3A_202 : i32 to vector<16xi32>
        %add3A_204 = arith.addi %mul3A_183, %add3A_203 : vector<16xi32>
        tpu.vector_store_idx %arg6[%add3A_204], %get3A_201 {add = true} : memref<80384xf32, #tpu.memory_space<vmem>>[vector<16xi32>], vector<16xf32>,
        %get3A_205 = arith.constant 3 : i32
        %get3A_206 = arith.index_cast %get3A_205 : i32 to index
        %get3A_207 = arith.index_cast %add3A_179 : i32 to index
        %get3A_208 = tpu.vector_load %arg8[%get3A_206, %get3A_207] {strides = array<i32>} : memref<8x640xf32, #tpu.memory_space<vmem>>, vector<16xf32>,
        %add3A_209 = arith.constant 3 : i32
        %add3A_210 = vector.broadcast %add3A_209 : i32 to vector<16xi32>
        %add3A_211 = arith.addi %mul3A_183, %add3A_210 : vector<16xi32>
        tpu.vector_store_idx %arg6[%add3A_211], %get3A_208 {add = true} : memref<80384xf32, #tpu.memory_space<vmem>>[vector<16xi32>], vector<16xf32>,
        %get3A_212 = arith.constant 4 : i32
        %get3A_213 = arith.index_cast %get3A_212 : i32 to index
        %get3A_214 = arith.index_cast %add3A_179 : i32 to index
        %get3A_215 = tpu.vector_load %arg8[%get3A_213, %get3A_214] {strides = array<i32>} : memref<8x640xf32, #tpu.memory_space<vmem>>, vector<16xf32>,
        %add3A_216 = arith.constant 4 : i32
        %add3A_217 = vector.broadcast %add3A_216 : i32 to vector<16xi32>
        %add3A_218 = arith.addi %mul3A_183, %add3A_217 : vector<16xi32>
        tpu.vector_store_idx %arg6[%add3A_218], %get3A_215 {add = true} : memref<80384xf32, #tpu.memory_space<vmem>>[vector<16xi32>], vector<16xf32>,
        %get3A_219 = arith.constant 5 : i32
        %get3A_220 = arith.index_cast %get3A_219 : i32 to index
        %get3A_221 = arith.index_cast %add3A_179 : i32 to index
        %get3A_222 = tpu.vector_load %arg8[%get3A_220, %get3A_221] {strides = array<i32>} : memref<8x640xf32, #tpu.memory_space<vmem>>, vector<16xf32>,
        %add3A_223 = arith.constant 5 : i32
        %add3A_224 = vector.broadcast %add3A_223 : i32 to vector<16xi32>
        %add3A_225 = arith.addi %mul3A_183, %add3A_224 : vector<16xi32>
        tpu.vector_store_idx %arg6[%add3A_225], %get3A_222 {add = true} : memref<80384xf32, #tpu.memory_space<vmem>>[vector<16xi32>], vector<16xf32>,
        %get3A_226 = arith.constant 6 : i32
        %get3A_227 = arith.index_cast %get3A_226 : i32 to index
        %get3A_228 = arith.index_cast %add3A_179 : i32 to index
        %get3A_229 = tpu.vector_load %arg8[%get3A_227, %get3A_228] {strides = array<i32>} : memref<8x640xf32, #tpu.memory_space<vmem>>, vector<16xf32>,
        %add3A_230 = arith.constant 6 : i32
        %add3A_231 = vector.broadcast %add3A_230 : i32 to vector<16xi32>
        %add3A_232 = arith.addi %mul3A_183, %add3A_231 : vector<16xi32>
        tpu.vector_store_idx %arg6[%add3A_232], %get3A_229 {add = true} : memref<80384xf32, #tpu.memory_space<vmem>>[vector<16xi32>], vector<16xf32>,
        %get3A_233 = arith.constant 7 : i32
        %get3A_234 = arith.index_cast %get3A_233 : i32 to index
        %get3A_235 = arith.index_cast %add3A_179 : i32 to index
        %get3A_236 = tpu.vector_load %arg8[%get3A_234, %get3A_235] {strides = array<i32>} : memref<8x640xf32, #tpu.memory_space<vmem>>, vector<16xf32>,
        %add3A_237 = arith.constant 7 : i32
        %add3A_238 = vector.broadcast %add3A_237 : i32 to vector<16xi32>
        %add3A_239 = arith.addi %mul3A_183, %add3A_238 : vector<16xi32>
        tpu.vector_store_idx %arg6[%add3A_239], %get3A_236 {add = true} : memref<80384xf32, #tpu.memory_space<vmem>>[vector<16xi32>], vector<16xf32>,
      }
      %scan3A_108 = arith.constant 40 : i32
      %add3A_109 = arith.constant 1 : i32
      %add3A_110 = arith.addi %add3A_86, %add3A_109 : i32
      %add3A_111 = arith.constant 3 : i32
      %add3A_112 = arith.addi %add3A_110, %add3A_111 : i32
      %lt3A_113 = arith.constant 250 : i32
      %lt3A_114 = arith.cmpi slt, %add3A_112, %lt3A_113 : i32
      %convert_element_type3A_115 = arith.extui %lt3A_114 : i1 to i32
      %cond3A_116 = arith.constant 0 : i32
      %cond3A_117 = arith.cmpi ne, %convert_element_type3A_115, %cond3A_116 : i32
      scf.if %cond3A_117 {
        %add3A_175 = arith.constant 3 : i32
        %add3A_176 = arith.addi %add3A_110, %add3A_175 : i32
        %mul3A_177 = arith.constant 640 : i32
        %mul3A_178 = arith.muli %add3A_176, %mul3A_177 : i32
        %mul3A_179 = arith.constant 8 : i32
        %mul3A_180 = arith.muli %add3A, %mul3A_179 : i32
        %dma_start3A_181 = tpu.memref_slice %arg2[%mul3A_180, %mul3A_178] : memref<256x160000xf32, #tpu.memory_space<hbm>> -> memref<8x640xf32, #tpu.memory_space<hbm>>
        %dma_start3A_182 = tpu.memref_slice %arg2[%mul3A_180, %mul3A_178] : memref<256x160000xf32, #tpu.memory_space<hbm>> -> memref<8x640xf32, #tpu.memory_space<hbm>>
        tpu.enqueue_dma source(%dma_start3A_182 : memref<8x640xf32, #tpu.memory_space<hbm>>) target(%arg8 : memref<8x640xf32, #tpu.memory_space<vmem>>) target_semaphore(%arg17 : memref<!tpu.dma_semaphore, #tpu.memory_space<semaphore_mem>>)
        %dma_start3A_183 = tpu.memref_slice %arg3[%mul3A_178] : memref<160000xi32, #tpu.memory_space<hbm>> -> memref<640xi32, #tpu.memory_space<hbm>>
        %dma_start3A_184 = tpu.memref_slice %arg3[%mul3A_178] : memref<160000xi32, #tpu.memory_space<hbm>> -> memref<640xi32, #tpu.memory_space<hbm>>
        tpu.enqueue_dma source(%dma_start3A_184 : memref<640xi32, #tpu.memory_space<hbm>>) target(%arg12 : memref<640xi32, #tpu.memory_space<vmem>>) target_semaphore(%arg21 : memref<!tpu.dma_semaphore, #tpu.memory_space<semaphore_mem>>)
      } else {
      }
      %mul3A_118 = arith.constant 640 : i32
      %mul3A_119 = arith.muli %add3A_110, %mul3A_118 : i32
      %mul3A_120 = arith.constant 8 : i32
      %mul3A_121 = arith.muli %add3A, %mul3A_120 : i32
      %dma_wait3A_122 = tpu.memref_slice %arg2[%mul3A_121, %mul3A_119] : memref<256x160000xf32, #tpu.memory_space<hbm>> -> memref<8x640xf32, #tpu.memory_space<hbm>>
      %dma_wait3A_123 = tpu.memref_slice %arg2[%mul3A_121, %mul3A_119] : memref<256x160000xf32, #tpu.memory_space<hbm>> -> memref<8x640xf32, #tpu.memory_space<hbm>>
      tpu.wait_dma2 semaphore(%arg18 : memref<!tpu.dma_semaphore, #tpu.memory_space<semaphore_mem>>) src(%dma_wait3A_123 : memref<8x640xf32, #tpu.memory_space<hbm>>) dst(%arg9 : memref<8x640xf32, #tpu.memory_space<vmem>>)
      %dma_wait3A_124 = tpu.memref_slice %arg3[%mul3A_119] : memref<160000xi32, #tpu.memory_space<hbm>> -> memref<640xi32, #tpu.memory_space<hbm>>
      %dma_wait3A_125 = tpu.memref_slice %arg3[%mul3A_119] : memref<160000xi32, #tpu.memory_space<hbm>> -> memref<640xi32, #tpu.memory_space<hbm>>
      tpu.wait_dma2 semaphore(%arg22 : memref<!tpu.dma_semaphore, #tpu.memory_space<semaphore_mem>>) src(%dma_wait3A_125 : memref<640xi32, #tpu.memory_space<hbm>>) dst(%arg13 : memref<640xi32, #tpu.memory_space<vmem>>)
      %scan3A_126 = arith.constant 0 : i32
      %scan3A_127 = arith.constant 40 : i32
      %scan3A_128 = arith.addi %scan3A_126, %scan3A_127 : i32
      %scan3A_129 = arith.constant 1 : i32
      scf.for %scan3A_175 = %scan3A_126 to %scan3A_128 step %scan3A_129  : i32 {
        %mul3A_176 = arith.constant 16 : i32
        %mul3A_177 = arith.muli %scan3A_175, %mul3A_176 : i32
        %add3A_178 = arith.constant 0 : i32
        %add3A_179 = arith.addi %add3A_178, %mul3A_177 : i32
        %get3A = arith.index_cast %add3A_179 : i32 to index
        %get3A_180 = tpu.vector_load %arg13[%get3A] {strides = array<i32>} : memref<640xi32, #tpu.memory_space<vmem>>, vector<16xi32>,
        %mul3A_181 = arith.constant 8 : i32
        %mul3A_182 = vector.broadcast %mul3A_181 : i32 to vector<16xi32>
        %mul3A_183 = arith.muli %get3A_180, %mul3A_182 : vector<16xi32>
        %get3A_184 = arith.constant 0 : i32
        %get3A_185 = arith.index_cast %get3A_184 : i32 to index
        %get3A_186 = arith.index_cast %add3A_179 : i32 to index
        %get3A_187 = tpu.vector_load %arg9[%get3A_185, %get3A_186] {strides = array<i32>} : memref<8x640xf32, #tpu.memory_space<vmem>>, vector<16xf32>,
        %add3A_188 = arith.constant 0 : i32
        %add3A_189 = vector.broadcast %add3A_188 : i32 to vector<16xi32>
        %add3A_190 = arith.addi %mul3A_183, %add3A_189 : vector<16xi32>
        tpu.vector_store_idx %arg6[%add3A_190], %get3A_187 {add = true} : memref<80384xf32, #tpu.memory_space<vmem>>[vector<16xi32>], vector<16xf32>,
        %get3A_191 = arith.constant 1 : i32
        %get3A_192 = arith.index_cast %get3A_191 : i32 to index
        %get3A_193 = arith.index_cast %add3A_179 : i32 to index
        %get3A_194 = tpu.vector_load %arg9[%get3A_192, %get3A_193] {strides = array<i32>} : memref<8x640xf32, #tpu.memory_space<vmem>>, vector<16xf32>,
        %add3A_195 = arith.constant 1 : i32
        %add3A_196 = vector.broadcast %add3A_195 : i32 to vector<16xi32>
        %add3A_197 = arith.addi %mul3A_183, %add3A_196 : vector<16xi32>
        tpu.vector_store_idx %arg6[%add3A_197], %get3A_194 {add = true} : memref<80384xf32, #tpu.memory_space<vmem>>[vector<16xi32>], vector<16xf32>,
        %get3A_198 = arith.constant 2 : i32
        %get3A_199 = arith.index_cast %get3A_198 : i32 to index
        %get3A_200 = arith.index_cast %add3A_179 : i32 to index
        %get3A_201 = tpu.vector_load %arg9[%get3A_199, %get3A_200] {strides = array<i32>} : memref<8x640xf32, #tpu.memory_space<vmem>>, vector<16xf32>,
        %add3A_202 = arith.constant 2 : i32
        %add3A_203 = vector.broadcast %add3A_202 : i32 to vector<16xi32>
        %add3A_204 = arith.addi %mul3A_183, %add3A_203 : vector<16xi32>
        tpu.vector_store_idx %arg6[%add3A_204], %get3A_201 {add = true} : memref<80384xf32, #tpu.memory_space<vmem>>[vector<16xi32>], vector<16xf32>,
        %get3A_205 = arith.constant 3 : i32
        %get3A_206 = arith.index_cast %get3A_205 : i32 to index
        %get3A_207 = arith.index_cast %add3A_179 : i32 to index
        %get3A_208 = tpu.vector_load %arg9[%get3A_206, %get3A_207] {strides = array<i32>} : memref<8x640xf32, #tpu.memory_space<vmem>>, vector<16xf32>,
        %add3A_209 = arith.constant 3 : i32
        %add3A_210 = vector.broadcast %add3A_209 : i32 to vector<16xi32>
        %add3A_211 = arith.addi %mul3A_183, %add3A_210 : vector<16xi32>
        tpu.vector_store_idx %arg6[%add3A_211], %get3A_208 {add = true} : memref<80384xf32, #tpu.memory_space<vmem>>[vector<16xi32>], vector<16xf32>,
        %get3A_212 = arith.constant 4 : i32
        %get3A_213 = arith.index_cast %get3A_212 : i32 to index
        %get3A_214 = arith.index_cast %add3A_179 : i32 to index
        %get3A_215 = tpu.vector_load %arg9[%get3A_213, %get3A_214] {strides = array<i32>} : memref<8x640xf32, #tpu.memory_space<vmem>>, vector<16xf32>,
        %add3A_216 = arith.constant 4 : i32
        %add3A_217 = vector.broadcast %add3A_216 : i32 to vector<16xi32>
        %add3A_218 = arith.addi %mul3A_183, %add3A_217 : vector<16xi32>
        tpu.vector_store_idx %arg6[%add3A_218], %get3A_215 {add = true} : memref<80384xf32, #tpu.memory_space<vmem>>[vector<16xi32>], vector<16xf32>,
        %get3A_219 = arith.constant 5 : i32
        %get3A_220 = arith.index_cast %get3A_219 : i32 to index
        %get3A_221 = arith.index_cast %add3A_179 : i32 to index
        %get3A_222 = tpu.vector_load %arg9[%get3A_220, %get3A_221] {strides = array<i32>} : memref<8x640xf32, #tpu.memory_space<vmem>>, vector<16xf32>,
        %add3A_223 = arith.constant 5 : i32
        %add3A_224 = vector.broadcast %add3A_223 : i32 to vector<16xi32>
        %add3A_225 = arith.addi %mul3A_183, %add3A_224 : vector<16xi32>
        tpu.vector_store_idx %arg6[%add3A_225], %get3A_222 {add = true} : memref<80384xf32, #tpu.memory_space<vmem>>[vector<16xi32>], vector<16xf32>,
        %get3A_226 = arith.constant 6 : i32
        %get3A_227 = arith.index_cast %get3A_226 : i32 to index
        %get3A_228 = arith.index_cast %add3A_179 : i32 to index
        %get3A_229 = tpu.vector_load %arg9[%get3A_227, %get3A_228] {strides = array<i32>} : memref<8x640xf32, #tpu.memory_space<vmem>>, vector<16xf32>,
        %add3A_230 = arith.constant 6 : i32
        %add3A_231 = vector.broadcast %add3A_230 : i32 to vector<16xi32>
        %add3A_232 = arith.addi %mul3A_183, %add3A_231 : vector<16xi32>
        tpu.vector_store_idx %arg6[%add3A_232], %get3A_229 {add = true} : memref<80384xf32, #tpu.memory_space<vmem>>[vector<16xi32>], vector<16xf32>,
        %get3A_233 = arith.constant 7 : i32
        %get3A_234 = arith.index_cast %get3A_233 : i32 to index
        %get3A_235 = arith.index_cast %add3A_179 : i32 to index
        %get3A_236 = tpu.vector_load %arg9[%get3A_234, %get3A_235] {strides = array<i32>} : memref<8x640xf32, #tpu.memory_space<vmem>>, vector<16xf32>,
        %add3A_237 = arith.constant 7 : i32
        %add3A_238 = vector.broadcast %add3A_237 : i32 to vector<16xi32>
        %add3A_239 = arith.addi %mul3A_183, %add3A_238 : vector<16xi32>
        tpu.vector_store_idx %arg6[%add3A_239], %get3A_236 {add = true} : memref<80384xf32, #tpu.memory_space<vmem>>[vector<16xi32>], vector<16xf32>,
      }
      %scan3A_130 = arith.constant 40 : i32
      %add3A_131 = arith.constant 2 : i32
      %add3A_132 = arith.addi %add3A_86, %add3A_131 : i32
      %add3A_133 = arith.constant 3 : i32
      %add3A_134 = arith.addi %add3A_132, %add3A_133 : i32
      %lt3A_135 = arith.constant 250 : i32
      %lt3A_136 = arith.cmpi slt, %add3A_134, %lt3A_135 : i32
      %convert_element_type3A_137 = arith.extui %lt3A_136 : i1 to i32
      %cond3A_138 = arith.constant 0 : i32
      %cond3A_139 = arith.cmpi ne, %convert_element_type3A_137, %cond3A_138 : i32
      scf.if %cond3A_139 {
        %add3A_175 = arith.constant 3 : i32
        %add3A_176 = arith.addi %add3A_132, %add3A_175 : i32
        %mul3A_177 = arith.constant 640 : i32
        %mul3A_178 = arith.muli %add3A_176, %mul3A_177 : i32
        %mul3A_179 = arith.constant 8 : i32
        %mul3A_180 = arith.muli %add3A, %mul3A_179 : i32
        %dma_start3A_181 = tpu.memref_slice %arg2[%mul3A_180, %mul3A_178] : memref<256x160000xf32, #tpu.memory_space<hbm>> -> memref<8x640xf32, #tpu.memory_space<hbm>>
        %dma_start3A_182 = tpu.memref_slice %arg2[%mul3A_180, %mul3A_178] : memref<256x160000xf32, #tpu.memory_space<hbm>> -> memref<8x640xf32, #tpu.memory_space<hbm>>
        tpu.enqueue_dma source(%dma_start3A_182 : memref<8x640xf32, #tpu.memory_space<hbm>>) target(%arg9 : memref<8x640xf32, #tpu.memory_space<vmem>>) target_semaphore(%arg18 : memref<!tpu.dma_semaphore, #tpu.memory_space<semaphore_mem>>)
        %dma_start3A_183 = tpu.memref_slice %arg3[%mul3A_178] : memref<160000xi32, #tpu.memory_space<hbm>> -> memref<640xi32, #tpu.memory_space<hbm>>
        %dma_start3A_184 = tpu.memref_slice %arg3[%mul3A_178] : memref<160000xi32, #tpu.memory_space<hbm>> -> memref<640xi32, #tpu.memory_space<hbm>>
        tpu.enqueue_dma source(%dma_start3A_184 : memref<640xi32, #tpu.memory_space<hbm>>) target(%arg13 : memref<640xi32, #tpu.memory_space<vmem>>) target_semaphore(%arg22 : memref<!tpu.dma_semaphore, #tpu.memory_space<semaphore_mem>>)
      } else {
      }
      %mul3A_140 = arith.constant 640 : i32
      %mul3A_141 = arith.muli %add3A_132, %mul3A_140 : i32
      %mul3A_142 = arith.constant 8 : i32
      %mul3A_143 = arith.muli %add3A, %mul3A_142 : i32
      %dma_wait3A_144 = tpu.memref_slice %arg2[%mul3A_143, %mul3A_141] : memref<256x160000xf32, #tpu.memory_space<hbm>> -> memref<8x640xf32, #tpu.memory_space<hbm>>
      %dma_wait3A_145 = tpu.memref_slice %arg2[%mul3A_143, %mul3A_141] : memref<256x160000xf32, #tpu.memory_space<hbm>> -> memref<8x640xf32, #tpu.memory_space<hbm>>
      tpu.wait_dma2 semaphore(%arg19 : memref<!tpu.dma_semaphore, #tpu.memory_space<semaphore_mem>>) src(%dma_wait3A_145 : memref<8x640xf32, #tpu.memory_space<hbm>>) dst(%arg10 : memref<8x640xf32, #tpu.memory_space<vmem>>)
      %dma_wait3A_146 = tpu.memref_slice %arg3[%mul3A_141] : memref<160000xi32, #tpu.memory_space<hbm>> -> memref<640xi32, #tpu.memory_space<hbm>>
      %dma_wait3A_147 = tpu.memref_slice %arg3[%mul3A_141] : memref<160000xi32, #tpu.memory_space<hbm>> -> memref<640xi32, #tpu.memory_space<hbm>>
      tpu.wait_dma2 semaphore(%arg23 : memref<!tpu.dma_semaphore, #tpu.memory_space<semaphore_mem>>) src(%dma_wait3A_147 : memref<640xi32, #tpu.memory_space<hbm>>) dst(%arg14 : memref<640xi32, #tpu.memory_space<vmem>>)
      %scan3A_148 = arith.constant 0 : i32
      %scan3A_149 = arith.constant 40 : i32
      %scan3A_150 = arith.addi %scan3A_148, %scan3A_149 : i32
      %scan3A_151 = arith.constant 1 : i32
      scf.for %scan3A_175 = %scan3A_148 to %scan3A_150 step %scan3A_151  : i32 {
        %mul3A_176 = arith.constant 16 : i32
        %mul3A_177 = arith.muli %scan3A_175, %mul3A_176 : i32
        %add3A_178 = arith.constant 0 : i32
        %add3A_179 = arith.addi %add3A_178, %mul3A_177 : i32
        %get3A = arith.index_cast %add3A_179 : i32 to index
        %get3A_180 = tpu.vector_load %arg14[%get3A] {strides = array<i32>} : memref<640xi32, #tpu.memory_space<vmem>>, vector<16xi32>,
        %mul3A_181 = arith.constant 8 : i32
        %mul3A_182 = vector.broadcast %mul3A_181 : i32 to vector<16xi32>
        %mul3A_183 = arith.muli %get3A_180, %mul3A_182 : vector<16xi32>
        %get3A_184 = arith.constant 0 : i32
        %get3A_185 = arith.index_cast %get3A_184 : i32 to index
        %get3A_186 = arith.index_cast %add3A_179 : i32 to index
        %get3A_187 = tpu.vector_load %arg10[%get3A_185, %get3A_186] {strides = array<i32>} : memref<8x640xf32, #tpu.memory_space<vmem>>, vector<16xf32>,
        %add3A_188 = arith.constant 0 : i32
        %add3A_189 = vector.broadcast %add3A_188 : i32 to vector<16xi32>
        %add3A_190 = arith.addi %mul3A_183, %add3A_189 : vector<16xi32>
        tpu.vector_store_idx %arg6[%add3A_190], %get3A_187 {add = true} : memref<80384xf32, #tpu.memory_space<vmem>>[vector<16xi32>], vector<16xf32>,
        %get3A_191 = arith.constant 1 : i32
        %get3A_192 = arith.index_cast %get3A_191 : i32 to index
        %get3A_193 = arith.index_cast %add3A_179 : i32 to index
        %get3A_194 = tpu.vector_load %arg10[%get3A_192, %get3A_193] {strides = array<i32>} : memref<8x640xf32, #tpu.memory_space<vmem>>, vector<16xf32>,
        %add3A_195 = arith.constant 1 : i32
        %add3A_196 = vector.broadcast %add3A_195 : i32 to vector<16xi32>
        %add3A_197 = arith.addi %mul3A_183, %add3A_196 : vector<16xi32>
        tpu.vector_store_idx %arg6[%add3A_197], %get3A_194 {add = true} : memref<80384xf32, #tpu.memory_space<vmem>>[vector<16xi32>], vector<16xf32>,
        %get3A_198 = arith.constant 2 : i32
        %get3A_199 = arith.index_cast %get3A_198 : i32 to index
        %get3A_200 = arith.index_cast %add3A_179 : i32 to index
        %get3A_201 = tpu.vector_load %arg10[%get3A_199, %get3A_200] {strides = array<i32>} : memref<8x640xf32, #tpu.memory_space<vmem>>, vector<16xf32>,
        %add3A_202 = arith.constant 2 : i32
        %add3A_203 = vector.broadcast %add3A_202 : i32 to vector<16xi32>
        %add3A_204 = arith.addi %mul3A_183, %add3A_203 : vector<16xi32>
        tpu.vector_store_idx %arg6[%add3A_204], %get3A_201 {add = true} : memref<80384xf32, #tpu.memory_space<vmem>>[vector<16xi32>], vector<16xf32>,
        %get3A_205 = arith.constant 3 : i32
        %get3A_206 = arith.index_cast %get3A_205 : i32 to index
        %get3A_207 = arith.index_cast %add3A_179 : i32 to index
        %get3A_208 = tpu.vector_load %arg10[%get3A_206, %get3A_207] {strides = array<i32>} : memref<8x640xf32, #tpu.memory_space<vmem>>, vector<16xf32>,
        %add3A_209 = arith.constant 3 : i32
        %add3A_210 = vector.broadcast %add3A_209 : i32 to vector<16xi32>
        %add3A_211 = arith.addi %mul3A_183, %add3A_210 : vector<16xi32>
        tpu.vector_store_idx %arg6[%add3A_211], %get3A_208 {add = true} : memref<80384xf32, #tpu.memory_space<vmem>>[vector<16xi32>], vector<16xf32>,
        %get3A_212 = arith.constant 4 : i32
        %get3A_213 = arith.index_cast %get3A_212 : i32 to index
        %get3A_214 = arith.index_cast %add3A_179 : i32 to index
        %get3A_215 = tpu.vector_load %arg10[%get3A_213, %get3A_214] {strides = array<i32>} : memref<8x640xf32, #tpu.memory_space<vmem>>, vector<16xf32>,
        %add3A_216 = arith.constant 4 : i32
        %add3A_217 = vector.broadcast %add3A_216 : i32 to vector<16xi32>
        %add3A_218 = arith.addi %mul3A_183, %add3A_217 : vector<16xi32>
        tpu.vector_store_idx %arg6[%add3A_218], %get3A_215 {add = true} : memref<80384xf32, #tpu.memory_space<vmem>>[vector<16xi32>], vector<16xf32>,
        %get3A_219 = arith.constant 5 : i32
        %get3A_220 = arith.index_cast %get3A_219 : i32 to index
        %get3A_221 = arith.index_cast %add3A_179 : i32 to index
        %get3A_222 = tpu.vector_load %arg10[%get3A_220, %get3A_221] {strides = array<i32>} : memref<8x640xf32, #tpu.memory_space<vmem>>, vector<16xf32>,
        %add3A_223 = arith.constant 5 : i32
        %add3A_224 = vector.broadcast %add3A_223 : i32 to vector<16xi32>
        %add3A_225 = arith.addi %mul3A_183, %add3A_224 : vector<16xi32>
        tpu.vector_store_idx %arg6[%add3A_225], %get3A_222 {add = true} : memref<80384xf32, #tpu.memory_space<vmem>>[vector<16xi32>], vector<16xf32>,
        %get3A_226 = arith.constant 6 : i32
        %get3A_227 = arith.index_cast %get3A_226 : i32 to index
        %get3A_228 = arith.index_cast %add3A_179 : i32 to index
        %get3A_229 = tpu.vector_load %arg10[%get3A_227, %get3A_228] {strides = array<i32>} : memref<8x640xf32, #tpu.memory_space<vmem>>, vector<16xf32>,
        %add3A_230 = arith.constant 6 : i32
        %add3A_231 = vector.broadcast %add3A_230 : i32 to vector<16xi32>
        %add3A_232 = arith.addi %mul3A_183, %add3A_231 : vector<16xi32>
        tpu.vector_store_idx %arg6[%add3A_232], %get3A_229 {add = true} : memref<80384xf32, #tpu.memory_space<vmem>>[vector<16xi32>], vector<16xf32>,
        %get3A_233 = arith.constant 7 : i32
        %get3A_234 = arith.index_cast %get3A_233 : i32 to index
        %get3A_235 = arith.index_cast %add3A_179 : i32 to index
        %get3A_236 = tpu.vector_load %arg10[%get3A_234, %get3A_235] {strides = array<i32>} : memref<8x640xf32, #tpu.memory_space<vmem>>, vector<16xf32>,
        %add3A_237 = arith.constant 7 : i32
        %add3A_238 = vector.broadcast %add3A_237 : i32 to vector<16xi32>
        %add3A_239 = arith.addi %mul3A_183, %add3A_238 : vector<16xi32>
        tpu.vector_store_idx %arg6[%add3A_239], %get3A_236 {add = true} : memref<80384xf32, #tpu.memory_space<vmem>>[vector<16xi32>], vector<16xf32>,
      }
      %scan3A_152 = arith.constant 40 : i32
      %add3A_153 = arith.constant 3 : i32
      %add3A_154 = arith.addi %add3A_86, %add3A_153 : i32
      %add3A_155 = arith.constant 3 : i32
      %add3A_156 = arith.addi %add3A_154, %add3A_155 : i32
      %lt3A_157 = arith.constant 250 : i32
      %lt3A_158 = arith.cmpi slt, %add3A_156, %lt3A_157 : i32
      %convert_element_type3A_159 = arith.extui %lt3A_158 : i1 to i32
      %cond3A_160 = arith.constant 0 : i32
      %cond3A_161 = arith.cmpi ne, %convert_element_type3A_159, %cond3A_160 : i32
      scf.if %cond3A_161 {
        %add3A_175 = arith.constant 3 : i32
        %add3A_176 = arith.addi %add3A_154, %add3A_175 : i32
        %mul3A_177 = arith.constant 640 : i32
        %mul3A_178 = arith.muli %add3A_176, %mul3A_177 : i32
        %mul3A_179 = arith.constant 8 : i32
        %mul3A_180 = arith.muli %add3A, %mul3A_179 : i32
        %dma_start3A_181 = tpu.memref_slice %arg2[%mul3A_180, %mul3A_178] : memref<256x160000xf32, #tpu.memory_space<hbm>> -> memref<8x640xf32, #tpu.memory_space<hbm>>
        %dma_start3A_182 = tpu.memref_slice %arg2[%mul3A_180, %mul3A_178] : memref<256x160000xf32, #tpu.memory_space<hbm>> -> memref<8x640xf32, #tpu.memory_space<hbm>>
        tpu.enqueue_dma source(%dma_start3A_182 : memref<8x640xf32, #tpu.memory_space<hbm>>) target(%arg10 : memref<8x640xf32, #tpu.memory_space<vmem>>) target_semaphore(%arg19 : memref<!tpu.dma_semaphore, #tpu.memory_space<semaphore_mem>>)
        %dma_start3A_183 = tpu.memref_slice %arg3[%mul3A_178] : memref<160000xi32, #tpu.memory_space<hbm>> -> memref<640xi32, #tpu.memory_space<hbm>>
        %dma_start3A_184 = tpu.memref_slice %arg3[%mul3A_178] : memref<160000xi32, #tpu.memory_space<hbm>> -> memref<640xi32, #tpu.memory_space<hbm>>
        tpu.enqueue_dma source(%dma_start3A_184 : memref<640xi32, #tpu.memory_space<hbm>>) target(%arg14 : memref<640xi32, #tpu.memory_space<vmem>>) target_semaphore(%arg23 : memref<!tpu.dma_semaphore, #tpu.memory_space<semaphore_mem>>)
      } else {
      }
      %mul3A_162 = arith.constant 640 : i32
      %mul3A_163 = arith.muli %add3A_154, %mul3A_162 : i32
      %mul3A_164 = arith.constant 8 : i32
      %mul3A_165 = arith.muli %add3A, %mul3A_164 : i32
      %dma_wait3A_166 = tpu.memref_slice %arg2[%mul3A_165, %mul3A_163] : memref<256x160000xf32, #tpu.memory_space<hbm>> -> memref<8x640xf32, #tpu.memory_space<hbm>>
      %dma_wait3A_167 = tpu.memref_slice %arg2[%mul3A_165, %mul3A_163] : memref<256x160000xf32, #tpu.memory_space<hbm>> -> memref<8x640xf32, #tpu.memory_space<hbm>>
      tpu.wait_dma2 semaphore(%arg20 : memref<!tpu.dma_semaphore, #tpu.memory_space<semaphore_mem>>) src(%dma_wait3A_167 : memref<8x640xf32, #tpu.memory_space<hbm>>) dst(%arg11 : memref<8x640xf32, #tpu.memory_space<vmem>>)
      %dma_wait3A_168 = tpu.memref_slice %arg3[%mul3A_163] : memref<160000xi32, #tpu.memory_space<hbm>> -> memref<640xi32, #tpu.memory_space<hbm>>
      %dma_wait3A_169 = tpu.memref_slice %arg3[%mul3A_163] : memref<160000xi32, #tpu.memory_space<hbm>> -> memref<640xi32, #tpu.memory_space<hbm>>
      tpu.wait_dma2 semaphore(%arg24 : memref<!tpu.dma_semaphore, #tpu.memory_space<semaphore_mem>>) src(%dma_wait3A_169 : memref<640xi32, #tpu.memory_space<hbm>>) dst(%arg15 : memref<640xi32, #tpu.memory_space<vmem>>)
      %scan3A_170 = arith.constant 0 : i32
      %scan3A_171 = arith.constant 40 : i32
      %scan3A_172 = arith.addi %scan3A_170, %scan3A_171 : i32
      %scan3A_173 = arith.constant 1 : i32
      scf.for %scan3A_175 = %scan3A_170 to %scan3A_172 step %scan3A_173  : i32 {
        %mul3A_176 = arith.constant 16 : i32
        %mul3A_177 = arith.muli %scan3A_175, %mul3A_176 : i32
        %add3A_178 = arith.constant 0 : i32
        %add3A_179 = arith.addi %add3A_178, %mul3A_177 : i32
        %get3A = arith.index_cast %add3A_179 : i32 to index
        %get3A_180 = tpu.vector_load %arg15[%get3A] {strides = array<i32>} : memref<640xi32, #tpu.memory_space<vmem>>, vector<16xi32>,
        %mul3A_181 = arith.constant 8 : i32
        %mul3A_182 = vector.broadcast %mul3A_181 : i32 to vector<16xi32>
        %mul3A_183 = arith.muli %get3A_180, %mul3A_182 : vector<16xi32>
        %get3A_184 = arith.constant 0 : i32
        %get3A_185 = arith.index_cast %get3A_184 : i32 to index
        %get3A_186 = arith.index_cast %add3A_179 : i32 to index
        %get3A_187 = tpu.vector_load %arg11[%get3A_185, %get3A_186] {strides = array<i32>} : memref<8x640xf32, #tpu.memory_space<vmem>>, vector<16xf32>,
        %add3A_188 = arith.constant 0 : i32
        %add3A_189 = vector.broadcast %add3A_188 : i32 to vector<16xi32>
        %add3A_190 = arith.addi %mul3A_183, %add3A_189 : vector<16xi32>
        tpu.vector_store_idx %arg6[%add3A_190], %get3A_187 {add = true} : memref<80384xf32, #tpu.memory_space<vmem>>[vector<16xi32>], vector<16xf32>,
        %get3A_191 = arith.constant 1 : i32
        %get3A_192 = arith.index_cast %get3A_191 : i32 to index
        %get3A_193 = arith.index_cast %add3A_179 : i32 to index
        %get3A_194 = tpu.vector_load %arg11[%get3A_192, %get3A_193] {strides = array<i32>} : memref<8x640xf32, #tpu.memory_space<vmem>>, vector<16xf32>,
        %add3A_195 = arith.constant 1 : i32
        %add3A_196 = vector.broadcast %add3A_195 : i32 to vector<16xi32>
        %add3A_197 = arith.addi %mul3A_183, %add3A_196 : vector<16xi32>
        tpu.vector_store_idx %arg6[%add3A_197], %get3A_194 {add = true} : memref<80384xf32, #tpu.memory_space<vmem>>[vector<16xi32>], vector<16xf32>,
        %get3A_198 = arith.constant 2 : i32
        %get3A_199 = arith.index_cast %get3A_198 : i32 to index
        %get3A_200 = arith.index_cast %add3A_179 : i32 to index
        %get3A_201 = tpu.vector_load %arg11[%get3A_199, %get3A_200] {strides = array<i32>} : memref<8x640xf32, #tpu.memory_space<vmem>>, vector<16xf32>,
        %add3A_202 = arith.constant 2 : i32
        %add3A_203 = vector.broadcast %add3A_202 : i32 to vector<16xi32>
        %add3A_204 = arith.addi %mul3A_183, %add3A_203 : vector<16xi32>
        tpu.vector_store_idx %arg6[%add3A_204], %get3A_201 {add = true} : memref<80384xf32, #tpu.memory_space<vmem>>[vector<16xi32>], vector<16xf32>,
        %get3A_205 = arith.constant 3 : i32
        %get3A_206 = arith.index_cast %get3A_205 : i32 to index
        %get3A_207 = arith.index_cast %add3A_179 : i32 to index
        %get3A_208 = tpu.vector_load %arg11[%get3A_206, %get3A_207] {strides = array<i32>} : memref<8x640xf32, #tpu.memory_space<vmem>>, vector<16xf32>,
        %add3A_209 = arith.constant 3 : i32
        %add3A_210 = vector.broadcast %add3A_209 : i32 to vector<16xi32>
        %add3A_211 = arith.addi %mul3A_183, %add3A_210 : vector<16xi32>
        tpu.vector_store_idx %arg6[%add3A_211], %get3A_208 {add = true} : memref<80384xf32, #tpu.memory_space<vmem>>[vector<16xi32>], vector<16xf32>,
        %get3A_212 = arith.constant 4 : i32
        %get3A_213 = arith.index_cast %get3A_212 : i32 to index
        %get3A_214 = arith.index_cast %add3A_179 : i32 to index
        %get3A_215 = tpu.vector_load %arg11[%get3A_213, %get3A_214] {strides = array<i32>} : memref<8x640xf32, #tpu.memory_space<vmem>>, vector<16xf32>,
        %add3A_216 = arith.constant 4 : i32
        %add3A_217 = vector.broadcast %add3A_216 : i32 to vector<16xi32>
        %add3A_218 = arith.addi %mul3A_183, %add3A_217 : vector<16xi32>
        tpu.vector_store_idx %arg6[%add3A_218], %get3A_215 {add = true} : memref<80384xf32, #tpu.memory_space<vmem>>[vector<16xi32>], vector<16xf32>,
        %get3A_219 = arith.constant 5 : i32
        %get3A_220 = arith.index_cast %get3A_219 : i32 to index
        %get3A_221 = arith.index_cast %add3A_179 : i32 to index
        %get3A_222 = tpu.vector_load %arg11[%get3A_220, %get3A_221] {strides = array<i32>} : memref<8x640xf32, #tpu.memory_space<vmem>>, vector<16xf32>,
        %add3A_223 = arith.constant 5 : i32
        %add3A_224 = vector.broadcast %add3A_223 : i32 to vector<16xi32>
        %add3A_225 = arith.addi %mul3A_183, %add3A_224 : vector<16xi32>
        tpu.vector_store_idx %arg6[%add3A_225], %get3A_222 {add = true} : memref<80384xf32, #tpu.memory_space<vmem>>[vector<16xi32>], vector<16xf32>,
        %get3A_226 = arith.constant 6 : i32
        %get3A_227 = arith.index_cast %get3A_226 : i32 to index
        %get3A_228 = arith.index_cast %add3A_179 : i32 to index
        %get3A_229 = tpu.vector_load %arg11[%get3A_227, %get3A_228] {strides = array<i32>} : memref<8x640xf32, #tpu.memory_space<vmem>>, vector<16xf32>,
        %add3A_230 = arith.constant 6 : i32
        %add3A_231 = vector.broadcast %add3A_230 : i32 to vector<16xi32>
        %add3A_232 = arith.addi %mul3A_183, %add3A_231 : vector<16xi32>
        tpu.vector_store_idx %arg6[%add3A_232], %get3A_229 {add = true} : memref<80384xf32, #tpu.memory_space<vmem>>[vector<16xi32>], vector<16xf32>,
        %get3A_233 = arith.constant 7 : i32
        %get3A_234 = arith.index_cast %get3A_233 : i32 to index
        %get3A_235 = arith.index_cast %add3A_179 : i32 to index
        %get3A_236 = tpu.vector_load %arg11[%get3A_234, %get3A_235] {strides = array<i32>} : memref<8x640xf32, #tpu.memory_space<vmem>>, vector<16xf32>,
        %add3A_237 = arith.constant 7 : i32
        %add3A_238 = vector.broadcast %add3A_237 : i32 to vector<16xi32>
        %add3A_239 = arith.addi %mul3A_183, %add3A_238 : vector<16xi32>
        tpu.vector_store_idx %arg6[%add3A_239], %get3A_236 {add = true} : memref<80384xf32, #tpu.memory_space<vmem>>[vector<16xi32>], vector<16xf32>,
      }
      %scan3A_174 = arith.constant 40 : i32
    }
    %scan3A_46 = arith.constant 62 : i32
    %mul3A_47 = arith.constant 8 : i32
    %mul3A_48 = arith.muli %add3A, %mul3A_47 : i32
    %dma_wait3A = arith.constant 158720 : i32
    %dma_wait3A_49 = tpu.memref_slice %arg2[%mul3A_48, %dma_wait3A] : memref<256x160000xf32, #tpu.memory_space<hbm>> -> memref<8x640xf32, #tpu.memory_space<hbm>>
    %dma_wait3A_50 = arith.constant 158720 : i32
    %dma_wait3A_51 = tpu.memref_slice %arg2[%mul3A_48, %dma_wait3A_50] : memref<256x160000xf32, #tpu.memory_space<hbm>> -> memref<8x640xf32, #tpu.memory_space<hbm>>
    tpu.wait_dma2 semaphore(%arg17 : memref<!tpu.dma_semaphore, #tpu.memory_space<semaphore_mem>>) src(%dma_wait3A_51 : memref<8x640xf32, #tpu.memory_space<hbm>>) dst(%arg8 : memref<8x640xf32, #tpu.memory_space<vmem>>)
    %dma_wait3A_52 = arith.constant 158720 : i32
    %dma_wait3A_53 = tpu.memref_slice %arg3[%dma_wait3A_52] : memref<160000xi32, #tpu.memory_space<hbm>> -> memref<640xi32, #tpu.memory_space<hbm>>
    %dma_wait3A_54 = arith.constant 158720 : i32
    %dma_wait3A_55 = tpu.memref_slice %arg3[%dma_wait3A_54] : memref<160000xi32, #tpu.memory_space<hbm>> -> memref<640xi32, #tpu.memory_space<hbm>>
    tpu.wait_dma2 semaphore(%arg21 : memref<!tpu.dma_semaphore, #tpu.memory_space<semaphore_mem>>) src(%dma_wait3A_55 : memref<640xi32, #tpu.memory_space<hbm>>) dst(%arg12 : memref<640xi32, #tpu.memory_space<vmem>>)
    %scan3A_56 = arith.constant 0 : i32
    %scan3A_57 = arith.constant 40 : i32
    %scan3A_58 = arith.addi %scan3A_56, %scan3A_57 : i32
    %scan3A_59 = arith.constant 1 : i32
    scf.for %scan3A_82 = %scan3A_56 to %scan3A_58 step %scan3A_59  : i32 {
      %mul3A_83 = arith.constant 16 : i32
      %mul3A_84 = arith.muli %scan3A_82, %mul3A_83 : i32
      %add3A_85 = arith.constant 0 : i32
      %add3A_86 = arith.addi %add3A_85, %mul3A_84 : i32
      %get3A = arith.index_cast %add3A_86 : i32 to index
      %get3A_87 = tpu.vector_load %arg12[%get3A] {strides = array<i32>} : memref<640xi32, #tpu.memory_space<vmem>>, vector<16xi32>,
      %mul3A_88 = arith.constant 8 : i32
      %mul3A_89 = vector.broadcast %mul3A_88 : i32 to vector<16xi32>
      %mul3A_90 = arith.muli %get3A_87, %mul3A_89 : vector<16xi32>
      %get3A_91 = arith.constant 0 : i32
      %get3A_92 = arith.index_cast %get3A_91 : i32 to index
      %get3A_93 = arith.index_cast %add3A_86 : i32 to index
      %get3A_94 = tpu.vector_load %arg8[%get3A_92, %get3A_93] {strides = array<i32>} : memref<8x640xf32, #tpu.memory_space<vmem>>, vector<16xf32>,
      %add3A_95 = arith.constant 0 : i32
      %add3A_96 = vector.broadcast %add3A_95 : i32 to vector<16xi32>
      %add3A_97 = arith.addi %mul3A_90, %add3A_96 : vector<16xi32>
      tpu.vector_store_idx %arg6[%add3A_97], %get3A_94 {add = true} : memref<80384xf32, #tpu.memory_space<vmem>>[vector<16xi32>], vector<16xf32>,
      %get3A_98 = arith.constant 1 : i32
      %get3A_99 = arith.index_cast %get3A_98 : i32 to index
      %get3A_100 = arith.index_cast %add3A_86 : i32 to index
      %get3A_101 = tpu.vector_load %arg8[%get3A_99, %get3A_100] {strides = array<i32>} : memref<8x640xf32, #tpu.memory_space<vmem>>, vector<16xf32>,
      %add3A_102 = arith.constant 1 : i32
      %add3A_103 = vector.broadcast %add3A_102 : i32 to vector<16xi32>
      %add3A_104 = arith.addi %mul3A_90, %add3A_103 : vector<16xi32>
      tpu.vector_store_idx %arg6[%add3A_104], %get3A_101 {add = true} : memref<80384xf32, #tpu.memory_space<vmem>>[vector<16xi32>], vector<16xf32>,
      %get3A_105 = arith.constant 2 : i32
      %get3A_106 = arith.index_cast %get3A_105 : i32 to index
      %get3A_107 = arith.index_cast %add3A_86 : i32 to index
      %get3A_108 = tpu.vector_load %arg8[%get3A_106, %get3A_107] {strides = array<i32>} : memref<8x640xf32, #tpu.memory_space<vmem>>, vector<16xf32>,
      %add3A_109 = arith.constant 2 : i32
      %add3A_110 = vector.broadcast %add3A_109 : i32 to vector<16xi32>
      %add3A_111 = arith.addi %mul3A_90, %add3A_110 : vector<16xi32>
      tpu.vector_store_idx %arg6[%add3A_111], %get3A_108 {add = true} : memref<80384xf32, #tpu.memory_space<vmem>>[vector<16xi32>], vector<16xf32>,
      %get3A_112 = arith.constant 3 : i32
      %get3A_113 = arith.index_cast %get3A_112 : i32 to index
      %get3A_114 = arith.index_cast %add3A_86 : i32 to index
      %get3A_115 = tpu.vector_load %arg8[%get3A_113, %get3A_114] {strides = array<i32>} : memref<8x640xf32, #tpu.memory_space<vmem>>, vector<16xf32>,
      %add3A_116 = arith.constant 3 : i32
      %add3A_117 = vector.broadcast %add3A_116 : i32 to vector<16xi32>
      %add3A_118 = arith.addi %mul3A_90, %add3A_117 : vector<16xi32>
      tpu.vector_store_idx %arg6[%add3A_118], %get3A_115 {add = true} : memref<80384xf32, #tpu.memory_space<vmem>>[vector<16xi32>], vector<16xf32>,
      %get3A_119 = arith.constant 4 : i32
      %get3A_120 = arith.index_cast %get3A_119 : i32 to index
      %get3A_121 = arith.index_cast %add3A_86 : i32 to index
      %get3A_122 = tpu.vector_load %arg8[%get3A_120, %get3A_121] {strides = array<i32>} : memref<8x640xf32, #tpu.memory_space<vmem>>, vector<16xf32>,
      %add3A_123 = arith.constant 4 : i32
      %add3A_124 = vector.broadcast %add3A_123 : i32 to vector<16xi32>
      %add3A_125 = arith.addi %mul3A_90, %add3A_124 : vector<16xi32>
      tpu.vector_store_idx %arg6[%add3A_125], %get3A_122 {add = true} : memref<80384xf32, #tpu.memory_space<vmem>>[vector<16xi32>], vector<16xf32>,
      %get3A_126 = arith.constant 5 : i32
      %get3A_127 = arith.index_cast %get3A_126 : i32 to index
      %get3A_128 = arith.index_cast %add3A_86 : i32 to index
      %get3A_129 = tpu.vector_load %arg8[%get3A_127, %get3A_128] {strides = array<i32>} : memref<8x640xf32, #tpu.memory_space<vmem>>, vector<16xf32>,
      %add3A_130 = arith.constant 5 : i32
      %add3A_131 = vector.broadcast %add3A_130 : i32 to vector<16xi32>
      %add3A_132 = arith.addi %mul3A_90, %add3A_131 : vector<16xi32>
      tpu.vector_store_idx %arg6[%add3A_132], %get3A_129 {add = true} : memref<80384xf32, #tpu.memory_space<vmem>>[vector<16xi32>], vector<16xf32>,
      %get3A_133 = arith.constant 6 : i32
      %get3A_134 = arith.index_cast %get3A_133 : i32 to index
      %get3A_135 = arith.index_cast %add3A_86 : i32 to index
      %get3A_136 = tpu.vector_load %arg8[%get3A_134, %get3A_135] {strides = array<i32>} : memref<8x640xf32, #tpu.memory_space<vmem>>, vector<16xf32>,
      %add3A_137 = arith.constant 6 : i32
      %add3A_138 = vector.broadcast %add3A_137 : i32 to vector<16xi32>
      %add3A_139 = arith.addi %mul3A_90, %add3A_138 : vector<16xi32>
      tpu.vector_store_idx %arg6[%add3A_139], %get3A_136 {add = true} : memref<80384xf32, #tpu.memory_space<vmem>>[vector<16xi32>], vector<16xf32>,
      %get3A_140 = arith.constant 7 : i32
      %get3A_141 = arith.index_cast %get3A_140 : i32 to index
      %get3A_142 = arith.index_cast %add3A_86 : i32 to index
      %get3A_143 = tpu.vector_load %arg8[%get3A_141, %get3A_142] {strides = array<i32>} : memref<8x640xf32, #tpu.memory_space<vmem>>, vector<16xf32>,
      %add3A_144 = arith.constant 7 : i32
      %add3A_145 = vector.broadcast %add3A_144 : i32 to vector<16xi32>
      %add3A_146 = arith.addi %mul3A_90, %add3A_145 : vector<16xi32>
      tpu.vector_store_idx %arg6[%add3A_146], %get3A_143 {add = true} : memref<80384xf32, #tpu.memory_space<vmem>>[vector<16xi32>], vector<16xf32>,
    }
    %scan3A_60 = arith.constant 40 : i32
    %mul3A_61 = arith.constant 8 : i32
    %mul3A_62 = arith.muli %add3A, %mul3A_61 : i32
    %dma_wait3A_63 = arith.constant 159360 : i32
    %dma_wait3A_64 = tpu.memref_slice %arg2[%mul3A_62, %dma_wait3A_63] : memref<256x160000xf32, #tpu.memory_space<hbm>> -> memref<8x640xf32, #tpu.memory_space<hbm>>
    %dma_wait3A_65 = arith.constant 159360 : i32
    %dma_wait3A_66 = tpu.memref_slice %arg2[%mul3A_62, %dma_wait3A_65] : memref<256x160000xf32, #tpu.memory_space<hbm>> -> memref<8x640xf32, #tpu.memory_space<hbm>>
    tpu.wait_dma2 semaphore(%arg18 : memref<!tpu.dma_semaphore, #tpu.memory_space<semaphore_mem>>) src(%dma_wait3A_66 : memref<8x640xf32, #tpu.memory_space<hbm>>) dst(%arg9 : memref<8x640xf32, #tpu.memory_space<vmem>>)
    %dma_wait3A_67 = arith.constant 159360 : i32
    %dma_wait3A_68 = tpu.memref_slice %arg3[%dma_wait3A_67] : memref<160000xi32, #tpu.memory_space<hbm>> -> memref<640xi32, #tpu.memory_space<hbm>>
    %dma_wait3A_69 = arith.constant 159360 : i32
    %dma_wait3A_70 = tpu.memref_slice %arg3[%dma_wait3A_69] : memref<160000xi32, #tpu.memory_space<hbm>> -> memref<640xi32, #tpu.memory_space<hbm>>
    tpu.wait_dma2 semaphore(%arg22 : memref<!tpu.dma_semaphore, #tpu.memory_space<semaphore_mem>>) src(%dma_wait3A_70 : memref<640xi32, #tpu.memory_space<hbm>>) dst(%arg13 : memref<640xi32, #tpu.memory_space<vmem>>)
    %scan3A_71 = arith.constant 0 : i32
    %scan3A_72 = arith.constant 40 : i32
    %scan3A_73 = arith.addi %scan3A_71, %scan3A_72 : i32
    %scan3A_74 = arith.constant 1 : i32
    scf.for %scan3A_82 = %scan3A_71 to %scan3A_73 step %scan3A_74  : i32 {
      %mul3A_83 = arith.constant 16 : i32
      %mul3A_84 = arith.muli %scan3A_82, %mul3A_83 : i32
      %add3A_85 = arith.constant 0 : i32
      %add3A_86 = arith.addi %add3A_85, %mul3A_84 : i32
      %get3A = arith.index_cast %add3A_86 : i32 to index
      %get3A_87 = tpu.vector_load %arg13[%get3A] {strides = array<i32>} : memref<640xi32, #tpu.memory_space<vmem>>, vector<16xi32>,
      %mul3A_88 = arith.constant 8 : i32
      %mul3A_89 = vector.broadcast %mul3A_88 : i32 to vector<16xi32>
      %mul3A_90 = arith.muli %get3A_87, %mul3A_89 : vector<16xi32>
      %get3A_91 = arith.constant 0 : i32
      %get3A_92 = arith.index_cast %get3A_91 : i32 to index
      %get3A_93 = arith.index_cast %add3A_86 : i32 to index
      %get3A_94 = tpu.vector_load %arg9[%get3A_92, %get3A_93] {strides = array<i32>} : memref<8x640xf32, #tpu.memory_space<vmem>>, vector<16xf32>,
      %add3A_95 = arith.constant 0 : i32
      %add3A_96 = vector.broadcast %add3A_95 : i32 to vector<16xi32>
      %add3A_97 = arith.addi %mul3A_90, %add3A_96 : vector<16xi32>
      tpu.vector_store_idx %arg6[%add3A_97], %get3A_94 {add = true} : memref<80384xf32, #tpu.memory_space<vmem>>[vector<16xi32>], vector<16xf32>,
      %get3A_98 = arith.constant 1 : i32
      %get3A_99 = arith.index_cast %get3A_98 : i32 to index
      %get3A_100 = arith.index_cast %add3A_86 : i32 to index
      %get3A_101 = tpu.vector_load %arg9[%get3A_99, %get3A_100] {strides = array<i32>} : memref<8x640xf32, #tpu.memory_space<vmem>>, vector<16xf32>,
      %add3A_102 = arith.constant 1 : i32
      %add3A_103 = vector.broadcast %add3A_102 : i32 to vector<16xi32>
      %add3A_104 = arith.addi %mul3A_90, %add3A_103 : vector<16xi32>
      tpu.vector_store_idx %arg6[%add3A_104], %get3A_101 {add = true} : memref<80384xf32, #tpu.memory_space<vmem>>[vector<16xi32>], vector<16xf32>,
      %get3A_105 = arith.constant 2 : i32
      %get3A_106 = arith.index_cast %get3A_105 : i32 to index
      %get3A_107 = arith.index_cast %add3A_86 : i32 to index
      %get3A_108 = tpu.vector_load %arg9[%get3A_106, %get3A_107] {strides = array<i32>} : memref<8x640xf32, #tpu.memory_space<vmem>>, vector<16xf32>,
      %add3A_109 = arith.constant 2 : i32
      %add3A_110 = vector.broadcast %add3A_109 : i32 to vector<16xi32>
      %add3A_111 = arith.addi %mul3A_90, %add3A_110 : vector<16xi32>
      tpu.vector_store_idx %arg6[%add3A_111], %get3A_108 {add = true} : memref<80384xf32, #tpu.memory_space<vmem>>[vector<16xi32>], vector<16xf32>,
      %get3A_112 = arith.constant 3 : i32
      %get3A_113 = arith.index_cast %get3A_112 : i32 to index
      %get3A_114 = arith.index_cast %add3A_86 : i32 to index
      %get3A_115 = tpu.vector_load %arg9[%get3A_113, %get3A_114] {strides = array<i32>} : memref<8x640xf32, #tpu.memory_space<vmem>>, vector<16xf32>,
      %add3A_116 = arith.constant 3 : i32
      %add3A_117 = vector.broadcast %add3A_116 : i32 to vector<16xi32>
      %add3A_118 = arith.addi %mul3A_90, %add3A_117 : vector<16xi32>
      tpu.vector_store_idx %arg6[%add3A_118], %get3A_115 {add = true} : memref<80384xf32, #tpu.memory_space<vmem>>[vector<16xi32>], vector<16xf32>,
      %get3A_119 = arith.constant 4 : i32
      %get3A_120 = arith.index_cast %get3A_119 : i32 to index
      %get3A_121 = arith.index_cast %add3A_86 : i32 to index
      %get3A_122 = tpu.vector_load %arg9[%get3A_120, %get3A_121] {strides = array<i32>} : memref<8x640xf32, #tpu.memory_space<vmem>>, vector<16xf32>,
      %add3A_123 = arith.constant 4 : i32
      %add3A_124 = vector.broadcast %add3A_123 : i32 to vector<16xi32>
      %add3A_125 = arith.addi %mul3A_90, %add3A_124 : vector<16xi32>
      tpu.vector_store_idx %arg6[%add3A_125], %get3A_122 {add = true} : memref<80384xf32, #tpu.memory_space<vmem>>[vector<16xi32>], vector<16xf32>,
      %get3A_126 = arith.constant 5 : i32
      %get3A_127 = arith.index_cast %get3A_126 : i32 to index
      %get3A_128 = arith.index_cast %add3A_86 : i32 to index
      %get3A_129 = tpu.vector_load %arg9[%get3A_127, %get3A_128] {strides = array<i32>} : memref<8x640xf32, #tpu.memory_space<vmem>>, vector<16xf32>,
      %add3A_130 = arith.constant 5 : i32
      %add3A_131 = vector.broadcast %add3A_130 : i32 to vector<16xi32>
      %add3A_132 = arith.addi %mul3A_90, %add3A_131 : vector<16xi32>
      tpu.vector_store_idx %arg6[%add3A_132], %get3A_129 {add = true} : memref<80384xf32, #tpu.memory_space<vmem>>[vector<16xi32>], vector<16xf32>,
      %get3A_133 = arith.constant 6 : i32
      %get3A_134 = arith.index_cast %get3A_133 : i32 to index
      %get3A_135 = arith.index_cast %add3A_86 : i32 to index
      %get3A_136 = tpu.vector_load %arg9[%get3A_134, %get3A_135] {strides = array<i32>} : memref<8x640xf32, #tpu.memory_space<vmem>>, vector<16xf32>,
      %add3A_137 = arith.constant 6 : i32
      %add3A_138 = vector.broadcast %add3A_137 : i32 to vector<16xi32>
      %add3A_139 = arith.addi %mul3A_90, %add3A_138 : vector<16xi32>
      tpu.vector_store_idx %arg6[%add3A_139], %get3A_136 {add = true} : memref<80384xf32, #tpu.memory_space<vmem>>[vector<16xi32>], vector<16xf32>,
      %get3A_140 = arith.constant 7 : i32
      %get3A_141 = arith.index_cast %get3A_140 : i32 to index
      %get3A_142 = arith.index_cast %add3A_86 : i32 to index
      %get3A_143 = tpu.vector_load %arg9[%get3A_141, %get3A_142] {strides = array<i32>} : memref<8x640xf32, #tpu.memory_space<vmem>>, vector<16xf32>,
      %add3A_144 = arith.constant 7 : i32
      %add3A_145 = vector.broadcast %add3A_144 : i32 to vector<16xi32>
      %add3A_146 = arith.addi %mul3A_90, %add3A_145 : vector<16xi32>
      tpu.vector_store_idx %arg6[%add3A_146], %get3A_143 {add = true} : memref<80384xf32, #tpu.memory_space<vmem>>[vector<16xi32>], vector<16xf32>,
    }
    %scan3A_75 = arith.constant 40 : i32
    %lt3A = arith.constant 16 : i32
    %lt3A_76 = arith.cmpi slt, %add3A, %lt3A : i32
    %convert_element_type3A = arith.extui %lt3A_76 : i1 to i32
    %cond3A = arith.constant 0 : i32
    %cond3A_77 = arith.cmpi ne, %convert_element_type3A, %cond3A : i32
    scf.if %cond3A_77 {
      %mul3A_82 = arith.constant 10000 : i32
      %mul3A_83 = arith.muli %add3A, %mul3A_82 : i32
      "tpu.region"() ({
        %run_scoped3A = tpu.sem_alloc : memref<!tpu.dma_semaphore, #tpu.memory_space<semaphore_mem>>
        %dma_start3A_89 = tpu.memref_slice %arg3[%mul3A_83] : memref<160000xi32, #tpu.memory_space<hbm>> -> memref<10000xi32, #tpu.memory_space<hbm>>
        %dma_start3A_90 = tpu.memref_slice %arg3[%mul3A_83] : memref<160000xi32, #tpu.memory_space<hbm>> -> memref<10000xi32, #tpu.memory_space<hbm>>
        tpu.enqueue_dma source(%dma_start3A_90 : memref<10000xi32, #tpu.memory_space<hbm>>) target(%arg16 : memref<10000xi32, #tpu.memory_space<vmem>>) target_semaphore(%run_scoped3A : memref<!tpu.dma_semaphore, #tpu.memory_space<semaphore_mem>>)
        %dma_wait3A_91 = tpu.memref_slice %arg3[%mul3A_83] : memref<160000xi32, #tpu.memory_space<hbm>> -> memref<10000xi32, #tpu.memory_space<hbm>>
        %dma_wait3A_92 = tpu.memref_slice %arg3[%mul3A_83] : memref<160000xi32, #tpu.memory_space<hbm>> -> memref<10000xi32, #tpu.memory_space<hbm>>
        tpu.wait_dma2 semaphore(%run_scoped3A : memref<!tpu.dma_semaphore, #tpu.memory_space<semaphore_mem>>) src(%dma_wait3A_92 : memref<10000xi32, #tpu.memory_space<hbm>>) dst(%arg16 : memref<10000xi32, #tpu.memory_space<vmem>>)
        tpu.yield
      }) : () -> ()
      %scan3A_84 = arith.constant 0 : i32
      %scan3A_85 = arith.constant 625 : i32
      %scan3A_86 = arith.addi %scan3A_84, %scan3A_85 : i32
      %scan3A_87 = arith.constant 1 : i32
      scf.for %scan3A_89 = %scan3A_84 to %scan3A_86 step %scan3A_87  : i32 {
        %mul3A_90 = arith.constant 16 : i32
        %mul3A_91 = arith.muli %scan3A_89, %mul3A_90 : i32
        %add3A_92 = arith.constant 0 : i32
        %add3A_93 = arith.addi %add3A_92, %mul3A_91 : i32
        %get3A = arith.index_cast %add3A_93 : i32 to index
        %get3A_94 = tpu.vector_load %arg16[%get3A] {strides = array<i32>} : memref<10000xi32, #tpu.memory_space<vmem>>, vector<16xi32>,
        tpu.vector_store_idx %arg7[%get3A_94], %broadcast_in_dim3A_3 {add = true} : memref<10000xf32, #tpu.memory_space<vmem>>[vector<16xi32>], vector<16xf32>,
      }
      %scan3A_88 = arith.constant 625 : i32
    } else {
    }
    %mul3A_78 = arith.constant 80384 : i32
    %mul3A_79 = arith.muli %add3A, %mul3A_78 : i32
    "tpu.region"() ({
      %run_scoped3A = tpu.sem_alloc : memref<!tpu.dma_semaphore, #tpu.memory_space<semaphore_mem>>
      %dma_start3A_82 = tpu.memref_slice %arg4[%mul3A_79] : memref<2572288xf32, #tpu.memory_space<hbm>> -> memref<80384xf32, #tpu.memory_space<hbm>>
      %dma_start3A_83 = tpu.memref_slice %arg4[%mul3A_79] : memref<2572288xf32, #tpu.memory_space<hbm>> -> memref<80384xf32, #tpu.memory_space<hbm>>
      tpu.enqueue_dma source(%arg6 : memref<80384xf32, #tpu.memory_space<vmem>>) target(%dma_start3A_83 : memref<80384xf32, #tpu.memory_space<hbm>>) target_semaphore(%run_scoped3A : memref<!tpu.dma_semaphore, #tpu.memory_space<semaphore_mem>>)
      %dma_wait3A_84 = tpu.memref_slice %arg4[%mul3A_79] : memref<2572288xf32, #tpu.memory_space<hbm>> -> memref<80384xf32, #tpu.memory_space<hbm>>
      %dma_wait3A_85 = tpu.memref_slice %arg4[%mul3A_79] : memref<2572288xf32, #tpu.memory_space<hbm>> -> memref<80384xf32, #tpu.memory_space<hbm>>
      tpu.wait_dma2 semaphore(%run_scoped3A : memref<!tpu.dma_semaphore, #tpu.memory_space<semaphore_mem>>) src(%arg6 : memref<80384xf32, #tpu.memory_space<vmem>>) dst(%dma_wait3A_85 : memref<80384xf32, #tpu.memory_space<hbm>>)
      tpu.yield
    }) : () -> ()
    %mul3A_80 = arith.constant 10000 : i32
    %mul3A_81 = arith.muli %add3A, %mul3A_80 : i32
    "tpu.region"() ({
      %run_scoped3A = tpu.sem_alloc : memref<!tpu.dma_semaphore, #tpu.memory_space<semaphore_mem>>
      %dma_start3A_82 = tpu.memref_slice %arg5[%mul3A_81] : memref<320000xf32, #tpu.memory_space<hbm>> -> memref<10000xf32, #tpu.memory_space<hbm>>
      %dma_start3A_83 = tpu.memref_slice %arg5[%mul3A_81] : memref<320000xf32, #tpu.memory_space<hbm>> -> memref<10000xf32, #tpu.memory_space<hbm>>
      tpu.enqueue_dma source(%arg7 : memref<10000xf32, #tpu.memory_space<vmem>>) target(%dma_start3A_83 : memref<10000xf32, #tpu.memory_space<hbm>>) target_semaphore(%run_scoped3A : memref<!tpu.dma_semaphore, #tpu.memory_space<semaphore_mem>>)
      %dma_wait3A_84 = tpu.memref_slice %arg5[%mul3A_81] : memref<320000xf32, #tpu.memory_space<hbm>> -> memref<10000xf32, #tpu.memory_space<hbm>>
      %dma_wait3A_85 = tpu.memref_slice %arg5[%mul3A_81] : memref<320000xf32, #tpu.memory_space<hbm>> -> memref<10000xf32, #tpu.memory_space<hbm>>
      tpu.wait_dma2 semaphore(%run_scoped3A : memref<!tpu.dma_semaphore, #tpu.memory_space<semaphore_mem>>) src(%arg7 : memref<10000xf32, #tpu.memory_space<vmem>>) dst(%dma_wait3A_85 : memref<10000xf32, #tpu.memory_space<hbm>>)
      tpu.yield
    }) : () -> ()
    return
  }
}

#map = affine_map<(d0, d1) -> (0, 0)>
#map1 = affine_map<(d0, d1) -> (0)>
module attributes {stable_mosaic.version = 14 : i64} {
  func.func @gather_kernel(%arg0: i32, %arg1: i32, %arg2: memref<10000x512xf32, #tpu.memory_space<hbm>>, %arg3: memref<10000x512xf32, #tpu.memory_space<hbm>>, %arg4: memref<160000xi32, #tpu.memory_space<hbm>>, %arg5: memref<160000xi32, #tpu.memory_space<hbm>>, %arg6: memref<160000x512xf32, #tpu.memory_space<hbm>>, %arg7: memref<160000x512xf32, #tpu.memory_space<hbm>>, %arg8: memref<2x40xi32, #tpu.memory_space<vmem>>, %arg9: memref<2x40xi32, #tpu.memory_space<vmem>>, %arg10: memref<2x40x512xf32, #tpu.memory_space<vmem>>, %arg11: memref<2x40x512xf32, #tpu.memory_space<vmem>>, %arg12: memref<!tpu.dma_semaphore, #tpu.memory_space<semaphore_mem>>, %arg13: memref<!tpu.dma_semaphore, #tpu.memory_space<semaphore_mem>>, %arg14: memref<!tpu.dma_semaphore, #tpu.memory_space<semaphore_mem>>, %arg15: memref<!tpu.dma_semaphore, #tpu.memory_space<semaphore_mem>>) attributes {dimension_semantics = [#tpu.dimension_semantics<core_parallel>, #tpu.dimension_semantics<subcore_parallel>], iteration_bounds = array<i64: 2, 16>, scalar_prefetch = 0 : i64, scratch_operands = 8 : i64, tpu.core_type = #tpu.core_type<sc_vector_subcore>, window_params = [{transform_indices = #map}, {transform_indices = #map}, {transform_indices = #map1}, {transform_indices = #map1}, {transform_indices = #map}, {transform_indices = #map}]} {
    %mul3A = arith.constant 2 : i32
    %mul3A_0 = arith.muli %arg1, %mul3A : i32
    %add3A = arith.addi %mul3A_0, %arg0 : i32
    %mul3A_1 = arith.constant 5000 : i32
    %mul3A_2 = arith.muli %add3A, %mul3A_1 : i32
    %add3A_3 = arith.constant 0 : i32
    %add3A_4 = arith.addi %mul3A_2, %add3A_3 : i32
    %run_scoped3A = arith.constant 0 : i32
    "tpu.region"() ({
      %run_scoped3A_68 = tpu.sem_alloc : memref<!tpu.dma_semaphore, #tpu.memory_space<semaphore_mem>>
      %dma_start3A_69 = arith.constant 0 : i32
      %dma_start3A_70 = tpu.memref_slice %arg8[%run_scoped3A, %dma_start3A_69] : memref<2x40xi32, #tpu.memory_space<vmem>> -> memref<1x40xi32, #tpu.memory_space<vmem>>
      %dma_start3A_71 = tpu.memref_squeeze %dma_start3A_70 : memref<1x40xi32, #tpu.memory_space<vmem>> -> memref<40xi32, #tpu.memory_space<vmem>>
      %dma_start3A_72 = tpu.memref_slice %arg4[%add3A_4] : memref<160000xi32, #tpu.memory_space<hbm>> -> memref<40xi32, #tpu.memory_space<hbm>>
      %dma_start3A_73 = arith.constant 0 : i32
      %dma_start3A_74 = tpu.memref_slice %arg8[%run_scoped3A, %dma_start3A_73] : memref<2x40xi32, #tpu.memory_space<vmem>> -> memref<1x40xi32, #tpu.memory_space<vmem>>
      %dma_start3A_75 = tpu.memref_squeeze %dma_start3A_74 : memref<1x40xi32, #tpu.memory_space<vmem>> -> memref<40xi32, #tpu.memory_space<vmem>>
      %dma_start3A_76 = tpu.memref_slice %arg4[%add3A_4] : memref<160000xi32, #tpu.memory_space<hbm>> -> memref<40xi32, #tpu.memory_space<hbm>>
      tpu.enqueue_dma source(%dma_start3A_76 : memref<40xi32, #tpu.memory_space<hbm>>) target(%dma_start3A_75 : memref<40xi32, #tpu.memory_space<vmem>>) target_semaphore(%run_scoped3A_68 : memref<!tpu.dma_semaphore, #tpu.memory_space<semaphore_mem>>)
      %dma_wait3A_77 = arith.constant 0 : i32
      %dma_wait3A_78 = tpu.memref_slice %arg8[%run_scoped3A, %dma_wait3A_77] : memref<2x40xi32, #tpu.memory_space<vmem>> -> memref<1x40xi32, #tpu.memory_space<vmem>>
      %dma_wait3A_79 = tpu.memref_squeeze %dma_wait3A_78 : memref<1x40xi32, #tpu.memory_space<vmem>> -> memref<40xi32, #tpu.memory_space<vmem>>
      %dma_wait3A_80 = tpu.memref_slice %arg4[%add3A_4] : memref<160000xi32, #tpu.memory_space<hbm>> -> memref<40xi32, #tpu.memory_space<hbm>>
      %dma_wait3A_81 = arith.constant 0 : i32
      %dma_wait3A_82 = tpu.memref_slice %arg8[%run_scoped3A, %dma_wait3A_81] : memref<2x40xi32, #tpu.memory_space<vmem>> -> memref<1x40xi32, #tpu.memory_space<vmem>>
      %dma_wait3A_83 = tpu.memref_squeeze %dma_wait3A_82 : memref<1x40xi32, #tpu.memory_space<vmem>> -> memref<40xi32, #tpu.memory_space<vmem>>
      %dma_wait3A_84 = tpu.memref_slice %arg4[%add3A_4] : memref<160000xi32, #tpu.memory_space<hbm>> -> memref<40xi32, #tpu.memory_space<hbm>>
      tpu.wait_dma2 semaphore(%run_scoped3A_68 : memref<!tpu.dma_semaphore, #tpu.memory_space<semaphore_mem>>) src(%dma_wait3A_84 : memref<40xi32, #tpu.memory_space<hbm>>) dst(%dma_wait3A_83 : memref<40xi32, #tpu.memory_space<vmem>>)
      tpu.yield
    }) : () -> ()
    %run_scoped3A_5 = arith.constant 0 : i32
    "tpu.region"() ({
      %run_scoped3A_68 = tpu.sem_alloc : memref<!tpu.dma_semaphore, #tpu.memory_space<semaphore_mem>>
      %dma_start3A_69 = arith.constant 0 : i32
      %dma_start3A_70 = tpu.memref_slice %arg9[%run_scoped3A_5, %dma_start3A_69] : memref<2x40xi32, #tpu.memory_space<vmem>> -> memref<1x40xi32, #tpu.memory_space<vmem>>
      %dma_start3A_71 = tpu.memref_squeeze %dma_start3A_70 : memref<1x40xi32, #tpu.memory_space<vmem>> -> memref<40xi32, #tpu.memory_space<vmem>>
      %dma_start3A_72 = tpu.memref_slice %arg5[%add3A_4] : memref<160000xi32, #tpu.memory_space<hbm>> -> memref<40xi32, #tpu.memory_space<hbm>>
      %dma_start3A_73 = arith.constant 0 : i32
      %dma_start3A_74 = tpu.memref_slice %arg9[%run_scoped3A_5, %dma_start3A_73] : memref<2x40xi32, #tpu.memory_space<vmem>> -> memref<1x40xi32, #tpu.memory_space<vmem>>
      %dma_start3A_75 = tpu.memref_squeeze %dma_start3A_74 : memref<1x40xi32, #tpu.memory_space<vmem>> -> memref<40xi32, #tpu.memory_space<vmem>>
      %dma_start3A_76 = tpu.memref_slice %arg5[%add3A_4] : memref<160000xi32, #tpu.memory_space<hbm>> -> memref<40xi32, #tpu.memory_space<hbm>>
      tpu.enqueue_dma source(%dma_start3A_76 : memref<40xi32, #tpu.memory_space<hbm>>) target(%dma_start3A_75 : memref<40xi32, #tpu.memory_space<vmem>>) target_semaphore(%run_scoped3A_68 : memref<!tpu.dma_semaphore, #tpu.memory_space<semaphore_mem>>)
      %dma_wait3A_77 = arith.constant 0 : i32
      %dma_wait3A_78 = tpu.memref_slice %arg9[%run_scoped3A_5, %dma_wait3A_77] : memref<2x40xi32, #tpu.memory_space<vmem>> -> memref<1x40xi32, #tpu.memory_space<vmem>>
      %dma_wait3A_79 = tpu.memref_squeeze %dma_wait3A_78 : memref<1x40xi32, #tpu.memory_space<vmem>> -> memref<40xi32, #tpu.memory_space<vmem>>
      %dma_wait3A_80 = tpu.memref_slice %arg5[%add3A_4] : memref<160000xi32, #tpu.memory_space<hbm>> -> memref<40xi32, #tpu.memory_space<hbm>>
      %dma_wait3A_81 = arith.constant 0 : i32
      %dma_wait3A_82 = tpu.memref_slice %arg9[%run_scoped3A_5, %dma_wait3A_81] : memref<2x40xi32, #tpu.memory_space<vmem>> -> memref<1x40xi32, #tpu.memory_space<vmem>>
      %dma_wait3A_83 = tpu.memref_squeeze %dma_wait3A_82 : memref<1x40xi32, #tpu.memory_space<vmem>> -> memref<40xi32, #tpu.memory_space<vmem>>
      %dma_wait3A_84 = tpu.memref_slice %arg5[%add3A_4] : memref<160000xi32, #tpu.memory_space<hbm>> -> memref<40xi32, #tpu.memory_space<hbm>>
      tpu.wait_dma2 semaphore(%run_scoped3A_68 : memref<!tpu.dma_semaphore, #tpu.memory_space<semaphore_mem>>) src(%dma_wait3A_84 : memref<40xi32, #tpu.memory_space<hbm>>) dst(%dma_wait3A_83 : memref<40xi32, #tpu.memory_space<vmem>>)
      tpu.yield
    }) : () -> ()
    %dma_start3A = arith.constant 0 : i32
    %dma_start3A_6 = arith.constant 0 : i32
    %dma_start3A_7 = arith.constant 0 : i32
    %dma_start3A_8 = arith.constant 0 : i32
    %dma_start3A_9 = tpu.memref_slice %arg10[%dma_start3A_6, %dma_start3A_7, %dma_start3A_8] : memref<2x40x512xf32, #tpu.memory_space<vmem>> -> memref<1x40x512xf32, #tpu.memory_space<vmem>>
    %dma_start3A_10 = tpu.memref_squeeze %dma_start3A_9 : memref<1x40x512xf32, #tpu.memory_space<vmem>> -> memref<40x512xf32, #tpu.memory_space<vmem>>
    %dma_start3A_11 = arith.constant 0 : i32
    %dma_start3A_12 = tpu.memref_slice %arg8[%dma_start3A, %dma_start3A_11] : memref<2x40xi32, #tpu.memory_space<vmem>> -> memref<1x40xi32, #tpu.memory_space<vmem>>
    %dma_start3A_13 = tpu.memref_squeeze %dma_start3A_12 : memref<1x40xi32, #tpu.memory_space<vmem>> -> memref<40xi32, #tpu.memory_space<vmem>>
    %dma_start3A_14 = arith.constant 0 : i32
    %dma_start3A_15 = arith.constant 0 : i32
    %dma_start3A_16 = tpu.memref_slice %arg2[%dma_start3A_14, %dma_start3A_15] : memref<10000x512xf32, #tpu.memory_space<hbm>> -> memref<10000x512xf32, #tpu.memory_space<hbm>>
    tpu.enqueue_indirect_dma source(%dma_start3A_16 : memref<10000x512xf32, #tpu.memory_space<hbm>>) target(%dma_start3A_10 : memref<40x512xf32, #tpu.memory_space<vmem>>) offsets(%dma_start3A_13 : memref<40xi32, #tpu.memory_space<vmem>>) semaphore(%arg12 : memref<!tpu.dma_semaphore, #tpu.memory_space<semaphore_mem>>)
    %dma_start3A_17 = arith.constant 0 : i32
    %dma_start3A_18 = arith.constant 0 : i32
    %dma_start3A_19 = arith.constant 0 : i32
    %dma_start3A_20 = arith.constant 0 : i32
    %dma_start3A_21 = tpu.memref_slice %arg11[%dma_start3A_18, %dma_start3A_19, %dma_start3A_20] : memref<2x40x512xf32, #tpu.memory_space<vmem>> -> memref<1x40x512xf32, #tpu.memory_space<vmem>>
    %dma_start3A_22 = tpu.memref_squeeze %dma_start3A_21 : memref<1x40x512xf32, #tpu.memory_space<vmem>> -> memref<40x512xf32, #tpu.memory_space<vmem>>
    %dma_start3A_23 = arith.constant 0 : i32
    %dma_start3A_24 = tpu.memref_slice %arg9[%dma_start3A_17, %dma_start3A_23] : memref<2x40xi32, #tpu.memory_space<vmem>> -> memref<1x40xi32, #tpu.memory_space<vmem>>
    %dma_start3A_25 = tpu.memref_squeeze %dma_start3A_24 : memref<1x40xi32, #tpu.memory_space<vmem>> -> memref<40xi32, #tpu.memory_space<vmem>>
    %dma_start3A_26 = arith.constant 0 : i32
    %dma_start3A_27 = arith.constant 0 : i32
    %dma_start3A_28 = tpu.memref_slice %arg3[%dma_start3A_26, %dma_start3A_27] : memref<10000x512xf32, #tpu.memory_space<hbm>> -> memref<10000x512xf32, #tpu.memory_space<hbm>>
    tpu.enqueue_indirect_dma source(%dma_start3A_28 : memref<10000x512xf32, #tpu.memory_space<hbm>>) target(%dma_start3A_22 : memref<40x512xf32, #tpu.memory_space<vmem>>) offsets(%dma_start3A_25 : memref<40xi32, #tpu.memory_space<vmem>>) semaphore(%arg14 : memref<!tpu.dma_semaphore, #tpu.memory_space<semaphore_mem>>)
    %scan3A = arith.constant 1 : i32
    %scan3A_29 = arith.constant 1 : i32
    %scan3A_30 = arith.constant 1 : i32
    %scan3A_31 = arith.constant 1 : i32
    %scan3A_32 = arith.constant 0 : i32
    %scan3A_33 = arith.constant 0 : i32
    %scan3A_34 = arith.constant 0 : i32
    %scan3A_35 = arith.constant 0 : i32
    %scan3A_36 = arith.constant 0 : i32
    %scan3A_37 = arith.constant 62 : i32
    %scan3A_38 = arith.addi %scan3A_36, %scan3A_37 : i32
    %scan3A_39 = arith.constant 1 : i32
    scf.for %scan3A_68 = %scan3A_36 to %scan3A_38 step %scan3A_39  : i32 {
      %mul3A_69 = arith.constant 2 : i32
      %mul3A_70 = arith.muli %scan3A_68, %mul3A_69 : i32
      %add3A_71 = arith.constant 0 : i32
      %add3A_72 = arith.addi %add3A_71, %mul3A_70 : i32
      %add3A_73 = arith.constant 0 : i32
      %add3A_74 = arith.addi %add3A_72, %add3A_73 : i32
      %add3A_75 = arith.constant 1 : i32
      %add3A_76 = arith.addi %add3A_74, %add3A_75 : i32
      %lt3A = arith.constant 125 : i32
      %lt3A_77 = arith.cmpi slt, %add3A_76, %lt3A : i32
      %convert_element_type3A = arith.extui %lt3A_77 : i1 to i32
      %cond3A = arith.constant 0 : i32
      %cond3A_78 = arith.cmpi ne, %convert_element_type3A, %cond3A : i32
      scf.if %cond3A_78 {
        %add3A_134 = arith.constant 1 : i32
        %add3A_135 = arith.addi %add3A_74, %add3A_134 : i32
        %mul3A_136 = arith.constant 40 : i32
        %mul3A_137 = arith.muli %add3A_135, %mul3A_136 : i32
        %add3A_138 = arith.addi %mul3A_2, %mul3A_137 : i32
        "tpu.region"() ({
          %run_scoped3A_159 = tpu.sem_alloc : memref<!tpu.dma_semaphore, #tpu.memory_space<semaphore_mem>>
          %dma_start3A_160 = arith.constant 0 : i32
          %dma_start3A_161 = tpu.memref_slice %arg8[%scan3A, %dma_start3A_160] : memref<2x40xi32, #tpu.memory_space<vmem>> -> memref<1x40xi32, #tpu.memory_space<vmem>>
          %dma_start3A_162 = tpu.memref_squeeze %dma_start3A_161 : memref<1x40xi32, #tpu.memory_space<vmem>> -> memref<40xi32, #tpu.memory_space<vmem>>
          %dma_start3A_163 = tpu.memref_slice %arg4[%add3A_138] : memref<160000xi32, #tpu.memory_space<hbm>> -> memref<40xi32, #tpu.memory_space<hbm>>
          %dma_start3A_164 = arith.constant 0 : i32
          %dma_start3A_165 = tpu.memref_slice %arg8[%scan3A, %dma_start3A_164] : memref<2x40xi32, #tpu.memory_space<vmem>> -> memref<1x40xi32, #tpu.memory_space<vmem>>
          %dma_start3A_166 = tpu.memref_squeeze %dma_start3A_165 : memref<1x40xi32, #tpu.memory_space<vmem>> -> memref<40xi32, #tpu.memory_space<vmem>>
          %dma_start3A_167 = tpu.memref_slice %arg4[%add3A_138] : memref<160000xi32, #tpu.memory_space<hbm>> -> memref<40xi32, #tpu.memory_space<hbm>>
          tpu.enqueue_dma source(%dma_start3A_167 : memref<40xi32, #tpu.memory_space<hbm>>) target(%dma_start3A_166 : memref<40xi32, #tpu.memory_space<vmem>>) target_semaphore(%run_scoped3A_159 : memref<!tpu.dma_semaphore, #tpu.memory_space<semaphore_mem>>)
          %dma_wait3A_168 = arith.constant 0 : i32
          %dma_wait3A_169 = tpu.memref_slice %arg8[%scan3A, %dma_wait3A_168] : memref<2x40xi32, #tpu.memory_space<vmem>> -> memref<1x40xi32, #tpu.memory_space<vmem>>
          %dma_wait3A_170 = tpu.memref_squeeze %dma_wait3A_169 : memref<1x40xi32, #tpu.memory_space<vmem>> -> memref<40xi32, #tpu.memory_space<vmem>>
          %dma_wait3A_171 = tpu.memref_slice %arg4[%add3A_138] : memref<160000xi32, #tpu.memory_space<hbm>> -> memref<40xi32, #tpu.memory_space<hbm>>
          %dma_wait3A_172 = arith.constant 0 : i32
          %dma_wait3A_173 = tpu.memref_slice %arg8[%scan3A, %dma_wait3A_172] : memref<2x40xi32, #tpu.memory_space<vmem>> -> memref<1x40xi32, #tpu.memory_space<vmem>>
          %dma_wait3A_174 = tpu.memref_squeeze %dma_wait3A_173 : memref<1x40xi32, #tpu.memory_space<vmem>> -> memref<40xi32, #tpu.memory_space<vmem>>
          %dma_wait3A_175 = tpu.memref_slice %arg4[%add3A_138] : memref<160000xi32, #tpu.memory_space<hbm>> -> memref<40xi32, #tpu.memory_space<hbm>>
          tpu.wait_dma2 semaphore(%run_scoped3A_159 : memref<!tpu.dma_semaphore, #tpu.memory_space<semaphore_mem>>) src(%dma_wait3A_175 : memref<40xi32, #tpu.memory_space<hbm>>) dst(%dma_wait3A_174 : memref<40xi32, #tpu.memory_space<vmem>>)
          tpu.yield
        }) : () -> ()
        "tpu.region"() ({
          %run_scoped3A_159 = tpu.sem_alloc : memref<!tpu.dma_semaphore, #tpu.memory_space<semaphore_mem>>
          %dma_start3A_160 = arith.constant 0 : i32
          %dma_start3A_161 = tpu.memref_slice %arg9[%scan3A_29, %dma_start3A_160] : memref<2x40xi32, #tpu.memory_space<vmem>> -> memref<1x40xi32, #tpu.memory_space<vmem>>
          %dma_start3A_162 = tpu.memref_squeeze %dma_start3A_161 : memref<1x40xi32, #tpu.memory_space<vmem>> -> memref<40xi32, #tpu.memory_space<vmem>>
          %dma_start3A_163 = tpu.memref_slice %arg5[%add3A_138] : memref<160000xi32, #tpu.memory_space<hbm>> -> memref<40xi32, #tpu.memory_space<hbm>>
          %dma_start3A_164 = arith.constant 0 : i32
          %dma_start3A_165 = tpu.memref_slice %arg9[%scan3A_29, %dma_start3A_164] : memref<2x40xi32, #tpu.memory_space<vmem>> -> memref<1x40xi32, #tpu.memory_space<vmem>>
          %dma_start3A_166 = tpu.memref_squeeze %dma_start3A_165 : memref<1x40xi32, #tpu.memory_space<vmem>> -> memref<40xi32, #tpu.memory_space<vmem>>
          %dma_start3A_167 = tpu.memref_slice %arg5[%add3A_138] : memref<160000xi32, #tpu.memory_space<hbm>> -> memref<40xi32, #tpu.memory_space<hbm>>
          tpu.enqueue_dma source(%dma_start3A_167 : memref<40xi32, #tpu.memory_space<hbm>>) target(%dma_start3A_166 : memref<40xi32, #tpu.memory_space<vmem>>) target_semaphore(%run_scoped3A_159 : memref<!tpu.dma_semaphore, #tpu.memory_space<semaphore_mem>>)
          %dma_wait3A_168 = arith.constant 0 : i32
          %dma_wait3A_169 = tpu.memref_slice %arg9[%scan3A_29, %dma_wait3A_168] : memref<2x40xi32, #tpu.memory_space<vmem>> -> memref<1x40xi32, #tpu.memory_space<vmem>>
          %dma_wait3A_170 = tpu.memref_squeeze %dma_wait3A_169 : memref<1x40xi32, #tpu.memory_space<vmem>> -> memref<40xi32, #tpu.memory_space<vmem>>
          %dma_wait3A_171 = tpu.memref_slice %arg5[%add3A_138] : memref<160000xi32, #tpu.memory_space<hbm>> -> memref<40xi32, #tpu.memory_space<hbm>>
          %dma_wait3A_172 = arith.constant 0 : i32
          %dma_wait3A_173 = tpu.memref_slice %arg9[%scan3A_29, %dma_wait3A_172] : memref<2x40xi32, #tpu.memory_space<vmem>> -> memref<1x40xi32, #tpu.memory_space<vmem>>
          %dma_wait3A_174 = tpu.memref_squeeze %dma_wait3A_173 : memref<1x40xi32, #tpu.memory_space<vmem>> -> memref<40xi32, #tpu.memory_space<vmem>>
          %dma_wait3A_175 = tpu.memref_slice %arg5[%add3A_138] : memref<160000xi32, #tpu.memory_space<hbm>> -> memref<40xi32, #tpu.memory_space<hbm>>
          tpu.wait_dma2 semaphore(%run_scoped3A_159 : memref<!tpu.dma_semaphore, #tpu.memory_space<semaphore_mem>>) src(%dma_wait3A_175 : memref<40xi32, #tpu.memory_space<hbm>>) dst(%dma_wait3A_174 : memref<40xi32, #tpu.memory_space<vmem>>)
          tpu.yield
        }) : () -> ()
        %dma_start3A_139 = arith.constant 0 : i32
        %dma_start3A_140 = arith.constant 0 : i32
        %dma_start3A_141 = tpu.memref_slice %arg10[%scan3A_30, %dma_start3A_139, %dma_start3A_140] : memref<2x40x512xf32, #tpu.memory_space<vmem>> -> memref<1x40x512xf32, #tpu.memory_space<vmem>>
        %dma_start3A_142 = tpu.memref_squeeze %dma_start3A_141 : memref<1x40x512xf32, #tpu.memory_space<vmem>> -> memref<40x512xf32, #tpu.memory_space<vmem>>
        %dma_start3A_143 = arith.constant 0 : i32
        %dma_start3A_144 = tpu.memref_slice %arg8[%scan3A, %dma_start3A_143] : memref<2x40xi32, #tpu.memory_space<vmem>> -> memref<1x40xi32, #tpu.memory_space<vmem>>
        %dma_start3A_145 = tpu.memref_squeeze %dma_start3A_144 : memref<1x40xi32, #tpu.memory_space<vmem>> -> memref<40xi32, #tpu.memory_space<vmem>>
        %dma_start3A_146 = arith.constant 0 : i32
        %dma_start3A_147 = arith.constant 0 : i32
        %dma_start3A_148 = tpu.memref_slice %arg2[%dma_start3A_146, %dma_start3A_147] : memref<10000x512xf32, #tpu.memory_space<hbm>> -> memref<10000x512xf32, #tpu.memory_space<hbm>>
        tpu.enqueue_indirect_dma source(%dma_start3A_148 : memref<10000x512xf32, #tpu.memory_space<hbm>>) target(%dma_start3A_142 : memref<40x512xf32, #tpu.memory_space<vmem>>) offsets(%dma_start3A_145 : memref<40xi32, #tpu.memory_space<vmem>>) semaphore(%arg13 : memref<!tpu.dma_semaphore, #tpu.memory_space<semaphore_mem>>)
        %dma_start3A_149 = arith.constant 0 : i32
        %dma_start3A_150 = arith.constant 0 : i32
        %dma_start3A_151 = tpu.memref_slice %arg11[%scan3A_31, %dma_start3A_149, %dma_start3A_150] : memref<2x40x512xf32, #tpu.memory_space<vmem>> -> memref<1x40x512xf32, #tpu.memory_space<vmem>>
        %dma_start3A_152 = tpu.memref_squeeze %dma_start3A_151 : memref<1x40x512xf32, #tpu.memory_space<vmem>> -> memref<40x512xf32, #tpu.memory_space<vmem>>
        %dma_start3A_153 = arith.constant 0 : i32
        %dma_start3A_154 = tpu.memref_slice %arg9[%scan3A_29, %dma_start3A_153] : memref<2x40xi32, #tpu.memory_space<vmem>> -> memref<1x40xi32, #tpu.memory_space<vmem>>
        %dma_start3A_155 = tpu.memref_squeeze %dma_start3A_154 : memref<1x40xi32, #tpu.memory_space<vmem>> -> memref<40xi32, #tpu.memory_space<vmem>>
        %dma_start3A_156 = arith.constant 0 : i32
        %dma_start3A_157 = arith.constant 0 : i32
        %dma_start3A_158 = tpu.memref_slice %arg3[%dma_start3A_156, %dma_start3A_157] : memref<10000x512xf32, #tpu.memory_space<hbm>> -> memref<10000x512xf32, #tpu.memory_space<hbm>>
        tpu.enqueue_indirect_dma source(%dma_start3A_158 : memref<10000x512xf32, #tpu.memory_space<hbm>>) target(%dma_start3A_152 : memref<40x512xf32, #tpu.memory_space<vmem>>) offsets(%dma_start3A_155 : memref<40xi32, #tpu.memory_space<vmem>>) semaphore(%arg15 : memref<!tpu.dma_semaphore, #tpu.memory_space<semaphore_mem>>)
      } else {
      }
      %mul3A_79 = arith.constant 40 : i32
      %mul3A_80 = arith.muli %add3A_74, %mul3A_79 : i32
      %add3A_81 = arith.addi %mul3A_2, %mul3A_80 : i32
      %dma_wait3A_82 = arith.constant 0 : i32
      %dma_wait3A_83 = arith.constant 0 : i32
      %dma_wait3A_84 = tpu.memref_slice %arg10[%scan3A_33, %dma_wait3A_82, %dma_wait3A_83] : memref<2x40x512xf32, #tpu.memory_space<vmem>> -> memref<1x40x512xf32, #tpu.memory_space<vmem>>
      %dma_wait3A_85 = tpu.memref_squeeze %dma_wait3A_84 : memref<1x40x512xf32, #tpu.memory_space<vmem>> -> memref<40x512xf32, #tpu.memory_space<vmem>>
      %dma_wait3A_86 = arith.constant 0 : i32
      %dma_wait3A_87 = tpu.memref_slice %arg8[%scan3A_32, %dma_wait3A_86] : memref<2x40xi32, #tpu.memory_space<vmem>> -> memref<1x40xi32, #tpu.memory_space<vmem>>
      %dma_wait3A_88 = tpu.memref_squeeze %dma_wait3A_87 : memref<1x40xi32, #tpu.memory_space<vmem>> -> memref<40xi32, #tpu.memory_space<vmem>>
      %dma_wait3A_89 = arith.constant 0 : i32
      %dma_wait3A_90 = arith.constant 0 : i32
      %dma_wait3A_91 = tpu.memref_slice %arg2[%dma_wait3A_89, %dma_wait3A_90] : memref<10000x512xf32, #tpu.memory_space<hbm>> -> memref<10000x512xf32, #tpu.memory_space<hbm>>
      tpu.wait_indirect_dma semaphore(%arg12 : memref<!tpu.dma_semaphore, #tpu.memory_space<semaphore_mem>>) src(%dma_wait3A_91 : memref<10000x512xf32, #tpu.memory_space<hbm>>) dst(%dma_wait3A_85 : memref<40x512xf32, #tpu.memory_space<vmem>>)
      %dma_wait3A_92 = arith.constant 0 : i32
      %dma_wait3A_93 = arith.constant 0 : i32
      %dma_wait3A_94 = tpu.memref_slice %arg11[%scan3A_35, %dma_wait3A_92, %dma_wait3A_93] : memref<2x40x512xf32, #tpu.memory_space<vmem>> -> memref<1x40x512xf32, #tpu.memory_space<vmem>>
      %dma_wait3A_95 = tpu.memref_squeeze %dma_wait3A_94 : memref<1x40x512xf32, #tpu.memory_space<vmem>> -> memref<40x512xf32, #tpu.memory_space<vmem>>
      %dma_wait3A_96 = arith.constant 0 : i32
      %dma_wait3A_97 = tpu.memref_slice %arg9[%scan3A_34, %dma_wait3A_96] : memref<2x40xi32, #tpu.memory_space<vmem>> -> memref<1x40xi32, #tpu.memory_space<vmem>>
      %dma_wait3A_98 = tpu.memref_squeeze %dma_wait3A_97 : memref<1x40xi32, #tpu.memory_space<vmem>> -> memref<40xi32, #tpu.memory_space<vmem>>
      %dma_wait3A_99 = arith.constant 0 : i32
      %dma_wait3A_100 = arith.constant 0 : i32
      %dma_wait3A_101 = tpu.memref_slice %arg3[%dma_wait3A_99, %dma_wait3A_100] : memref<10000x512xf32, #tpu.memory_space<hbm>> -> memref<10000x512xf32, #tpu.memory_space<hbm>>
      tpu.wait_indirect_dma semaphore(%arg14 : memref<!tpu.dma_semaphore, #tpu.memory_space<semaphore_mem>>) src(%dma_wait3A_101 : memref<10000x512xf32, #tpu.memory_space<hbm>>) dst(%dma_wait3A_95 : memref<40x512xf32, #tpu.memory_space<vmem>>)
      "tpu.region"() ({
        %run_scoped3A_134 = tpu.sem_alloc : memref<!tpu.dma_semaphore, #tpu.memory_space<semaphore_mem>>
        %dma_start3A_135 = arith.constant 0 : i32
        %dma_start3A_136 = arith.constant 0 : i32
        %dma_start3A_137 = tpu.memref_slice %arg10[%scan3A_33, %dma_start3A_135, %dma_start3A_136] : memref<2x40x512xf32, #tpu.memory_space<vmem>> -> memref<1x40x512xf32, #tpu.memory_space<vmem>>
        %dma_start3A_138 = tpu.memref_squeeze %dma_start3A_137 : memref<1x40x512xf32, #tpu.memory_space<vmem>> -> memref<40x512xf32, #tpu.memory_space<vmem>>
        %dma_start3A_139 = arith.constant 0 : i32
        %dma_start3A_140 = tpu.memref_slice %arg6[%add3A_81, %dma_start3A_139] : memref<160000x512xf32, #tpu.memory_space<hbm>> -> memref<40x512xf32, #tpu.memory_space<hbm>>
        %dma_start3A_141 = arith.constant 0 : i32
        %dma_start3A_142 = tpu.memref_slice %arg6[%add3A_81, %dma_start3A_141] : memref<160000x512xf32, #tpu.memory_space<hbm>> -> memref<40x512xf32, #tpu.memory_space<hbm>>
        %dma_start3A_143 = arith.constant 0 : i32
        %dma_start3A_144 = arith.constant 0 : i32
        %dma_start3A_145 = tpu.memref_slice %arg10[%scan3A_33, %dma_start3A_143, %dma_start3A_144] : memref<2x40x512xf32, #tpu.memory_space<vmem>> -> memref<1x40x512xf32, #tpu.memory_space<vmem>>
        %dma_start3A_146 = tpu.memref_squeeze %dma_start3A_145 : memref<1x40x512xf32, #tpu.memory_space<vmem>> -> memref<40x512xf32, #tpu.memory_space<vmem>>
        tpu.enqueue_dma source(%dma_start3A_146 : memref<40x512xf32, #tpu.memory_space<vmem>>) target(%dma_start3A_142 : memref<40x512xf32, #tpu.memory_space<hbm>>) target_semaphore(%run_scoped3A_134 : memref<!tpu.dma_semaphore, #tpu.memory_space<semaphore_mem>>)
        %dma_wait3A_147 = arith.constant 0 : i32
        %dma_wait3A_148 = arith.constant 0 : i32
        %dma_wait3A_149 = tpu.memref_slice %arg10[%scan3A_33, %dma_wait3A_147, %dma_wait3A_148] : memref<2x40x512xf32, #tpu.memory_space<vmem>> -> memref<1x40x512xf32, #tpu.memory_space<vmem>>
        %dma_wait3A_150 = tpu.memref_squeeze %dma_wait3A_149 : memref<1x40x512xf32, #tpu.memory_space<vmem>> -> memref<40x512xf32, #tpu.memory_space<vmem>>
        %dma_wait3A_151 = arith.constant 0 : i32
        %dma_wait3A_152 = tpu.memref_slice %arg6[%add3A_81, %dma_wait3A_151] : memref<160000x512xf32, #tpu.memory_space<hbm>> -> memref<40x512xf32, #tpu.memory_space<hbm>>
        %dma_wait3A_153 = arith.constant 0 : i32
        %dma_wait3A_154 = tpu.memref_slice %arg6[%add3A_81, %dma_wait3A_153] : memref<160000x512xf32, #tpu.memory_space<hbm>> -> memref<40x512xf32, #tpu.memory_space<hbm>>
        %dma_wait3A_155 = arith.constant 0 : i32
        %dma_wait3A_156 = arith.constant 0 : i32
        %dma_wait3A_157 = tpu.memref_slice %arg10[%scan3A_33, %dma_wait3A_155, %dma_wait3A_156] : memref<2x40x512xf32, #tpu.memory_space<vmem>> -> memref<1x40x512xf32, #tpu.memory_space<vmem>>
        %dma_wait3A_158 = tpu.memref_squeeze %dma_wait3A_157 : memref<1x40x512xf32, #tpu.memory_space<vmem>> -> memref<40x512xf32, #tpu.memory_space<vmem>>
        tpu.wait_dma2 semaphore(%run_scoped3A_134 : memref<!tpu.dma_semaphore, #tpu.memory_space<semaphore_mem>>) src(%dma_wait3A_158 : memref<40x512xf32, #tpu.memory_space<vmem>>) dst(%dma_wait3A_154 : memref<40x512xf32, #tpu.memory_space<hbm>>)
        tpu.yield
      }) : () -> ()
      "tpu.region"() ({
        %run_scoped3A_134 = tpu.sem_alloc : memref<!tpu.dma_semaphore, #tpu.memory_space<semaphore_mem>>
        %dma_start3A_135 = arith.constant 0 : i32
        %dma_start3A_136 = arith.constant 0 : i32
        %dma_start3A_137 = tpu.memref_slice %arg11[%scan3A_35, %dma_start3A_135, %dma_start3A_136] : memref<2x40x512xf32, #tpu.memory_space<vmem>> -> memref<1x40x512xf32, #tpu.memory_space<vmem>>
        %dma_start3A_138 = tpu.memref_squeeze %dma_start3A_137 : memref<1x40x512xf32, #tpu.memory_space<vmem>> -> memref<40x512xf32, #tpu.memory_space<vmem>>
        %dma_start3A_139 = arith.constant 0 : i32
        %dma_start3A_140 = tpu.memref_slice %arg7[%add3A_81, %dma_start3A_139] : memref<160000x512xf32, #tpu.memory_space<hbm>> -> memref<40x512xf32, #tpu.memory_space<hbm>>
        %dma_start3A_141 = arith.constant 0 : i32
        %dma_start3A_142 = tpu.memref_slice %arg7[%add3A_81, %dma_start3A_141] : memref<160000x512xf32, #tpu.memory_space<hbm>> -> memref<40x512xf32, #tpu.memory_space<hbm>>
        %dma_start3A_143 = arith.constant 0 : i32
        %dma_start3A_144 = arith.constant 0 : i32
        %dma_start3A_145 = tpu.memref_slice %arg11[%scan3A_35, %dma_start3A_143, %dma_start3A_144] : memref<2x40x512xf32, #tpu.memory_space<vmem>> -> memref<1x40x512xf32, #tpu.memory_space<vmem>>
        %dma_start3A_146 = tpu.memref_squeeze %dma_start3A_145 : memref<1x40x512xf32, #tpu.memory_space<vmem>> -> memref<40x512xf32, #tpu.memory_space<vmem>>
        tpu.enqueue_dma source(%dma_start3A_146 : memref<40x512xf32, #tpu.memory_space<vmem>>) target(%dma_start3A_142 : memref<40x512xf32, #tpu.memory_space<hbm>>) target_semaphore(%run_scoped3A_134 : memref<!tpu.dma_semaphore, #tpu.memory_space<semaphore_mem>>)
        %dma_wait3A_147 = arith.constant 0 : i32
        %dma_wait3A_148 = arith.constant 0 : i32
        %dma_wait3A_149 = tpu.memref_slice %arg11[%scan3A_35, %dma_wait3A_147, %dma_wait3A_148] : memref<2x40x512xf32, #tpu.memory_space<vmem>> -> memref<1x40x512xf32, #tpu.memory_space<vmem>>
        %dma_wait3A_150 = tpu.memref_squeeze %dma_wait3A_149 : memref<1x40x512xf32, #tpu.memory_space<vmem>> -> memref<40x512xf32, #tpu.memory_space<vmem>>
        %dma_wait3A_151 = arith.constant 0 : i32
        %dma_wait3A_152 = tpu.memref_slice %arg7[%add3A_81, %dma_wait3A_151] : memref<160000x512xf32, #tpu.memory_space<hbm>> -> memref<40x512xf32, #tpu.memory_space<hbm>>
        %dma_wait3A_153 = arith.constant 0 : i32
        %dma_wait3A_154 = tpu.memref_slice %arg7[%add3A_81, %dma_wait3A_153] : memref<160000x512xf32, #tpu.memory_space<hbm>> -> memref<40x512xf32, #tpu.memory_space<hbm>>
        %dma_wait3A_155 = arith.constant 0 : i32
        %dma_wait3A_156 = arith.constant 0 : i32
        %dma_wait3A_157 = tpu.memref_slice %arg11[%scan3A_35, %dma_wait3A_155, %dma_wait3A_156] : memref<2x40x512xf32, #tpu.memory_space<vmem>> -> memref<1x40x512xf32, #tpu.memory_space<vmem>>
        %dma_wait3A_158 = tpu.memref_squeeze %dma_wait3A_157 : memref<1x40x512xf32, #tpu.memory_space<vmem>> -> memref<40x512xf32, #tpu.memory_space<vmem>>
        tpu.wait_dma2 semaphore(%run_scoped3A_134 : memref<!tpu.dma_semaphore, #tpu.memory_space<semaphore_mem>>) src(%dma_wait3A_158 : memref<40x512xf32, #tpu.memory_space<vmem>>) dst(%dma_wait3A_154 : memref<40x512xf32, #tpu.memory_space<hbm>>)
        tpu.yield
      }) : () -> ()
      %add3A_102 = arith.constant 1 : i32
      %add3A_103 = arith.addi %add3A_72, %add3A_102 : i32
      %add3A_104 = arith.constant 1 : i32
      %add3A_105 = arith.addi %add3A_103, %add3A_104 : i32
      %lt3A_106 = arith.constant 125 : i32
      %lt3A_107 = arith.cmpi slt, %add3A_105, %lt3A_106 : i32
      %convert_element_type3A_108 = arith.extui %lt3A_107 : i1 to i32
      %cond3A_109 = arith.constant 0 : i32
      %cond3A_110 = arith.cmpi ne, %convert_element_type3A_108, %cond3A_109 : i32
      scf.if %cond3A_110 {
        %add3A_134 = arith.constant 1 : i32
        %add3A_135 = arith.addi %add3A_103, %add3A_134 : i32
        %mul3A_136 = arith.constant 40 : i32
        %mul3A_137 = arith.muli %add3A_135, %mul3A_136 : i32
        %add3A_138 = arith.addi %mul3A_2, %mul3A_137 : i32
        "tpu.region"() ({
          %run_scoped3A_159 = tpu.sem_alloc : memref<!tpu.dma_semaphore, #tpu.memory_space<semaphore_mem>>
          %dma_start3A_160 = arith.constant 0 : i32
          %dma_start3A_161 = tpu.memref_slice %arg8[%scan3A_32, %dma_start3A_160] : memref<2x40xi32, #tpu.memory_space<vmem>> -> memref<1x40xi32, #tpu.memory_space<vmem>>
          %dma_start3A_162 = tpu.memref_squeeze %dma_start3A_161 : memref<1x40xi32, #tpu.memory_space<vmem>> -> memref<40xi32, #tpu.memory_space<vmem>>
          %dma_start3A_163 = tpu.memref_slice %arg4[%add3A_138] : memref<160000xi32, #tpu.memory_space<hbm>> -> memref<40xi32, #tpu.memory_space<hbm>>
          %dma_start3A_164 = arith.constant 0 : i32
          %dma_start3A_165 = tpu.memref_slice %arg8[%scan3A_32, %dma_start3A_164] : memref<2x40xi32, #tpu.memory_space<vmem>> -> memref<1x40xi32, #tpu.memory_space<vmem>>
          %dma_start3A_166 = tpu.memref_squeeze %dma_start3A_165 : memref<1x40xi32, #tpu.memory_space<vmem>> -> memref<40xi32, #tpu.memory_space<vmem>>
          %dma_start3A_167 = tpu.memref_slice %arg4[%add3A_138] : memref<160000xi32, #tpu.memory_space<hbm>> -> memref<40xi32, #tpu.memory_space<hbm>>
          tpu.enqueue_dma source(%dma_start3A_167 : memref<40xi32, #tpu.memory_space<hbm>>) target(%dma_start3A_166 : memref<40xi32, #tpu.memory_space<vmem>>) target_semaphore(%run_scoped3A_159 : memref<!tpu.dma_semaphore, #tpu.memory_space<semaphore_mem>>)
          %dma_wait3A_168 = arith.constant 0 : i32
          %dma_wait3A_169 = tpu.memref_slice %arg8[%scan3A_32, %dma_wait3A_168] : memref<2x40xi32, #tpu.memory_space<vmem>> -> memref<1x40xi32, #tpu.memory_space<vmem>>
          %dma_wait3A_170 = tpu.memref_squeeze %dma_wait3A_169 : memref<1x40xi32, #tpu.memory_space<vmem>> -> memref<40xi32, #tpu.memory_space<vmem>>
          %dma_wait3A_171 = tpu.memref_slice %arg4[%add3A_138] : memref<160000xi32, #tpu.memory_space<hbm>> -> memref<40xi32, #tpu.memory_space<hbm>>
          %dma_wait3A_172 = arith.constant 0 : i32
          %dma_wait3A_173 = tpu.memref_slice %arg8[%scan3A_32, %dma_wait3A_172] : memref<2x40xi32, #tpu.memory_space<vmem>> -> memref<1x40xi32, #tpu.memory_space<vmem>>
          %dma_wait3A_174 = tpu.memref_squeeze %dma_wait3A_173 : memref<1x40xi32, #tpu.memory_space<vmem>> -> memref<40xi32, #tpu.memory_space<vmem>>
          %dma_wait3A_175 = tpu.memref_slice %arg4[%add3A_138] : memref<160000xi32, #tpu.memory_space<hbm>> -> memref<40xi32, #tpu.memory_space<hbm>>
          tpu.wait_dma2 semaphore(%run_scoped3A_159 : memref<!tpu.dma_semaphore, #tpu.memory_space<semaphore_mem>>) src(%dma_wait3A_175 : memref<40xi32, #tpu.memory_space<hbm>>) dst(%dma_wait3A_174 : memref<40xi32, #tpu.memory_space<vmem>>)
          tpu.yield
        }) : () -> ()
        "tpu.region"() ({
          %run_scoped3A_159 = tpu.sem_alloc : memref<!tpu.dma_semaphore, #tpu.memory_space<semaphore_mem>>
          %dma_start3A_160 = arith.constant 0 : i32
          %dma_start3A_161 = tpu.memref_slice %arg9[%scan3A_34, %dma_start3A_160] : memref<2x40xi32, #tpu.memory_space<vmem>> -> memref<1x40xi32, #tpu.memory_space<vmem>>
          %dma_start3A_162 = tpu.memref_squeeze %dma_start3A_161 : memref<1x40xi32, #tpu.memory_space<vmem>> -> memref<40xi32, #tpu.memory_space<vmem>>
          %dma_start3A_163 = tpu.memref_slice %arg5[%add3A_138] : memref<160000xi32, #tpu.memory_space<hbm>> -> memref<40xi32, #tpu.memory_space<hbm>>
          %dma_start3A_164 = arith.constant 0 : i32
          %dma_start3A_165 = tpu.memref_slice %arg9[%scan3A_34, %dma_start3A_164] : memref<2x40xi32, #tpu.memory_space<vmem>> -> memref<1x40xi32, #tpu.memory_space<vmem>>
          %dma_start3A_166 = tpu.memref_squeeze %dma_start3A_165 : memref<1x40xi32, #tpu.memory_space<vmem>> -> memref<40xi32, #tpu.memory_space<vmem>>
          %dma_start3A_167 = tpu.memref_slice %arg5[%add3A_138] : memref<160000xi32, #tpu.memory_space<hbm>> -> memref<40xi32, #tpu.memory_space<hbm>>
          tpu.enqueue_dma source(%dma_start3A_167 : memref<40xi32, #tpu.memory_space<hbm>>) target(%dma_start3A_166 : memref<40xi32, #tpu.memory_space<vmem>>) target_semaphore(%run_scoped3A_159 : memref<!tpu.dma_semaphore, #tpu.memory_space<semaphore_mem>>)
          %dma_wait3A_168 = arith.constant 0 : i32
          %dma_wait3A_169 = tpu.memref_slice %arg9[%scan3A_34, %dma_wait3A_168] : memref<2x40xi32, #tpu.memory_space<vmem>> -> memref<1x40xi32, #tpu.memory_space<vmem>>
          %dma_wait3A_170 = tpu.memref_squeeze %dma_wait3A_169 : memref<1x40xi32, #tpu.memory_space<vmem>> -> memref<40xi32, #tpu.memory_space<vmem>>
          %dma_wait3A_171 = tpu.memref_slice %arg5[%add3A_138] : memref<160000xi32, #tpu.memory_space<hbm>> -> memref<40xi32, #tpu.memory_space<hbm>>
          %dma_wait3A_172 = arith.constant 0 : i32
          %dma_wait3A_173 = tpu.memref_slice %arg9[%scan3A_34, %dma_wait3A_172] : memref<2x40xi32, #tpu.memory_space<vmem>> -> memref<1x40xi32, #tpu.memory_space<vmem>>
          %dma_wait3A_174 = tpu.memref_squeeze %dma_wait3A_173 : memref<1x40xi32, #tpu.memory_space<vmem>> -> memref<40xi32, #tpu.memory_space<vmem>>
          %dma_wait3A_175 = tpu.memref_slice %arg5[%add3A_138] : memref<160000xi32, #tpu.memory_space<hbm>> -> memref<40xi32, #tpu.memory_space<hbm>>
          tpu.wait_dma2 semaphore(%run_scoped3A_159 : memref<!tpu.dma_semaphore, #tpu.memory_space<semaphore_mem>>) src(%dma_wait3A_175 : memref<40xi32, #tpu.memory_space<hbm>>) dst(%dma_wait3A_174 : memref<40xi32, #tpu.memory_space<vmem>>)
          tpu.yield
        }) : () -> ()
        %dma_start3A_139 = arith.constant 0 : i32
        %dma_start3A_140 = arith.constant 0 : i32
        %dma_start3A_141 = tpu.memref_slice %arg10[%scan3A_33, %dma_start3A_139, %dma_start3A_140] : memref<2x40x512xf32, #tpu.memory_space<vmem>> -> memref<1x40x512xf32, #tpu.memory_space<vmem>>
        %dma_start3A_142 = tpu.memref_squeeze %dma_start3A_141 : memref<1x40x512xf32, #tpu.memory_space<vmem>> -> memref<40x512xf32, #tpu.memory_space<vmem>>
        %dma_start3A_143 = arith.constant 0 : i32
        %dma_start3A_144 = tpu.memref_slice %arg8[%scan3A_32, %dma_start3A_143] : memref<2x40xi32, #tpu.memory_space<vmem>> -> memref<1x40xi32, #tpu.memory_space<vmem>>
        %dma_start3A_145 = tpu.memref_squeeze %dma_start3A_144 : memref<1x40xi32, #tpu.memory_space<vmem>> -> memref<40xi32, #tpu.memory_space<vmem>>
        %dma_start3A_146 = arith.constant 0 : i32
        %dma_start3A_147 = arith.constant 0 : i32
        %dma_start3A_148 = tpu.memref_slice %arg2[%dma_start3A_146, %dma_start3A_147] : memref<10000x512xf32, #tpu.memory_space<hbm>> -> memref<10000x512xf32, #tpu.memory_space<hbm>>
        tpu.enqueue_indirect_dma source(%dma_start3A_148 : memref<10000x512xf32, #tpu.memory_space<hbm>>) target(%dma_start3A_142 : memref<40x512xf32, #tpu.memory_space<vmem>>) offsets(%dma_start3A_145 : memref<40xi32, #tpu.memory_space<vmem>>) semaphore(%arg12 : memref<!tpu.dma_semaphore, #tpu.memory_space<semaphore_mem>>)
        %dma_start3A_149 = arith.constant 0 : i32
        %dma_start3A_150 = arith.constant 0 : i32
        %dma_start3A_151 = tpu.memref_slice %arg11[%scan3A_35, %dma_start3A_149, %dma_start3A_150] : memref<2x40x512xf32, #tpu.memory_space<vmem>> -> memref<1x40x512xf32, #tpu.memory_space<vmem>>
        %dma_start3A_152 = tpu.memref_squeeze %dma_start3A_151 : memref<1x40x512xf32, #tpu.memory_space<vmem>> -> memref<40x512xf32, #tpu.memory_space<vmem>>
        %dma_start3A_153 = arith.constant 0 : i32
        %dma_start3A_154 = tpu.memref_slice %arg9[%scan3A_34, %dma_start3A_153] : memref<2x40xi32, #tpu.memory_space<vmem>> -> memref<1x40xi32, #tpu.memory_space<vmem>>
        %dma_start3A_155 = tpu.memref_squeeze %dma_start3A_154 : memref<1x40xi32, #tpu.memory_space<vmem>> -> memref<40xi32, #tpu.memory_space<vmem>>
        %dma_start3A_156 = arith.constant 0 : i32
        %dma_start3A_157 = arith.constant 0 : i32
        %dma_start3A_158 = tpu.memref_slice %arg3[%dma_start3A_156, %dma_start3A_157] : memref<10000x512xf32, #tpu.memory_space<hbm>> -> memref<10000x512xf32, #tpu.memory_space<hbm>>
        tpu.enqueue_indirect_dma source(%dma_start3A_158 : memref<10000x512xf32, #tpu.memory_space<hbm>>) target(%dma_start3A_152 : memref<40x512xf32, #tpu.memory_space<vmem>>) offsets(%dma_start3A_155 : memref<40xi32, #tpu.memory_space<vmem>>) semaphore(%arg14 : memref<!tpu.dma_semaphore, #tpu.memory_space<semaphore_mem>>)
      } else {
      }
      %mul3A_111 = arith.constant 40 : i32
      %mul3A_112 = arith.muli %add3A_103, %mul3A_111 : i32
      %add3A_113 = arith.addi %mul3A_2, %mul3A_112 : i32
      %dma_wait3A_114 = arith.constant 0 : i32
      %dma_wait3A_115 = arith.constant 0 : i32
      %dma_wait3A_116 = tpu.memref_slice %arg10[%scan3A_30, %dma_wait3A_114, %dma_wait3A_115] : memref<2x40x512xf32, #tpu.memory_space<vmem>> -> memref<1x40x512xf32, #tpu.memory_space<vmem>>
      %dma_wait3A_117 = tpu.memref_squeeze %dma_wait3A_116 : memref<1x40x512xf32, #tpu.memory_space<vmem>> -> memref<40x512xf32, #tpu.memory_space<vmem>>
      %dma_wait3A_118 = arith.constant 0 : i32
      %dma_wait3A_119 = tpu.memref_slice %arg8[%scan3A, %dma_wait3A_118] : memref<2x40xi32, #tpu.memory_space<vmem>> -> memref<1x40xi32, #tpu.memory_space<vmem>>
      %dma_wait3A_120 = tpu.memref_squeeze %dma_wait3A_119 : memref<1x40xi32, #tpu.memory_space<vmem>> -> memref<40xi32, #tpu.memory_space<vmem>>
      %dma_wait3A_121 = arith.constant 0 : i32
      %dma_wait3A_122 = arith.constant 0 : i32
      %dma_wait3A_123 = tpu.memref_slice %arg2[%dma_wait3A_121, %dma_wait3A_122] : memref<10000x512xf32, #tpu.memory_space<hbm>> -> memref<10000x512xf32, #tpu.memory_space<hbm>>
      tpu.wait_indirect_dma semaphore(%arg13 : memref<!tpu.dma_semaphore, #tpu.memory_space<semaphore_mem>>) src(%dma_wait3A_123 : memref<10000x512xf32, #tpu.memory_space<hbm>>) dst(%dma_wait3A_117 : memref<40x512xf32, #tpu.memory_space<vmem>>)
      %dma_wait3A_124 = arith.constant 0 : i32
      %dma_wait3A_125 = arith.constant 0 : i32
      %dma_wait3A_126 = tpu.memref_slice %arg11[%scan3A_31, %dma_wait3A_124, %dma_wait3A_125] : memref<2x40x512xf32, #tpu.memory_space<vmem>> -> memref<1x40x512xf32, #tpu.memory_space<vmem>>
      %dma_wait3A_127 = tpu.memref_squeeze %dma_wait3A_126 : memref<1x40x512xf32, #tpu.memory_space<vmem>> -> memref<40x512xf32, #tpu.memory_space<vmem>>
      %dma_wait3A_128 = arith.constant 0 : i32
      %dma_wait3A_129 = tpu.memref_slice %arg9[%scan3A_29, %dma_wait3A_128] : memref<2x40xi32, #tpu.memory_space<vmem>> -> memref<1x40xi32, #tpu.memory_space<vmem>>
      %dma_wait3A_130 = tpu.memref_squeeze %dma_wait3A_129 : memref<1x40xi32, #tpu.memory_space<vmem>> -> memref<40xi32, #tpu.memory_space<vmem>>
      %dma_wait3A_131 = arith.constant 0 : i32
      %dma_wait3A_132 = arith.constant 0 : i32
      %dma_wait3A_133 = tpu.memref_slice %arg3[%dma_wait3A_131, %dma_wait3A_132] : memref<10000x512xf32, #tpu.memory_space<hbm>> -> memref<10000x512xf32, #tpu.memory_space<hbm>>
      tpu.wait_indirect_dma semaphore(%arg15 : memref<!tpu.dma_semaphore, #tpu.memory_space<semaphore_mem>>) src(%dma_wait3A_133 : memref<10000x512xf32, #tpu.memory_space<hbm>>) dst(%dma_wait3A_127 : memref<40x512xf32, #tpu.memory_space<vmem>>)
      "tpu.region"() ({
        %run_scoped3A_134 = tpu.sem_alloc : memref<!tpu.dma_semaphore, #tpu.memory_space<semaphore_mem>>
        %dma_start3A_135 = arith.constant 0 : i32
        %dma_start3A_136 = arith.constant 0 : i32
        %dma_start3A_137 = tpu.memref_slice %arg10[%scan3A_30, %dma_start3A_135, %dma_start3A_136] : memref<2x40x512xf32, #tpu.memory_space<vmem>> -> memref<1x40x512xf32, #tpu.memory_space<vmem>>
        %dma_start3A_138 = tpu.memref_squeeze %dma_start3A_137 : memref<1x40x512xf32, #tpu.memory_space<vmem>> -> memref<40x512xf32, #tpu.memory_space<vmem>>
        %dma_start3A_139 = arith.constant 0 : i32
        %dma_start3A_140 = tpu.memref_slice %arg6[%add3A_113, %dma_start3A_139] : memref<160000x512xf32, #tpu.memory_space<hbm>> -> memref<40x512xf32, #tpu.memory_space<hbm>>
        %dma_start3A_141 = arith.constant 0 : i32
        %dma_start3A_142 = tpu.memref_slice %arg6[%add3A_113, %dma_start3A_141] : memref<160000x512xf32, #tpu.memory_space<hbm>> -> memref<40x512xf32, #tpu.memory_space<hbm>>
        %dma_start3A_143 = arith.constant 0 : i32
        %dma_start3A_144 = arith.constant 0 : i32
        %dma_start3A_145 = tpu.memref_slice %arg10[%scan3A_30, %dma_start3A_143, %dma_start3A_144] : memref<2x40x512xf32, #tpu.memory_space<vmem>> -> memref<1x40x512xf32, #tpu.memory_space<vmem>>
        %dma_start3A_146 = tpu.memref_squeeze %dma_start3A_145 : memref<1x40x512xf32, #tpu.memory_space<vmem>> -> memref<40x512xf32, #tpu.memory_space<vmem>>
        tpu.enqueue_dma source(%dma_start3A_146 : memref<40x512xf32, #tpu.memory_space<vmem>>) target(%dma_start3A_142 : memref<40x512xf32, #tpu.memory_space<hbm>>) target_semaphore(%run_scoped3A_134 : memref<!tpu.dma_semaphore, #tpu.memory_space<semaphore_mem>>)
        %dma_wait3A_147 = arith.constant 0 : i32
        %dma_wait3A_148 = arith.constant 0 : i32
        %dma_wait3A_149 = tpu.memref_slice %arg10[%scan3A_30, %dma_wait3A_147, %dma_wait3A_148] : memref<2x40x512xf32, #tpu.memory_space<vmem>> -> memref<1x40x512xf32, #tpu.memory_space<vmem>>
        %dma_wait3A_150 = tpu.memref_squeeze %dma_wait3A_149 : memref<1x40x512xf32, #tpu.memory_space<vmem>> -> memref<40x512xf32, #tpu.memory_space<vmem>>
        %dma_wait3A_151 = arith.constant 0 : i32
        %dma_wait3A_152 = tpu.memref_slice %arg6[%add3A_113, %dma_wait3A_151] : memref<160000x512xf32, #tpu.memory_space<hbm>> -> memref<40x512xf32, #tpu.memory_space<hbm>>
        %dma_wait3A_153 = arith.constant 0 : i32
        %dma_wait3A_154 = tpu.memref_slice %arg6[%add3A_113, %dma_wait3A_153] : memref<160000x512xf32, #tpu.memory_space<hbm>> -> memref<40x512xf32, #tpu.memory_space<hbm>>
        %dma_wait3A_155 = arith.constant 0 : i32
        %dma_wait3A_156 = arith.constant 0 : i32
        %dma_wait3A_157 = tpu.memref_slice %arg10[%scan3A_30, %dma_wait3A_155, %dma_wait3A_156] : memref<2x40x512xf32, #tpu.memory_space<vmem>> -> memref<1x40x512xf32, #tpu.memory_space<vmem>>
        %dma_wait3A_158 = tpu.memref_squeeze %dma_wait3A_157 : memref<1x40x512xf32, #tpu.memory_space<vmem>> -> memref<40x512xf32, #tpu.memory_space<vmem>>
        tpu.wait_dma2 semaphore(%run_scoped3A_134 : memref<!tpu.dma_semaphore, #tpu.memory_space<semaphore_mem>>) src(%dma_wait3A_158 : memref<40x512xf32, #tpu.memory_space<vmem>>) dst(%dma_wait3A_154 : memref<40x512xf32, #tpu.memory_space<hbm>>)
        tpu.yield
      }) : () -> ()
      "tpu.region"() ({
        %run_scoped3A_134 = tpu.sem_alloc : memref<!tpu.dma_semaphore, #tpu.memory_space<semaphore_mem>>
        %dma_start3A_135 = arith.constant 0 : i32
        %dma_start3A_136 = arith.constant 0 : i32
        %dma_start3A_137 = tpu.memref_slice %arg11[%scan3A_31, %dma_start3A_135, %dma_start3A_136] : memref<2x40x512xf32, #tpu.memory_space<vmem>> -> memref<1x40x512xf32, #tpu.memory_space<vmem>>
        %dma_start3A_138 = tpu.memref_squeeze %dma_start3A_137 : memref<1x40x512xf32, #tpu.memory_space<vmem>> -> memref<40x512xf32, #tpu.memory_space<vmem>>
        %dma_start3A_139 = arith.constant 0 : i32
        %dma_start3A_140 = tpu.memref_slice %arg7[%add3A_113, %dma_start3A_139] : memref<160000x512xf32, #tpu.memory_space<hbm>> -> memref<40x512xf32, #tpu.memory_space<hbm>>
        %dma_start3A_141 = arith.constant 0 : i32
        %dma_start3A_142 = tpu.memref_slice %arg7[%add3A_113, %dma_start3A_141] : memref<160000x512xf32, #tpu.memory_space<hbm>> -> memref<40x512xf32, #tpu.memory_space<hbm>>
        %dma_start3A_143 = arith.constant 0 : i32
        %dma_start3A_144 = arith.constant 0 : i32
        %dma_start3A_145 = tpu.memref_slice %arg11[%scan3A_31, %dma_start3A_143, %dma_start3A_144] : memref<2x40x512xf32, #tpu.memory_space<vmem>> -> memref<1x40x512xf32, #tpu.memory_space<vmem>>
        %dma_start3A_146 = tpu.memref_squeeze %dma_start3A_145 : memref<1x40x512xf32, #tpu.memory_space<vmem>> -> memref<40x512xf32, #tpu.memory_space<vmem>>
        tpu.enqueue_dma source(%dma_start3A_146 : memref<40x512xf32, #tpu.memory_space<vmem>>) target(%dma_start3A_142 : memref<40x512xf32, #tpu.memory_space<hbm>>) target_semaphore(%run_scoped3A_134 : memref<!tpu.dma_semaphore, #tpu.memory_space<semaphore_mem>>)
        %dma_wait3A_147 = arith.constant 0 : i32
        %dma_wait3A_148 = arith.constant 0 : i32
        %dma_wait3A_149 = tpu.memref_slice %arg11[%scan3A_31, %dma_wait3A_147, %dma_wait3A_148] : memref<2x40x512xf32, #tpu.memory_space<vmem>> -> memref<1x40x512xf32, #tpu.memory_space<vmem>>
        %dma_wait3A_150 = tpu.memref_squeeze %dma_wait3A_149 : memref<1x40x512xf32, #tpu.memory_space<vmem>> -> memref<40x512xf32, #tpu.memory_space<vmem>>
        %dma_wait3A_151 = arith.constant 0 : i32
        %dma_wait3A_152 = tpu.memref_slice %arg7[%add3A_113, %dma_wait3A_151] : memref<160000x512xf32, #tpu.memory_space<hbm>> -> memref<40x512xf32, #tpu.memory_space<hbm>>
        %dma_wait3A_153 = arith.constant 0 : i32
        %dma_wait3A_154 = tpu.memref_slice %arg7[%add3A_113, %dma_wait3A_153] : memref<160000x512xf32, #tpu.memory_space<hbm>> -> memref<40x512xf32, #tpu.memory_space<hbm>>
        %dma_wait3A_155 = arith.constant 0 : i32
        %dma_wait3A_156 = arith.constant 0 : i32
        %dma_wait3A_157 = tpu.memref_slice %arg11[%scan3A_31, %dma_wait3A_155, %dma_wait3A_156] : memref<2x40x512xf32, #tpu.memory_space<vmem>> -> memref<1x40x512xf32, #tpu.memory_space<vmem>>
        %dma_wait3A_158 = tpu.memref_squeeze %dma_wait3A_157 : memref<1x40x512xf32, #tpu.memory_space<vmem>> -> memref<40x512xf32, #tpu.memory_space<vmem>>
        tpu.wait_dma2 semaphore(%run_scoped3A_134 : memref<!tpu.dma_semaphore, #tpu.memory_space<semaphore_mem>>) src(%dma_wait3A_158 : memref<40x512xf32, #tpu.memory_space<vmem>>) dst(%dma_wait3A_154 : memref<40x512xf32, #tpu.memory_space<hbm>>)
        tpu.yield
      }) : () -> ()
    }
    %scan3A_40 = arith.constant 62 : i32
    %add3A_41 = arith.constant 4960 : i32
    %add3A_42 = arith.addi %mul3A_2, %add3A_41 : i32
    %dma_wait3A = arith.constant 0 : i32
    %dma_wait3A_43 = arith.constant 0 : i32
    %dma_wait3A_44 = arith.constant 0 : i32
    %dma_wait3A_45 = arith.constant 0 : i32
    %dma_wait3A_46 = tpu.memref_slice %arg10[%dma_wait3A_43, %dma_wait3A_44, %dma_wait3A_45] : memref<2x40x512xf32, #tpu.memory_space<vmem>> -> memref<1x40x512xf32, #tpu.memory_space<vmem>>
    %dma_wait3A_47 = tpu.memref_squeeze %dma_wait3A_46 : memref<1x40x512xf32, #tpu.memory_space<vmem>> -> memref<40x512xf32, #tpu.memory_space<vmem>>
    %dma_wait3A_48 = arith.constant 0 : i32
    %dma_wait3A_49 = tpu.memref_slice %arg8[%dma_wait3A, %dma_wait3A_48] : memref<2x40xi32, #tpu.memory_space<vmem>> -> memref<1x40xi32, #tpu.memory_space<vmem>>
    %dma_wait3A_50 = tpu.memref_squeeze %dma_wait3A_49 : memref<1x40xi32, #tpu.memory_space<vmem>> -> memref<40xi32, #tpu.memory_space<vmem>>
    %dma_wait3A_51 = arith.constant 0 : i32
    %dma_wait3A_52 = arith.constant 0 : i32
    %dma_wait3A_53 = tpu.memref_slice %arg2[%dma_wait3A_51, %dma_wait3A_52] : memref<10000x512xf32, #tpu.memory_space<hbm>> -> memref<10000x512xf32, #tpu.memory_space<hbm>>
    tpu.wait_indirect_dma semaphore(%arg12 : memref<!tpu.dma_semaphore, #tpu.memory_space<semaphore_mem>>) src(%dma_wait3A_53 : memref<10000x512xf32, #tpu.memory_space<hbm>>) dst(%dma_wait3A_47 : memref<40x512xf32, #tpu.memory_space<vmem>>)
    %dma_wait3A_54 = arith.constant 0 : i32
    %dma_wait3A_55 = arith.constant 0 : i32
    %dma_wait3A_56 = arith.constant 0 : i32
    %dma_wait3A_57 = arith.constant 0 : i32
    %dma_wait3A_58 = tpu.memref_slice %arg11[%dma_wait3A_55, %dma_wait3A_56, %dma_wait3A_57] : memref<2x40x512xf32, #tpu.memory_space<vmem>> -> memref<1x40x512xf32, #tpu.memory_space<vmem>>
    %dma_wait3A_59 = tpu.memref_squeeze %dma_wait3A_58 : memref<1x40x512xf32, #tpu.memory_space<vmem>> -> memref<40x512xf32, #tpu.memory_space<vmem>>
    %dma_wait3A_60 = arith.constant 0 : i32
    %dma_wait3A_61 = tpu.memref_slice %arg9[%dma_wait3A_54, %dma_wait3A_60] : memref<2x40xi32, #tpu.memory_space<vmem>> -> memref<1x40xi32, #tpu.memory_space<vmem>>
    %dma_wait3A_62 = tpu.memref_squeeze %dma_wait3A_61 : memref<1x40xi32, #tpu.memory_space<vmem>> -> memref<40xi32, #tpu.memory_space<vmem>>
    %dma_wait3A_63 = arith.constant 0 : i32
    %dma_wait3A_64 = arith.constant 0 : i32
    %dma_wait3A_65 = tpu.memref_slice %arg3[%dma_wait3A_63, %dma_wait3A_64] : memref<10000x512xf32, #tpu.memory_space<hbm>> -> memref<10000x512xf32, #tpu.memory_space<hbm>>
    tpu.wait_indirect_dma semaphore(%arg14 : memref<!tpu.dma_semaphore, #tpu.memory_space<semaphore_mem>>) src(%dma_wait3A_65 : memref<10000x512xf32, #tpu.memory_space<hbm>>) dst(%dma_wait3A_59 : memref<40x512xf32, #tpu.memory_space<vmem>>)
    %run_scoped3A_66 = arith.constant 0 : i32
    "tpu.region"() ({
      %run_scoped3A_68 = tpu.sem_alloc : memref<!tpu.dma_semaphore, #tpu.memory_space<semaphore_mem>>
      %dma_start3A_69 = arith.constant 0 : i32
      %dma_start3A_70 = arith.constant 0 : i32
      %dma_start3A_71 = tpu.memref_slice %arg10[%run_scoped3A_66, %dma_start3A_69, %dma_start3A_70] : memref<2x40x512xf32, #tpu.memory_space<vmem>> -> memref<1x40x512xf32, #tpu.memory_space<vmem>>
      %dma_start3A_72 = tpu.memref_squeeze %dma_start3A_71 : memref<1x40x512xf32, #tpu.memory_space<vmem>> -> memref<40x512xf32, #tpu.memory_space<vmem>>
      %dma_start3A_73 = arith.constant 0 : i32
      %dma_start3A_74 = tpu.memref_slice %arg6[%add3A_42, %dma_start3A_73] : memref<160000x512xf32, #tpu.memory_space<hbm>> -> memref<40x512xf32, #tpu.memory_space<hbm>>
      %dma_start3A_75 = arith.constant 0 : i32
      %dma_start3A_76 = tpu.memref_slice %arg6[%add3A_42, %dma_start3A_75] : memref<160000x512xf32, #tpu.memory_space<hbm>> -> memref<40x512xf32, #tpu.memory_space<hbm>>
      %dma_start3A_77 = arith.constant 0 : i32
      %dma_start3A_78 = arith.constant 0 : i32
      %dma_start3A_79 = tpu.memref_slice %arg10[%run_scoped3A_66, %dma_start3A_77, %dma_start3A_78] : memref<2x40x512xf32, #tpu.memory_space<vmem>> -> memref<1x40x512xf32, #tpu.memory_space<vmem>>
      %dma_start3A_80 = tpu.memref_squeeze %dma_start3A_79 : memref<1x40x512xf32, #tpu.memory_space<vmem>> -> memref<40x512xf32, #tpu.memory_space<vmem>>
      tpu.enqueue_dma source(%dma_start3A_80 : memref<40x512xf32, #tpu.memory_space<vmem>>) target(%dma_start3A_76 : memref<40x512xf32, #tpu.memory_space<hbm>>) target_semaphore(%run_scoped3A_68 : memref<!tpu.dma_semaphore, #tpu.memory_space<semaphore_mem>>)
      %dma_wait3A_81 = arith.constant 0 : i32
      %dma_wait3A_82 = arith.constant 0 : i32
      %dma_wait3A_83 = tpu.memref_slice %arg10[%run_scoped3A_66, %dma_wait3A_81, %dma_wait3A_82] : memref<2x40x512xf32, #tpu.memory_space<vmem>> -> memref<1x40x512xf32, #tpu.memory_space<vmem>>
      %dma_wait3A_84 = tpu.memref_squeeze %dma_wait3A_83 : memref<1x40x512xf32, #tpu.memory_space<vmem>> -> memref<40x512xf32, #tpu.memory_space<vmem>>
      %dma_wait3A_85 = arith.constant 0 : i32
      %dma_wait3A_86 = tpu.memref_slice %arg6[%add3A_42, %dma_wait3A_85] : memref<160000x512xf32, #tpu.memory_space<hbm>> -> memref<40x512xf32, #tpu.memory_space<hbm>>
      %dma_wait3A_87 = arith.constant 0 : i32
      %dma_wait3A_88 = tpu.memref_slice %arg6[%add3A_42, %dma_wait3A_87] : memref<160000x512xf32, #tpu.memory_space<hbm>> -> memref<40x512xf32, #tpu.memory_space<hbm>>
      %dma_wait3A_89 = arith.constant 0 : i32
      %dma_wait3A_90 = arith.constant 0 : i32
      %dma_wait3A_91 = tpu.memref_slice %arg10[%run_scoped3A_66, %dma_wait3A_89, %dma_wait3A_90] : memref<2x40x512xf32, #tpu.memory_space<vmem>> -> memref<1x40x512xf32, #tpu.memory_space<vmem>>
      %dma_wait3A_92 = tpu.memref_squeeze %dma_wait3A_91 : memref<1x40x512xf32, #tpu.memory_space<vmem>> -> memref<40x512xf32, #tpu.memory_space<vmem>>
      tpu.wait_dma2 semaphore(%run_scoped3A_68 : memref<!tpu.dma_semaphore, #tpu.memory_space<semaphore_mem>>) src(%dma_wait3A_92 : memref<40x512xf32, #tpu.memory_space<vmem>>) dst(%dma_wait3A_88 : memref<40x512xf32, #tpu.memory_space<hbm>>)
      tpu.yield
    }) : () -> ()
    %run_scoped3A_67 = arith.constant 0 : i32
    "tpu.region"() ({
      %run_scoped3A_68 = tpu.sem_alloc : memref<!tpu.dma_semaphore, #tpu.memory_space<semaphore_mem>>
      %dma_start3A_69 = arith.constant 0 : i32
      %dma_start3A_70 = arith.constant 0 : i32
      %dma_start3A_71 = tpu.memref_slice %arg11[%run_scoped3A_67, %dma_start3A_69, %dma_start3A_70] : memref<2x40x512xf32, #tpu.memory_space<vmem>> -> memref<1x40x512xf32, #tpu.memory_space<vmem>>
      %dma_start3A_72 = tpu.memref_squeeze %dma_start3A_71 : memref<1x40x512xf32, #tpu.memory_space<vmem>> -> memref<40x512xf32, #tpu.memory_space<vmem>>
      %dma_start3A_73 = arith.constant 0 : i32
      %dma_start3A_74 = tpu.memref_slice %arg7[%add3A_42, %dma_start3A_73] : memref<160000x512xf32, #tpu.memory_space<hbm>> -> memref<40x512xf32, #tpu.memory_space<hbm>>
      %dma_start3A_75 = arith.constant 0 : i32
      %dma_start3A_76 = tpu.memref_slice %arg7[%add3A_42, %dma_start3A_75] : memref<160000x512xf32, #tpu.memory_space<hbm>> -> memref<40x512xf32, #tpu.memory_space<hbm>>
      %dma_start3A_77 = arith.constant 0 : i32
      %dma_start3A_78 = arith.constant 0 : i32
      %dma_start3A_79 = tpu.memref_slice %arg11[%run_scoped3A_67, %dma_start3A_77, %dma_start3A_78] : memref<2x40x512xf32, #tpu.memory_space<vmem>> -> memref<1x40x512xf32, #tpu.memory_space<vmem>>
      %dma_start3A_80 = tpu.memref_squeeze %dma_start3A_79 : memref<1x40x512xf32, #tpu.memory_space<vmem>> -> memref<40x512xf32, #tpu.memory_space<vmem>>
      tpu.enqueue_dma source(%dma_start3A_80 : memref<40x512xf32, #tpu.memory_space<vmem>>) target(%dma_start3A_76 : memref<40x512xf32, #tpu.memory_space<hbm>>) target_semaphore(%run_scoped3A_68 : memref<!tpu.dma_semaphore, #tpu.memory_space<semaphore_mem>>)
      %dma_wait3A_81 = arith.constant 0 : i32
      %dma_wait3A_82 = arith.constant 0 : i32
      %dma_wait3A_83 = tpu.memref_slice %arg11[%run_scoped3A_67, %dma_wait3A_81, %dma_wait3A_82] : memref<2x40x512xf32, #tpu.memory_space<vmem>> -> memref<1x40x512xf32, #tpu.memory_space<vmem>>
      %dma_wait3A_84 = tpu.memref_squeeze %dma_wait3A_83 : memref<1x40x512xf32, #tpu.memory_space<vmem>> -> memref<40x512xf32, #tpu.memory_space<vmem>>
      %dma_wait3A_85 = arith.constant 0 : i32
      %dma_wait3A_86 = tpu.memref_slice %arg7[%add3A_42, %dma_wait3A_85] : memref<160000x512xf32, #tpu.memory_space<hbm>> -> memref<40x512xf32, #tpu.memory_space<hbm>>
      %dma_wait3A_87 = arith.constant 0 : i32
      %dma_wait3A_88 = tpu.memref_slice %arg7[%add3A_42, %dma_wait3A_87] : memref<160000x512xf32, #tpu.memory_space<hbm>> -> memref<40x512xf32, #tpu.memory_space<hbm>>
      %dma_wait3A_89 = arith.constant 0 : i32
      %dma_wait3A_90 = arith.constant 0 : i32
      %dma_wait3A_91 = tpu.memref_slice %arg11[%run_scoped3A_67, %dma_wait3A_89, %dma_wait3A_90] : memref<2x40x512xf32, #tpu.memory_space<vmem>> -> memref<1x40x512xf32, #tpu.memory_space<vmem>>
      %dma_wait3A_92 = tpu.memref_squeeze %dma_wait3A_91 : memref<1x40x512xf32, #tpu.memory_space<vmem>> -> memref<40x512xf32, #tpu.memory_space<vmem>>
      tpu.wait_dma2 semaphore(%run_scoped3A_68 : memref<!tpu.dma_semaphore, #tpu.memory_space<semaphore_mem>>) src(%dma_wait3A_92 : memref<40x512xf32, #tpu.memory_space<vmem>>) dst(%dma_wait3A_88 : memref<40x512xf32, #tpu.memory_space<hbm>>)
      tpu.yield
    }) : () -> ()
    return
  }
}

module attributes {stable_mosaic.version = 14 : i64} {
  func.func @_edge_body(%arg0: i32, %arg1: memref<1280x512xf32, #tpu.memory_space<vmem>>, %arg2: memref<1280x512xf32, #tpu.memory_space<vmem>>, %arg3: memref<1280x256xf32, #tpu.memory_space<vmem>>, %arg4: memref<256x256xf32, #tpu.memory_space<vmem>>, %arg5: memref<256x256xf32, #tpu.memory_space<vmem>>, %arg6: memref<256x256xf32, #tpu.memory_space<vmem>>, %arg7: memref<256x256xf32, #tpu.memory_space<vmem>>, %arg8: memref<1x256xf32, #tpu.memory_space<vmem>>, %arg9: memref<1x256xf32, #tpu.memory_space<vmem>>, %arg10: memref<1x256xf32, #tpu.memory_space<vmem>>, %arg11: memref<256x1280xf32, #tpu.memory_space<vmem>>, %arg12: memref<1280x256xf32, #tpu.memory_space<vmem>>) attributes {dimension_semantics = [#tpu.dimension_semantics<arbitrary>], iteration_bounds = array<i64: 125>, scalar_prefetch = 0 : i64, scratch_operands = 0 : i64, tpu.core_type = #tpu.core_type<tc>, window_params = [{transform_indices = @transform_0, window_bounds = array<i64: 1280, 512>}, {transform_indices = @transform_1, window_bounds = array<i64: 1280, 512>}, {transform_indices = @transform_2, window_bounds = array<i64: 1280, 256>}, {pipeline_mode = #tpu.pipeline_mode<synchronous>, transform_indices = @transform_3, window_bounds = array<i64: 256, 256>}, {pipeline_mode = #tpu.pipeline_mode<synchronous>, transform_indices = @transform_4, window_bounds = array<i64: 256, 256>}, {pipeline_mode = #tpu.pipeline_mode<synchronous>, transform_indices = @transform_5, window_bounds = array<i64: 256, 256>}, {pipeline_mode = #tpu.pipeline_mode<synchronous>, transform_indices = @transform_6, window_bounds = array<i64: 256, 256>}, {pipeline_mode = #tpu.pipeline_mode<synchronous>, transform_indices = @transform_7, window_bounds = array<i64: 1, 256>}, {pipeline_mode = #tpu.pipeline_mode<synchronous>, transform_indices = @transform_8, window_bounds = array<i64: 1, 256>}, {pipeline_mode = #tpu.pipeline_mode<synchronous>, transform_indices = @transform_9, window_bounds = array<i64: 1, 256>}, {transform_indices = @transform_10, window_bounds = array<i64: 256, 1280>}, {transform_indices = @transform_11, window_bounds = array<i64: 1280, 256>}]} {
    %get3A = arith.constant 0 : index
    %get3A_0 = arith.constant 0 : index
    %get3A_1 = vector.load %arg3[%get3A, %get3A_0] : memref<1280x256xf32, #tpu.memory_space<vmem>>, vector<1280x256xf32>
    %get3A_2 = arith.constant 0 : index
    %get3A_3 = arith.constant 0 : index
    %get3A_4 = vector.load %arg1[%get3A_2, %get3A_3] : memref<1280x512xf32, #tpu.memory_space<vmem>>, vector<1280x512xf32>
    %get3A_5 = arith.constant 0 : index
    %get3A_6 = arith.constant 0 : index
    %get3A_7 = vector.load %arg2[%get3A_5, %get3A_6] : memref<1280x512xf32, #tpu.memory_space<vmem>>, vector<1280x512xf32>
    %slice3A = vector.extract_strided_slice %get3A_4 {offsets = [0, 0], sizes = [1280, 256], strides = [1, 1]} : vector<1280x512xf32> to vector<1280x256xf32>
    %slice3A_8 = vector.extract_strided_slice %get3A_7 {offsets = [0, 0], sizes = [1280, 256], strides = [1, 1]} : vector<1280x512xf32> to vector<1280x256xf32>
    %add3A = arith.addf %slice3A, %slice3A_8 : vector<1280x256xf32>
    %get3A_9 = arith.constant 0 : index
    %get3A_10 = arith.constant 0 : index
    %get3A_11 = vector.load %arg4[%get3A_9, %get3A_10] : memref<256x256xf32, #tpu.memory_space<vmem>>, vector<256x256xf32>
    %dot_general3A = arith.constant dense<0.000000e+00> : vector<1280x256xf32>
    %dot_general3A_12 = tpu.matmul %get3A_1, %get3A_11, %dot_general3A {dimension_numbers = #tpu.dot_dimension_numbers<[1], [0], [0], [1], [0, 0, 1, 1], [], []>, transpose_lhs_hint = false} : vector<1280x256xf32>, vector<256x256xf32>, vector<1280x256xf32> -> vector<1280x256xf32>
    %add3A_13 = arith.addf %add3A, %dot_general3A_12 : vector<1280x256xf32>
    %mul3A = arith.constant 5.000000e-01 : f32
    %mul3A_14 = vector.broadcast %mul3A : f32 to vector<1280x256xf32>
    %mul3A_15 = arith.mulf %add3A_13, %mul3A_14 : vector<1280x256xf32>
    %mul3A_16 = arith.constant 0.707106769 : f32
    %mul3A_17 = vector.broadcast %mul3A_16 : f32 to vector<1280x256xf32>
    %mul3A_18 = arith.mulf %add3A_13, %mul3A_17 : vector<1280x256xf32>
    %erf3A = math.erf %mul3A_18 : vector<1280x256xf32>
    %add3A_19 = arith.constant 1.000000e+00 : f32
    %add3A_20 = vector.broadcast %add3A_19 : f32 to vector<1280x256xf32>
    %add3A_21 = arith.addf %add3A_20, %erf3A : vector<1280x256xf32>
    %mul3A_22 = arith.mulf %mul3A_15, %add3A_21 : vector<1280x256xf32>
    %get3A_23 = arith.constant 0 : index
    %get3A_24 = arith.constant 0 : index
    %get3A_25 = vector.load %arg6[%get3A_23, %get3A_24] : memref<256x256xf32, #tpu.memory_space<vmem>>, vector<256x256xf32>
    %dot_general3A_26 = arith.constant dense<0.000000e+00> : vector<256x1280xf32>
    %dot_general3A_27 = tpu.matmul %get3A_25, %mul3A_22, %dot_general3A_26 {dimension_numbers = #tpu.dot_dimension_numbers<[0], [1], [1], [0], [0, 1, 1, 0], [], []>, transpose_lhs_hint = false} : vector<256x256xf32>, vector<1280x256xf32>, vector<256x1280xf32> -> vector<256x1280xf32>
    %swap3A = arith.constant 0 : index
    %swap3A_28 = arith.constant 0 : index
    %swap3A_29 = vector.load %arg11[%swap3A, %swap3A_28] : memref<256x1280xf32, #tpu.memory_space<vmem>>, vector<256x1280xf32>
    tpu.vector_store %arg11[%swap3A, %swap3A_28], %dot_general3A_27 {strides = array<i32>} : memref<256x1280xf32, #tpu.memory_space<vmem>>, vector<256x1280xf32>,
    %slice3A_30 = vector.extract_strided_slice %get3A_4 {offsets = [0, 256], sizes = [1280, 256], strides = [1, 1]} : vector<1280x512xf32> to vector<1280x256xf32>
    %slice3A_31 = vector.extract_strided_slice %get3A_7 {offsets = [0, 256], sizes = [1280, 256], strides = [1, 1]} : vector<1280x512xf32> to vector<1280x256xf32>
    %add3A_32 = arith.addf %slice3A_30, %slice3A_31 : vector<1280x256xf32>
    %get3A_33 = arith.constant 0 : index
    %get3A_34 = arith.constant 0 : index
    %get3A_35 = vector.load %arg5[%get3A_33, %get3A_34] : memref<256x256xf32, #tpu.memory_space<vmem>>, vector<256x256xf32>
    %dot_general3A_36 = arith.constant dense<0.000000e+00> : vector<1280x256xf32>
    %dot_general3A_37 = tpu.matmul %get3A_1, %get3A_35, %dot_general3A_36 {dimension_numbers = #tpu.dot_dimension_numbers<[1], [0], [0], [1], [0, 0, 1, 1], [], []>, transpose_lhs_hint = false} : vector<1280x256xf32>, vector<256x256xf32>, vector<1280x256xf32> -> vector<1280x256xf32>
    %add3A_38 = arith.addf %add3A_32, %dot_general3A_37 : vector<1280x256xf32>
    %mul3A_39 = arith.constant 5.000000e-01 : f32
    %mul3A_40 = vector.broadcast %mul3A_39 : f32 to vector<1280x256xf32>
    %mul3A_41 = arith.mulf %add3A_38, %mul3A_40 : vector<1280x256xf32>
    %mul3A_42 = arith.constant 0.707106769 : f32
    %mul3A_43 = vector.broadcast %mul3A_42 : f32 to vector<1280x256xf32>
    %mul3A_44 = arith.mulf %add3A_38, %mul3A_43 : vector<1280x256xf32>
    %erf3A_45 = math.erf %mul3A_44 : vector<1280x256xf32>
    %add3A_46 = arith.constant 1.000000e+00 : f32
    %add3A_47 = vector.broadcast %add3A_46 : f32 to vector<1280x256xf32>
    %add3A_48 = arith.addf %add3A_47, %erf3A_45 : vector<1280x256xf32>
    %mul3A_49 = arith.mulf %mul3A_41, %add3A_48 : vector<1280x256xf32>
    %get3A_50 = arith.constant 0 : index
    %get3A_51 = arith.constant 0 : index
    %get3A_52 = vector.load %arg7[%get3A_50, %get3A_51] : memref<256x256xf32, #tpu.memory_space<vmem>>, vector<256x256xf32>
    %dot_general3A_53 = arith.constant dense<0.000000e+00> : vector<1280x256xf32>
    %dot_general3A_54 = tpu.matmul %mul3A_49, %get3A_52, %dot_general3A_53 {dimension_numbers = #tpu.dot_dimension_numbers<[1], [0], [0], [1], [0, 0, 1, 1], [], []>, transpose_lhs_hint = false} : vector<1280x256xf32>, vector<256x256xf32>, vector<1280x256xf32> -> vector<1280x256xf32>
    %get3A_55 = arith.constant 0 : index
    %get3A_56 = arith.constant 0 : index
    %get3A_57 = vector.load %arg8[%get3A_55, %get3A_56] : memref<1x256xf32, #tpu.memory_space<vmem>>, vector<1x256xf32>
    %add3A_58 = vector.broadcast %get3A_57 : vector<1x256xf32> to vector<1280x256xf32>
    %add3A_59 = arith.addf %dot_general3A_54, %add3A_58 : vector<1280x256xf32>
    %add3A_60 = arith.addf %get3A_1, %add3A_59 : vector<1280x256xf32>
    %get3A_61 = arith.constant 0 : index
    %get3A_62 = arith.constant 0 : index
    %get3A_63 = vector.load %arg9[%get3A_61, %get3A_62] : memref<1x256xf32, #tpu.memory_space<vmem>>, vector<1x256xf32>
    %get3A_64 = arith.constant 0 : index
    %get3A_65 = arith.constant 0 : index
    %get3A_66 = vector.load %arg10[%get3A_64, %get3A_65] : memref<1x256xf32, #tpu.memory_space<vmem>>, vector<1x256xf32>
    %reduce_sum3A = arith.constant dense<0.000000e+00> : vector<1280xf32>
    %reduce_sum3A_67 = vector.multi_reduction <add>, %add3A_60, %reduce_sum3A [1] : vector<1280x256xf32> to vector<1280xf32>
    %broadcast_in_dim3A = vector.shape_cast %reduce_sum3A_67 : vector<1280xf32> to vector<1280x1xf32>
    %div3A = arith.constant 2.560000e+02 : f32
    %div3A_68 = vector.broadcast %div3A : f32 to vector<1280x1xf32>
    %div3A_69 = arith.divf %broadcast_in_dim3A, %div3A_68 : vector<1280x1xf32>
    %sub3A = vector.broadcast %div3A_69 : vector<1280x1xf32> to vector<1280x256xf32>
    %sub3A_70 = arith.subf %add3A_60, %sub3A : vector<1280x256xf32>
    %mul3A_71 = arith.mulf %sub3A_70, %sub3A_70 : vector<1280x256xf32>
    %reduce_sum3A_72 = arith.constant dense<0.000000e+00> : vector<1280xf32>
    %reduce_sum3A_73 = vector.multi_reduction <add>, %mul3A_71, %reduce_sum3A_72 [1] : vector<1280x256xf32> to vector<1280xf32>
    %broadcast_in_dim3A_74 = vector.shape_cast %reduce_sum3A_73 : vector<1280xf32> to vector<1280x1xf32>
    %div3A_75 = arith.constant 2.560000e+02 : f32
    %div3A_76 = vector.broadcast %div3A_75 : f32 to vector<1280x1xf32>
    %div3A_77 = arith.divf %broadcast_in_dim3A_74, %div3A_76 : vector<1280x1xf32>
    %add3A_78 = arith.constant 9.99999974E-6 : f32
    %add3A_79 = vector.broadcast %add3A_78 : f32 to vector<1280x1xf32>
    %add3A_80 = arith.addf %div3A_77, %add3A_79 : vector<1280x1xf32>
    %rsqrt3A = math.rsqrt %add3A_80 : vector<1280x1xf32>
    %mul3A_81 = vector.broadcast %rsqrt3A : vector<1280x1xf32> to vector<1280x256xf32>
    %mul3A_82 = arith.mulf %sub3A_70, %mul3A_81 : vector<1280x256xf32>
    %mul3A_83 = vector.broadcast %get3A_63 : vector<1x256xf32> to vector<1280x256xf32>
    %mul3A_84 = arith.mulf %mul3A_82, %mul3A_83 : vector<1280x256xf32>
    %add3A_85 = vector.broadcast %get3A_66 : vector<1x256xf32> to vector<1280x256xf32>
    %add3A_86 = arith.addf %mul3A_84, %add3A_85 : vector<1280x256xf32>
    %swap3A_87 = arith.constant 0 : index
    %swap3A_88 = arith.constant 0 : index
    %swap3A_89 = vector.load %arg12[%swap3A_87, %swap3A_88] : memref<1280x256xf32, #tpu.memory_space<vmem>>, vector<1280x256xf32>
    tpu.vector_store %arg12[%swap3A_87, %swap3A_88], %add3A_86 {strides = array<i32>} : memref<1280x256xf32, #tpu.memory_space<vmem>>, vector<1280x256xf32>,
    return
  }
  func.func @transform_0(%arg0: i32) -> (i32, i32) {
    %c0_i32 = arith.constant 0 : i32
    %c0_i32_0 = arith.constant 0 : i32
    return %arg0, %c0_i32 : i32, i32
  }
  func.func @transform_1(%arg0: i32) -> (i32, i32) {
    %c0_i32 = arith.constant 0 : i32
    %c0_i32_0 = arith.constant 0 : i32
    return %arg0, %c0_i32 : i32, i32
  }
  func.func @transform_2(%arg0: i32) -> (i32, i32) {
    %c0_i32 = arith.constant 0 : i32
    %c0_i32_0 = arith.constant 0 : i32
    return %arg0, %c0_i32 : i32, i32
  }
  func.func @transform_3(%arg0: i32) -> (i32, i32) {
    %c0_i32 = arith.constant 0 : i32
    %c0_i32_0 = arith.constant 0 : i32
    %c0_i32_1 = arith.constant 0 : i32
    return %c0_i32, %c0_i32_0 : i32, i32
  }
  func.func @transform_4(%arg0: i32) -> (i32, i32) {
    %c0_i32 = arith.constant 0 : i32
    %c0_i32_0 = arith.constant 0 : i32
    %c0_i32_1 = arith.constant 0 : i32
    return %c0_i32, %c0_i32_0 : i32, i32
  }
  func.func @transform_5(%arg0: i32) -> (i32, i32) {
    %c0_i32 = arith.constant 0 : i32
    %c0_i32_0 = arith.constant 0 : i32
    %c0_i32_1 = arith.constant 0 : i32
    return %c0_i32, %c0_i32_0 : i32, i32
  }
  func.func @transform_6(%arg0: i32) -> (i32, i32) {
    %c0_i32 = arith.constant 0 : i32
    %c0_i32_0 = arith.constant 0 : i32
    %c0_i32_1 = arith.constant 0 : i32
    return %c0_i32, %c0_i32_0 : i32, i32
  }
  func.func @transform_7(%arg0: i32) -> (i32, i32) {
    %c0_i32 = arith.constant 0 : i32
    %c0_i32_0 = arith.constant 0 : i32
    %c0_i32_1 = arith.constant 0 : i32
    return %c0_i32, %c0_i32_0 : i32, i32
  }
  func.func @transform_8(%arg0: i32) -> (i32, i32) {
    %c0_i32 = arith.constant 0 : i32
    %c0_i32_0 = arith.constant 0 : i32
    %c0_i32_1 = arith.constant 0 : i32
    return %c0_i32, %c0_i32_0 : i32, i32
  }
  func.func @transform_9(%arg0: i32) -> (i32, i32) {
    %c0_i32 = arith.constant 0 : i32
    %c0_i32_0 = arith.constant 0 : i32
    %c0_i32_1 = arith.constant 0 : i32
    return %c0_i32, %c0_i32_0 : i32, i32
  }
  func.func @transform_10(%arg0: i32) -> (i32, i32) {
    %c0_i32 = arith.constant 0 : i32
    %c0_i32_0 = arith.constant 0 : i32
    return %c0_i32, %arg0 : i32, i32
  }
  func.func @transform_11(%arg0: i32) -> (i32, i32) {
    %c0_i32 = arith.constant 0 : i32
    %c0_i32_0 = arith.constant 0 : i32
    return %arg0, %c0_i32 : i32, i32
  }
}

module attributes {stable_mosaic.version = 14 : i64} {
  func.func @_proj_body(%arg0: i32, %arg1: memref<2000x256xf32, #tpu.memory_space<vmem>>, %arg2: memref<256x1280xf32, #tpu.memory_space<vmem>>, %arg3: memref<1x1280xf32, #tpu.memory_space<vmem>>, %arg4: memref<2000x512xf32, #tpu.memory_space<vmem>>, %arg5: memref<2000x512xf32, #tpu.memory_space<vmem>>, %arg6: memref<2000x256xf32, #tpu.memory_space<vmem>>) attributes {dimension_semantics = [#tpu.dimension_semantics<arbitrary>], iteration_bounds = array<i64: 5>, scalar_prefetch = 0 : i64, scratch_operands = 0 : i64, tpu.core_type = #tpu.core_type<tc>, window_params = [{transform_indices = @transform_0, window_bounds = array<i64: 2000, 256>}, {pipeline_mode = #tpu.pipeline_mode<synchronous>, transform_indices = @transform_1, window_bounds = array<i64: 256, 1280>}, {pipeline_mode = #tpu.pipeline_mode<synchronous>, transform_indices = @transform_2, window_bounds = array<i64: 1, 1280>}, {transform_indices = @transform_3, window_bounds = array<i64: 2000, 512>}, {transform_indices = @transform_4, window_bounds = array<i64: 2000, 512>}, {transform_indices = @transform_5, window_bounds = array<i64: 2000, 256>}]} {
    %get3A = arith.constant 0 : index
    %get3A_0 = arith.constant 0 : index
    %get3A_1 = vector.load %arg1[%get3A, %get3A_0] : memref<2000x256xf32, #tpu.memory_space<vmem>>, vector<2000x256xf32>
    %get3A_2 = arith.constant 0 : index
    %get3A_3 = arith.constant 0 : index
    %get3A_4 = vector.load %arg2[%get3A_2, %get3A_3] : memref<256x1280xf32, #tpu.memory_space<vmem>>, vector<256x1280xf32>
    %dot_general3A = arith.constant dense<0.000000e+00> : vector<2000x1280xf32>
    %dot_general3A_5 = tpu.matmul %get3A_1, %get3A_4, %dot_general3A {dimension_numbers = #tpu.dot_dimension_numbers<[1], [0], [0], [1], [0, 0, 1, 1], [], []>, transpose_lhs_hint = false} : vector<2000x256xf32>, vector<256x1280xf32>, vector<2000x1280xf32> -> vector<2000x1280xf32>
    %get3A_6 = arith.constant 0 : index
    %get3A_7 = arith.constant 0 : index
    %get3A_8 = vector.load %arg3[%get3A_6, %get3A_7] : memref<1x1280xf32, #tpu.memory_space<vmem>>, vector<1x1280xf32>
    %add3A = vector.broadcast %get3A_8 : vector<1x1280xf32> to vector<2000x1280xf32>
    %add3A_9 = arith.addf %dot_general3A_5, %add3A : vector<2000x1280xf32>
    %slice3A = vector.extract_strided_slice %add3A_9 {offsets = [0, 0], sizes = [2000, 512], strides = [1, 1]} : vector<2000x1280xf32> to vector<2000x512xf32>
    %swap3A = arith.constant 0 : index
    %swap3A_10 = arith.constant 0 : index
    %swap3A_11 = vector.load %arg4[%swap3A, %swap3A_10] : memref<2000x512xf32, #tpu.memory_space<vmem>>, vector<2000x512xf32>
    tpu.vector_store %arg4[%swap3A, %swap3A_10], %slice3A {strides = array<i32>} : memref<2000x512xf32, #tpu.memory_space<vmem>>, vector<2000x512xf32>,
    %slice3A_12 = vector.extract_strided_slice %add3A_9 {offsets = [0, 512], sizes = [2000, 512], strides = [1, 1]} : vector<2000x1280xf32> to vector<2000x512xf32>
    %swap3A_13 = arith.constant 0 : index
    %swap3A_14 = arith.constant 0 : index
    %swap3A_15 = vector.load %arg5[%swap3A_13, %swap3A_14] : memref<2000x512xf32, #tpu.memory_space<vmem>>, vector<2000x512xf32>
    tpu.vector_store %arg5[%swap3A_13, %swap3A_14], %slice3A_12 {strides = array<i32>} : memref<2000x512xf32, #tpu.memory_space<vmem>>, vector<2000x512xf32>,
    %slice3A_16 = vector.extract_strided_slice %add3A_9 {offsets = [0, 1024], sizes = [2000, 256], strides = [1, 1]} : vector<2000x1280xf32> to vector<2000x256xf32>
    %swap3A_17 = arith.constant 0 : index
    %swap3A_18 = arith.constant 0 : index
    %swap3A_19 = vector.load %arg6[%swap3A_17, %swap3A_18] : memref<2000x256xf32, #tpu.memory_space<vmem>>, vector<2000x256xf32>
    tpu.vector_store %arg6[%swap3A_17, %swap3A_18], %slice3A_16 {strides = array<i32>} : memref<2000x256xf32, #tpu.memory_space<vmem>>, vector<2000x256xf32>,
    return
  }
  func.func @transform_0(%arg0: i32) -> (i32, i32) {
    %c0_i32 = arith.constant 0 : i32
    %c0_i32_0 = arith.constant 0 : i32
    return %arg0, %c0_i32 : i32, i32
  }
  func.func @transform_1(%arg0: i32) -> (i32, i32) {
    %c0_i32 = arith.constant 0 : i32
    %c0_i32_0 = arith.constant 0 : i32
    %c0_i32_1 = arith.constant 0 : i32
    return %c0_i32, %c0_i32_0 : i32, i32
  }
  func.func @transform_2(%arg0: i32) -> (i32, i32) {
    %c0_i32 = arith.constant 0 : i32
    %c0_i32_0 = arith.constant 0 : i32
    %c0_i32_1 = arith.constant 0 : i32
    return %c0_i32, %c0_i32_0 : i32, i32
  }
  func.func @transform_3(%arg0: i32) -> (i32, i32) {
    %c0_i32 = arith.constant 0 : i32
    %c0_i32_0 = arith.constant 0 : i32
    return %arg0, %c0_i32 : i32, i32
  }
  func.func @transform_4(%arg0: i32) -> (i32, i32) {
    %c0_i32 = arith.constant 0 : i32
    %c0_i32_0 = arith.constant 0 : i32
    return %arg0, %c0_i32 : i32, i32
  }
  func.func @transform_5(%arg0: i32) -> (i32, i32) {
    %c0_i32 = arith.constant 0 : i32
    %c0_i32_0 = arith.constant 0 : i32
    return %arg0, %c0_i32 : i32, i32
  }
}

module attributes {stable_mosaic.version = 14 : i64} {
  func.func @_node_body(%arg0: i32, %arg1: memref<1000x256xf32, #tpu.memory_space<vmem>>, %arg2: memref<1000x256xf32, #tpu.memory_space<vmem>>, %arg3: memref<1000x256xf32, #tpu.memory_space<vmem>>, %arg4: memref<1000x32xf32, #tpu.memory_space<vmem>>, %arg5: memref<256x256xf32, #tpu.memory_space<vmem>>, %arg6: memref<1x256xf32, #tpu.memory_space<vmem>>, %arg7: memref<1x256xf32, #tpu.memory_space<vmem>>, %arg8: memref<256x256xf32, #tpu.memory_space<vmem>>, %arg9: memref<1x256xf32, #tpu.memory_space<vmem>>, %arg10: memref<1x256xf32, #tpu.memory_space<vmem>>, %arg11: memref<1x256xf32, #tpu.memory_space<vmem>>, %arg12: memref<1000x256xf32, #tpu.memory_space<vmem>>) attributes {dimension_semantics = [#tpu.dimension_semantics<arbitrary>], iteration_bounds = array<i64: 10>, scalar_prefetch = 0 : i64, scratch_operands = 0 : i64, tpu.core_type = #tpu.core_type<tc>, window_params = [{transform_indices = @transform_0, window_bounds = array<i64: 1000, 256>}, {transform_indices = @transform_1, window_bounds = array<i64: 1000, 256>}, {transform_indices = @transform_2, window_bounds = array<i64: 1000, 256>}, {transform_indices = @transform_3, window_bounds = array<i64: 1000, 32>}, {pipeline_mode = #tpu.pipeline_mode<synchronous>, transform_indices = @transform_4, window_bounds = array<i64: 256, 256>}, {pipeline_mode = #tpu.pipeline_mode<synchronous>, transform_indices = @transform_5, window_bounds = array<i64: 1, 256>}, {pipeline_mode = #tpu.pipeline_mode<synchronous>, transform_indices = @transform_6, window_bounds = array<i64: 1, 256>}, {pipeline_mode = #tpu.pipeline_mode<synchronous>, transform_indices = @transform_7, window_bounds = array<i64: 256, 256>}, {pipeline_mode = #tpu.pipeline_mode<synchronous>, transform_indices = @transform_8, window_bounds = array<i64: 1, 256>}, {pipeline_mode = #tpu.pipeline_mode<synchronous>, transform_indices = @transform_9, window_bounds = array<i64: 1, 256>}, {pipeline_mode = #tpu.pipeline_mode<synchronous>, transform_indices = @transform_10, window_bounds = array<i64: 1, 256>}, {transform_indices = @transform_11, window_bounds = array<i64: 1000, 256>}]} {
    %get3A = arith.constant 0 : index
    %get3A_0 = arith.constant 0 : index
    %get3A_1 = vector.load %arg2[%get3A, %get3A_0] : memref<1000x256xf32, #tpu.memory_space<vmem>>, vector<1000x256xf32>
    %get3A_2 = arith.constant 0 : index
    %get3A_3 = arith.constant 0 : index
    %get3A_4 = vector.load %arg4[%get3A_2, %get3A_3] : memref<1000x32xf32, #tpu.memory_space<vmem>>, vector<1000x32xf32>
    %reduce_sum3A = arith.constant dense<0.000000e+00> : vector<1000xf32>
    %reduce_sum3A_5 = vector.multi_reduction <add>, %get3A_4, %reduce_sum3A [1] : vector<1000x32xf32> to vector<1000xf32>
    %broadcast_in_dim3A = vector.shape_cast %reduce_sum3A_5 : vector<1000xf32> to vector<1000x1xf32>
    %get3A_6 = arith.constant 0 : index
    %get3A_7 = arith.constant 0 : index
    %get3A_8 = vector.load %arg3[%get3A_6, %get3A_7] : memref<1000x256xf32, #tpu.memory_space<vmem>>, vector<1000x256xf32>
    %get3A_9 = arith.constant 0 : index
    %get3A_10 = arith.constant 0 : index
    %get3A_11 = vector.load %arg7[%get3A_9, %get3A_10] : memref<1x256xf32, #tpu.memory_space<vmem>>, vector<1x256xf32>
    %mul3A = vector.broadcast %broadcast_in_dim3A : vector<1000x1xf32> to vector<1000x256xf32>
    %mul3A_12 = vector.broadcast %get3A_11 : vector<1x256xf32> to vector<1000x256xf32>
    %mul3A_13 = arith.mulf %mul3A, %mul3A_12 : vector<1000x256xf32>
    %add3A = arith.addf %get3A_8, %mul3A_13 : vector<1000x256xf32>
    %add3A_14 = arith.constant 9.99999993E-9 : f32
    %add3A_15 = vector.broadcast %add3A_14 : f32 to vector<1000x1xf32>
    %add3A_16 = arith.addf %broadcast_in_dim3A, %add3A_15 : vector<1000x1xf32>
    %div3A = vector.broadcast %add3A_16 : vector<1000x1xf32> to vector<1000x256xf32>
    %div3A_17 = arith.divf %add3A, %div3A : vector<1000x256xf32>
    %get3A_18 = arith.constant 0 : index
    %get3A_19 = arith.constant 0 : index
    %get3A_20 = vector.load %arg1[%get3A_18, %get3A_19] : memref<1000x256xf32, #tpu.memory_space<vmem>>, vector<1000x256xf32>
    %get3A_21 = arith.constant 0 : index
    %get3A_22 = arith.constant 0 : index
    %get3A_23 = vector.load %arg5[%get3A_21, %get3A_22] : memref<256x256xf32, #tpu.memory_space<vmem>>, vector<256x256xf32>
    %dot_general3A = arith.constant dense<0.000000e+00> : vector<1000x256xf32>
    %dot_general3A_24 = tpu.matmul %div3A_17, %get3A_23, %dot_general3A {dimension_numbers = #tpu.dot_dimension_numbers<[1], [0], [0], [1], [0, 0, 1, 1], [], []>, transpose_lhs_hint = false} : vector<1000x256xf32>, vector<256x256xf32>, vector<1000x256xf32> -> vector<1000x256xf32>
    %add3A_25 = arith.addf %get3A_20, %dot_general3A_24 : vector<1000x256xf32>
    %get3A_26 = arith.constant 0 : index
    %get3A_27 = arith.constant 0 : index
    %get3A_28 = vector.load %arg6[%get3A_26, %get3A_27] : memref<1x256xf32, #tpu.memory_space<vmem>>, vector<1x256xf32>
    %add3A_29 = vector.broadcast %get3A_28 : vector<1x256xf32> to vector<1000x256xf32>
    %add3A_30 = arith.addf %add3A_25, %add3A_29 : vector<1000x256xf32>
    %mul3A_31 = arith.constant 5.000000e-01 : f32
    %mul3A_32 = vector.broadcast %mul3A_31 : f32 to vector<1000x256xf32>
    %mul3A_33 = arith.mulf %add3A_30, %mul3A_32 : vector<1000x256xf32>
    %mul3A_34 = arith.constant 0.707106769 : f32
    %mul3A_35 = vector.broadcast %mul3A_34 : f32 to vector<1000x256xf32>
    %mul3A_36 = arith.mulf %add3A_30, %mul3A_35 : vector<1000x256xf32>
    %erf3A = math.erf %mul3A_36 : vector<1000x256xf32>
    %add3A_37 = arith.constant 1.000000e+00 : f32
    %add3A_38 = vector.broadcast %add3A_37 : f32 to vector<1000x256xf32>
    %add3A_39 = arith.addf %add3A_38, %erf3A : vector<1000x256xf32>
    %mul3A_40 = arith.mulf %mul3A_33, %add3A_39 : vector<1000x256xf32>
    %get3A_41 = arith.constant 0 : index
    %get3A_42 = arith.constant 0 : index
    %get3A_43 = vector.load %arg8[%get3A_41, %get3A_42] : memref<256x256xf32, #tpu.memory_space<vmem>>, vector<256x256xf32>
    %dot_general3A_44 = arith.constant dense<0.000000e+00> : vector<1000x256xf32>
    %dot_general3A_45 = tpu.matmul %mul3A_40, %get3A_43, %dot_general3A_44 {dimension_numbers = #tpu.dot_dimension_numbers<[1], [0], [0], [1], [0, 0, 1, 1], [], []>, transpose_lhs_hint = false} : vector<1000x256xf32>, vector<256x256xf32>, vector<1000x256xf32> -> vector<1000x256xf32>
    %get3A_46 = arith.constant 0 : index
    %get3A_47 = arith.constant 0 : index
    %get3A_48 = vector.load %arg9[%get3A_46, %get3A_47] : memref<1x256xf32, #tpu.memory_space<vmem>>, vector<1x256xf32>
    %add3A_49 = vector.broadcast %get3A_48 : vector<1x256xf32> to vector<1000x256xf32>
    %add3A_50 = arith.addf %dot_general3A_45, %add3A_49 : vector<1000x256xf32>
    %add3A_51 = arith.addf %get3A_1, %add3A_50 : vector<1000x256xf32>
    %get3A_52 = arith.constant 0 : index
    %get3A_53 = arith.constant 0 : index
    %get3A_54 = vector.load %arg10[%get3A_52, %get3A_53] : memref<1x256xf32, #tpu.memory_space<vmem>>, vector<1x256xf32>
    %get3A_55 = arith.constant 0 : index
    %get3A_56 = arith.constant 0 : index
    %get3A_57 = vector.load %arg11[%get3A_55, %get3A_56] : memref<1x256xf32, #tpu.memory_space<vmem>>, vector<1x256xf32>
    %reduce_sum3A_58 = arith.constant dense<0.000000e+00> : vector<1000xf32>
    %reduce_sum3A_59 = vector.multi_reduction <add>, %add3A_51, %reduce_sum3A_58 [1] : vector<1000x256xf32> to vector<1000xf32>
    %broadcast_in_dim3A_60 = vector.shape_cast %reduce_sum3A_59 : vector<1000xf32> to vector<1000x1xf32>
    %div3A_61 = arith.constant 2.560000e+02 : f32
    %div3A_62 = vector.broadcast %div3A_61 : f32 to vector<1000x1xf32>
    %div3A_63 = arith.divf %broadcast_in_dim3A_60, %div3A_62 : vector<1000x1xf32>
    %sub3A = vector.broadcast %div3A_63 : vector<1000x1xf32> to vector<1000x256xf32>
    %sub3A_64 = arith.subf %add3A_51, %sub3A : vector<1000x256xf32>
    %mul3A_65 = arith.mulf %sub3A_64, %sub3A_64 : vector<1000x256xf32>
    %reduce_sum3A_66 = arith.constant dense<0.000000e+00> : vector<1000xf32>
    %reduce_sum3A_67 = vector.multi_reduction <add>, %mul3A_65, %reduce_sum3A_66 [1] : vector<1000x256xf32> to vector<1000xf32>
    %broadcast_in_dim3A_68 = vector.shape_cast %reduce_sum3A_67 : vector<1000xf32> to vector<1000x1xf32>
    %div3A_69 = arith.constant 2.560000e+02 : f32
    %div3A_70 = vector.broadcast %div3A_69 : f32 to vector<1000x1xf32>
    %div3A_71 = arith.divf %broadcast_in_dim3A_68, %div3A_70 : vector<1000x1xf32>
    %add3A_72 = arith.constant 9.99999974E-6 : f32
    %add3A_73 = vector.broadcast %add3A_72 : f32 to vector<1000x1xf32>
    %add3A_74 = arith.addf %div3A_71, %add3A_73 : vector<1000x1xf32>
    %rsqrt3A = math.rsqrt %add3A_74 : vector<1000x1xf32>
    %mul3A_75 = vector.broadcast %rsqrt3A : vector<1000x1xf32> to vector<1000x256xf32>
    %mul3A_76 = arith.mulf %sub3A_64, %mul3A_75 : vector<1000x256xf32>
    %mul3A_77 = vector.broadcast %get3A_54 : vector<1x256xf32> to vector<1000x256xf32>
    %mul3A_78 = arith.mulf %mul3A_76, %mul3A_77 : vector<1000x256xf32>
    %add3A_79 = vector.broadcast %get3A_57 : vector<1x256xf32> to vector<1000x256xf32>
    %add3A_80 = arith.addf %mul3A_78, %add3A_79 : vector<1000x256xf32>
    %swap3A = arith.constant 0 : index
    %swap3A_81 = arith.constant 0 : index
    %swap3A_82 = vector.load %arg12[%swap3A, %swap3A_81] : memref<1000x256xf32, #tpu.memory_space<vmem>>, vector<1000x256xf32>
    tpu.vector_store %arg12[%swap3A, %swap3A_81], %add3A_80 {strides = array<i32>} : memref<1000x256xf32, #tpu.memory_space<vmem>>, vector<1000x256xf32>,
    return
  }
  func.func @transform_0(%arg0: i32) -> (i32, i32) {
    %c0_i32 = arith.constant 0 : i32
    %c0_i32_0 = arith.constant 0 : i32
    return %arg0, %c0_i32 : i32, i32
  }
  func.func @transform_1(%arg0: i32) -> (i32, i32) {
    %c0_i32 = arith.constant 0 : i32
    %c0_i32_0 = arith.constant 0 : i32
    return %arg0, %c0_i32 : i32, i32
  }
  func.func @transform_2(%arg0: i32) -> (i32, i32) {
    %c0_i32 = arith.constant 0 : i32
    %c0_i32_0 = arith.constant 0 : i32
    return %arg0, %c0_i32 : i32, i32
  }
  func.func @transform_3(%arg0: i32) -> (i32, i32) {
    %c0_i32 = arith.constant 0 : i32
    %c0_i32_0 = arith.constant 0 : i32
    return %arg0, %c0_i32 : i32, i32
  }
  func.func @transform_4(%arg0: i32) -> (i32, i32) {
    %c0_i32 = arith.constant 0 : i32
    %c0_i32_0 = arith.constant 0 : i32
    %c0_i32_1 = arith.constant 0 : i32
    return %c0_i32, %c0_i32_0 : i32, i32
  }
  func.func @transform_5(%arg0: i32) -> (i32, i32) {
    %c0_i32 = arith.constant 0 : i32
    %c0_i32_0 = arith.constant 0 : i32
    %c0_i32_1 = arith.constant 0 : i32
    return %c0_i32, %c0_i32_0 : i32, i32
  }
  func.func @transform_6(%arg0: i32) -> (i32, i32) {
    %c0_i32 = arith.constant 0 : i32
    %c0_i32_0 = arith.constant 0 : i32
    %c0_i32_1 = arith.constant 0 : i32
    return %c0_i32, %c0_i32_0 : i32, i32
  }
  func.func @transform_7(%arg0: i32) -> (i32, i32) {
    %c0_i32 = arith.constant 0 : i32
    %c0_i32_0 = arith.constant 0 : i32
    %c0_i32_1 = arith.constant 0 : i32
    return %c0_i32, %c0_i32_0 : i32, i32
  }
  func.func @transform_8(%arg0: i32) -> (i32, i32) {
    %c0_i32 = arith.constant 0 : i32
    %c0_i32_0 = arith.constant 0 : i32
    %c0_i32_1 = arith.constant 0 : i32
    return %c0_i32, %c0_i32_0 : i32, i32
  }
  func.func @transform_9(%arg0: i32) -> (i32, i32) {
    %c0_i32 = arith.constant 0 : i32
    %c0_i32_0 = arith.constant 0 : i32
    %c0_i32_1 = arith.constant 0 : i32
    return %c0_i32, %c0_i32_0 : i32, i32
  }
  func.func @transform_10(%arg0: i32) -> (i32, i32) {
    %c0_i32 = arith.constant 0 : i32
    %c0_i32_0 = arith.constant 0 : i32
    %c0_i32_1 = arith.constant 0 : i32
    return %c0_i32, %c0_i32_0 : i32, i32
  }
  func.func @transform_11(%arg0: i32) -> (i32, i32) {
    %c0_i32 = arith.constant 0 : i32
    %c0_i32_0 = arith.constant 0 : i32
    return %arg0, %c0_i32 : i32, i32
  }
}

</mosaic_0001>

<sc_bundles>
// kernel: kernel.10.cloned.1.call-start
scs
__scs_entry_jumppad:
0x0: {  	(pc) =	sbr.rel $0x88, $3  }
0x1: {  	(tag) =	ssettag $0x0;
	lr =	simm.s32 $0x1  }
0x2: {  	[smem:$0x3F8E] =	sst lr;
	_ =	strace $0xD0000000  }
0x3: {  	_ = 	snop  }
0x4: {  	_ = 	snop  }
0x5: {  	_ = 	snop  }
0x6: {  	_ = 	snop  }
0x7: {  	_ = 	snop  }
__scs_overlays_trampoline_lowered:
0x8: {  	[smem:$0x3F9D] =	sst s0  }
0x9: {  	[smem:$0x3F9E] =	sst s1  }
0xa: {  	[smem:$0x3F9F] =	sst s2  }
0xb: {  	[smem:$0x3FA0] =	sst s3  }
0xc: {  	[smem:$0x3FA1] =	sst s4  }
0xd: {  	[smem:$0x3FA2] =	sst s5  }
0xe: {  	[smem:$0x3FA3] =	sst s6  }
0xf: {  	[smem:$0x3FA4] =	sst s7  }
0x10: {  	[smem:$0x3FA5] =	sst s8  }
0x11: {  	[smem:$0x3FA6] =	sst s9;
	s0 =	simm.s32 @!p0 $0x0  }
0x12: {  	s1 =	sld [smem:$0x3F8C];
	s0 =	simm.s32 @p0 $0x1  }
0x13: {  	[smem:$0x3FA7] =	sst s0;
	s0 =	simm.s32 @!p1 $0x0  }
0x14: {  	s2 =	sld [smem:$0x3F8B];
	s0 =	simm.s32 @p1 $0x1  }
0x15: {  	[smem:$0x3FA8] =	sst s0;
	s0 =	simm.s32 @!p2 $0x0  }
0x16: {  	s3 =	sld [smem:$0x3FDB];
	s0 =	simm.s32 @p2 $0x1  }
0x17: {  	s4 =	simm.s32 $0x1BF5;
	[smem:$0x3FAA] =	sst s0  }
0x18: {  	s0 =	sld [smem:$0x3F8D];
	_ =	swait.ge [sflag:s4], $0x0  }
0x19: {  	s7 =	sld [smem:$0x3F8E]  }
0x1a: {  	s8 =	sadd.s32 $0xFFFFE003, lr  }
0x1b: {  	s9 =	sadd.s32 $0xFFFFFEF7, lr;
	s5 =	simm.s32 $0xFFFFFFFF;
	p2 =	slt.u32 s8, $0xFFFFF086  }
0x1c: {  	p1 =	slt.u32 s9, $0xF7A;
	s5 =	simm.s32 @!p2 $0x0  }
0x1d: {  	s5 =	simm.s32 @p1 $0x1;
	p0 =	seq.s32 s7, s2  }
0x1e: {  	s7 =	smul.u32 @!p0 $0xF7A, s2;
	p2 =	seq.s32 @!p0 s5, $0x0  }
0x1f: {  	s9 =	smul.u32 $0xF7A, s1;
	s8 =	simm.s32 @!p0 $0x1BF5;
	p2 =	por !p2, p0  }
0x20: {  	[sflag:s8] =	ssyncset.s32 @!p0 $0xFFFFF086;
	s6 =	sadd.s32 @!p0 s3, s7;
	s7 =	simm.s32 @!p0 $0x108  }
0x21: {  	s3 =	sadd.s32 s3, s9;
	s6 =	sadd.s32 @!p0 $0x88, s6;
	s7 =	simm.s32 @p2 $0x1082  }
0x22: {  	[simem:s7], [sflag:s8] =	dma.local @!p0 [hbm:s6], $0xF7A  }
0x23: {  	s9 =	sor.u32 $0xD0000000, s2;
	s6 =	simm.s32 $0x108;
	_ =	swait.ge @!p0 [sflag:s8], $0x0  }
0x24: {  	s3 =	sadd.s32 $0x88, s3;
	s6 =	simm.s32 @!p1 $0x1082;
	[sflag:s4] =	ssyncset.s32 $0xFFFFF086  }
0x25: {  	[simem:s6], [sflag:s4] =	dma.local [hbm:s3], $0xF7A  }
0x26: {  	[smem:$0x3F8E] =	sst s1;
	(tag) =	ssettag s2;
	_ =	strace s9  }
0x27: {  	s1 =	sld [smem:$0x3F9E]  }
0x28: {  	s2 =	sld [smem:$0x3F9F]  }
0x29: {  	s4 =	sld [smem:$0x3FA1]  }
0x2a: {  	p0 =	seq.s32 s5, $0x0;
	s5 =	sld [smem:$0x3FA2]  }
0x2b: {  	s6 =	sld [smem:$0x3FA3]  }
0x2c: {  	s7 =	sld [smem:$0x3FA4]  }
0x2d: {  	s3 =	simm.s32 $0x108;
	s8 =	sld [smem:$0x3FA5]  }
0x2e: {  	s3 =	simm.s32 @!p0 $0x1082;
	s9 =	sld [smem:$0x3FA6]  }
0x2f: {  	lr =	sadd.s32 s0, s3;
	s0 =	sld [smem:$0x3F9D]  }
0x30: {  	s3 =	sld [smem:$0x3FA0]  }
0x31: {  	[smem:$0x3FA9] =	sst s10  }
0x32: {  	s10 =	sld [smem:$0x3FA7];
	_ =	sdelay $0x3  }
0x33: {  	p0 =	seq.s32 s10, $0x1;
	s10 =	sld [smem:$0x3FA9];
	_ =	sdelay $0x3  }
0x34: {  	[smem:$0x3FA9] =	sst s10  }
0x35: {  	s10 =	sld [smem:$0x3FA8];
	_ =	sdelay $0x3  }
0x36: {  	p1 =	seq.s32 s10, $0x1;
	s10 =	sld [smem:$0x3FA9];
	_ =	sdelay $0x3  }
0x37: {  	[smem:$0x3FA9] =	sst s10  }
0x38: {  	s10 =	sld [smem:$0x3FAA]  }
0x39: {  	_ = 	snop;
	(pc) =	sbr.ind lr, $3  }
0x3a: {  	_ = 	snop  }
0x3b: {  	_ = 	snop  }
0x3c: {  	p2 =	seq.s32 s10, $0x1;
	s10 =	sld [smem:$0x3FA9]  }
0x3d: {  	_ =	shalt  }
0x3e: {  	_ =	shalt  }
0x3f: {  	_ =	shalt  }
0x40: {  	_ =	shalt  }
0x41: {  	_ =	shalt  }
0x42: {  	_ =	shalt  }
0x43: {  	_ =	shalt  }
0x44: {  	_ =	shalt  }
0x45: {  	_ =	shalt  }
0x46: {  	_ =	shalt  }
0x47: {  	_ =	shalt  }
0x48: {  	_ =	shalt  }
0x49: {  	_ =	shalt  }
0x4a: {  	_ =	shalt  }
0x4b: {  	_ =	shalt  }
0x4c: {  	_ =	shalt  }
0x4d: {  	_ =	shalt  }
0x4e: {  	_ =	shalt  }
0x4f: {  	_ =	shalt  }
0x50: {  	_ =	shalt  }
0x51: {  	_ =	shalt  }
0x52: {  	_ =	shalt  }
0x53: {  	_ =	shalt  }
0x54: {  	_ =	shalt  }
0x55: {  	_ =	shalt  }
0x56: {  	_ =	shalt  }
0x57: {  	_ =	shalt  }
0x58: {  	_ =	shalt  }
0x59: {  	_ =	shalt  }
0x5a: {  	_ =	shalt  }
0x5b: {  	_ =	shalt  }
0x5c: {  	_ =	shalt  }
0x5d: {  	_ =	shalt  }
0x5e: {  	_ =	shalt  }
0x5f: {  	_ =	shalt  }
0x60: {  	_ =	shalt  }
0x61: {  	_ =	shalt  }
0x62: {  	_ =	shalt  }
0x63: {  	_ =	shalt  }
0x64: {  	_ =	shalt  }
0x65: {  	_ =	shalt  }
0x66: {  	_ =	shalt  }
0x67: {  	_ =	shalt  }
0x68: {  	_ =	shalt  }
0x69: {  	_ =	shalt  }
0x6a: {  	_ =	shalt  }
0x6b: {  	_ =	shalt  }
0x6c: {  	_ =	shalt  }
0x6d: {  	_ =	shalt  }
0x6e: {  	_ =	shalt  }
0x6f: {  	_ =	shalt  }
0x70: {  	_ =	shalt  }
0x71: {  	_ =	shalt  }
0x72: {  	_ =	shalt  }
0x73: {  	_ =	shalt  }
0x74: {  	_ =	shalt  }
0x75: {  	_ =	shalt  }
0x76: {  	_ =	shalt  }
0x77: {  	_ =	shalt  }
0x78: {  	_ =	shalt  }
0x79: {  	_ =	shalt  }
0x7a: {  	_ =	shalt  }
0x7b: {  	_ =	shalt  }
0x7c: {  	_ =	shalt  }
0x7d: {  	_ =	shalt  }
0x7e: {  	_ =	shalt  }
0x7f: {  	_ =	shalt  }
0x80: {  	_ =	shalt  }
0x81: {  	_ =	shalt  }
0x82: {  	_ =	shalt  }
0x83: {  	_ =	shalt  }
0x84: {  	_ =	shalt  }
0x85: {  	_ =	shalt  }
0x86: {  	_ =	shalt  }
0x87: {  	_ =	shalt  }
.Lfunc_end0:
.L_simem_size_0:
called_computation.1_lowered:
.L_overlay_start_0:
0x88: {  	s2 =	sld [smem:$0x3FD9]  }
0x89: {  	s3 =	sld [smem:$0x3FFE];
	_ =	sdelay $0x1  }
0x8a: {  	s1 =	srdreg.scid  }
0x8b: {  	s0 =	sand.u32 $0x1, s1  }
0x8c: {  	s16 =	sshll.u32 s0, $0xA;
	s2 =	sadd.s32 s3, s2  }
0x8d: {  	s2 =	sadd.s32 s2, s16  }
0x8e: {  	[smem:$0x3FB5] =	sst s2  }
0x8f: {  	_ = 	snop  }
0x90: {  	(tm) =	ssettm $0x1  }
0x91: {  	s17 =	sld [smem:$0x3FFB];
	_ =	sdelay $0x3  }
0x92: {  	_ =	strace s17  }
0x93: {  	s2 =	sld [smem:$0x3FFC];
	_ =	sdelay $0x3  }
0x94: {  	_ =	strace s2  }
0x95: {  	s2 =	sld [smem:$0x3FFD];
	_ =	sdelay $0x3  }
0x96: {  	_ =	strace s2  }
0x97: {  	_ =	strace $0x8FFFFFFF  }
0x98: {  	s18 =	sld [smem:$0x3FDB];
	_ =	sdelay $0x1  }
0x99: {  	s19 =	simm.s32 $_scs_section_size  }
0x9a: {  	s4 =	simm.s32 $_size__tile_overlayer_lowered;
	s5 =	simm.s32 $_tile_overlayer_lowered  }
0x9b: {  	s22 =	simm.s32 $0x1BFF;
	s21 =	sshll.u32 s5, $0x1;
	s2 =	sadd.s32 s19, s18  }
0x9c: {  	s6 =	simm.s32 $0x0;
	s20 =	sshll.u32 s4, $0x1;
	s4 =	sadd.s32 s21, s2  }
0x9d: {  	[timem:s6], [sflag:s22] =	dma.local [hbm:s4], s20  }
0x9e: {  	_ =	swait.ge [sflag:s22], s20  }
0x9f: {  	s3 =	ssub.s32 $0x0, s20;
	[sflag:s22] =	ssyncset.done $0x0  }
0xa0: {  	[sflag:s22] =	ssyncadd.s32 s3;
	_ =	sdelay $0x1  }
0xa1: {  	s23 =	simm.s32 $0x1B8B  }
0xa2: {  	_ =	swait.ge [sflag:s23], $0x1  }
0xa3: {  	[sflag:s23] =	ssyncset.done $0x0  }
0xa4: {  	s25 =	simm.s32 $0x1B8E;
	s24 =	sld [smem:$0x3FFE];
	[sflag:s23] =	ssyncadd.s32 $0xFFFFFFFF  }
0xa5: {  	s26 =	simm.s32 $execute0_lowered;
	[smem:$0x3FD2] =	sst s25  }
0xa6: {  	s4 =	sshll.u32 s26, $0x1;
	_ =	strace $0x80000049;
	[dreg:$0x1] =	wrdreg $0xFFFFFFFF  }
0xa7: {  	s28 =	simm.s32 $_size_execute0_lowered;
	s2 =	sadd.s32 s2, s4;
	[dreg:$0x0] =	wrdreg $0x0  }
0xa8: {  	s4 =	sshll.u32 s28, $0x1;
	[dreg:$0x2] =	wrdreg s2  }
0xa9: {  	[dreg:$0x3] =	wrdreg s4  }
0xaa: {  	[dreg:$0x4] =	wrdreg $0xC0  }
0xab: {  	_ =	task [dreg:s6], $0x5FFFF  }
0xac: {  	[dreg:$0x1] =	wrdreg $0xFFFFFFFF  }
0xad: {  	[dreg:$0x0] =	wrdreg $0x60  }
0xae: {  	[dreg:$0x2] =	wrdreg s24  }
0xaf: {  	[dreg:$0x3] =	wrdreg $0x9  }
0xb0: {  	_ =	task.clear_ibuf [dreg:s6], $0x4FFFF;
	_ =	strace $0x90000049  }
0xb1: {  	s29 =	simm.s32 $0x9;
	_ =	strace $0x8000004B  }
0xb2: {  	_ =	swait.ge [sflag:s29], $0x1  }
0xb3: {  	[sflag:s29] =	ssyncadd.s32 $0xFFFFFFFF  }
0xb4: {  	_ =	strace $0x9000004B  }
0xb5: {  	_ =	sfence  }
0xb6: {  	s30 =	sld [smem:$0x0];
	_ =	sdelay $0x2  }
0xb7: {  	s31 =	sshll.u32 s1, $0xD;
	s1 =	sshrl.u32 s1, $0x2  }
0xb8: {  	s3 =	sand.u32 $0x4000, s31;
	s1 =	sadd.s32 s1, s30  }
0xb9: {  	s0 =	sor.u32 s3, s0;
	s1 =	sshll.u32 s1, $0x11  }
0xba: {  	s0 =	sor.u32 s1, s0  }
0xbb: {  	s0 =	sadd.s32 $0x8F2B, s0  }
0xbc: {  	[sflag:s0] =	ssyncadd.remote.s32 $0x1  }
0xbd: {  	_ =	sfence.sel $0xFFFF  }
0xbe: {  	[dreg:$0x0] =	wrdreg $0xFFFFFFFF;
	(pc) =	sbr.abs _section_cstart, $3  }
0xbf: {  	[dreg:$0x1] =	wrdreg $0xFFFFFFFF  }
0xc0: {  	_ =	task.clear_ibuf [dreg:s6], $0x2FFFF;
	_ =	strace $0x9FFFFFFF  }
0xc1: {  	(tm) =	ssettm $0x7FFFFFFF  }
tec
execute0_lowered:
.L_overlay_start_1:
0x0: {  	(tag) =	ssettag $0x1  }
0x1: {  	s0 =	srdreg.scid  }
0x2: {  	s11 =	stileid.u32;
	s1 =	rddreg [dreg:$0x0]  }
0x3: {  	s2 =	simm.s32 $0x0;
	s15 =	simm.s32 $0x16180;
	s16 =	simm.s32 $0x1B180  }
0x4: {  	s17 =	simm.s32 $0x17580;
	s18 =	simm.s32 $0x1B400;
	s28 =	simm.s32 $0x3  }
0x5: {  	s29 =	simm.s32 $0x7;
	s30 =	simm.s32 $0x4;
	s31 =	simm.s32 $0x8  }
0x6: {  	s19 =	simm.s32 $0x0;
	s0 =	sand.u32 $0x1, s0;
	s3 =	sshll.u32 s11, $0x1  }
0x7: {  	[smem:$0x7FF] =	sst s2;
	s4 =	sadd.s32 $0x1434C00, s1;
	s5 =	sadd.s32 $0x9800, s1  }
0x8: {  	s22 =	sadd.s32 $0x9850, s1;
	p0 =	sgt.u32 s11, $0x7;
	s6 =	sor.u32 s0, s3  }
0x9: {  	_ =	strace $0x8000004A;
	s0 =	ssub.s32 $0x2, s0;
	s7 =	smul.u32 $0x2740, s6  }
0xa: {  	[dreg:$0x3] =	wrdreg s22;
	s8 =	smul.u32 $0x4E2, s6;
	s10 =	sshrl.u32 s0, $0x1  }
0xb: {  	s22 =	simm.s32 $0x1B900;
	s3 =	smul.u32 $0x138800, s6;
	s0 =	ssub.s32 s0, s10  }
0xc: {  	s7 =	sadd.s32 s7, s1;
	s9 =	sadd.s32 s8, s1;
	s1 =	sadd.s32 $0x98A0, s1  }
0xd: {  	s20 =	sshrl.u32 s3, $0x3;
	s24 =	sadd.s32 s5, s8;
	[dreg:$0x5] =	wrdreg s1  }
0xe: {  	s0 =	smax.u32 s0, $0x1;
	s6 =	sadd.s32 s4, s20;
	[dreg:$0x6] =	wrdreg s24  }
0xf: {  	s25 =	sadd.s32 $0x1A600, s7;
	s26 =	sadd.s32 $0x10800, s9;
	[dreg:$0x9] =	wrdreg s0  }
.Ltmp0:
0x10: {  	s24 =	simm.s32 $0x5;
	s0 =	simm.s32 $0x9;
	(pc) =	sbr.rel .LBB2_1-.Ltmp0, $4  }
0x11: {  	s1 =	simm.s32 $0x13A00;
	s20 =	simm.s32 $0x0;
	[dreg:$0x7] =	wrdreg s25  }
0x12: {  	s21 =	sadd.s32 $0x280, s6;
	s23 =	sadd.s32 $0x500, s6;
	[dreg:$0x8] =	wrdreg s26  }
0x13: {  	s25 =	simm.s32 $0x2;
	s26 =	simm.s32 $0x6;
	[dreg:$0x2] =	wrdreg s21  }
0x14: {  	v0 =	vimm.f32 $0.0e+00;
	v1 =	vimm.f32 $1.000000000e+00;
	[dreg:$0x4] =	wrdreg s23;
	s21 =	simm.s32 $0x19D80;
	s23 =	simm.s32 $0x1  }
.LBB2_23:
0x15: {  	s7 =	rddreg [dreg:$0x7]  }
0x16: {  	[hbm4b:s7+s2] =	stream.linear.scatter [tilespmem:s2], [sflag:$0x9], $0x13A00, $0x38;
	[tilespmem:$0x1E300] =	vst v63  }
0x17: {  	_ =	swait.ge [sflag:s0], $0x13A00  }
0x18: {  	[sflag:s0] =	ssyncset.done $0x0  }
0x19: {  	s13 =	rddreg [dreg:$0x8];
	[sflag:s0] =	ssyncadd.s32 $0xFFFEC600  }
0x1a: {  	[hbm4b:s13+s2] =	stream.linear.scatter [tilespmem:s1], [sflag:$0x9], $0x2710, $0x38;
	[tilespmem:$0x1E300] =	vst v63  }
0x1b: {  	_ =	swait.ge [sflag:s0], $0x2710  }
0x1c: {  	s19 =	sadd.s32 $0x1, s19;
	s14 =	rddreg [dreg:$0x9]  }
0x1d: {  	p1 =	sne.s32 s19, s14  }
.Ltmp1:
0x1e: {  	_ = 	snop;
	(pc) =	sbr.rel @!p1 .LBB2_24-.Ltmp1, $3  }
0x1f: {  	_ =	sdelay $0x1  }
0x20: {  	[sflag:s0] =	ssyncset.done $0x0  }
0x21: {  	[sflag:s0] =	ssyncadd.s32 $0xFFFFD8F0  }
.LBB2_1:
0x22: {  	s7 =	simm.s32 $0x0  }
.LBB2_2:
0x23: {  	p1 =	sne.s32 s7, $0x4E7C0  }
.Ltmp2:
0x24: {  	_ = 	snop;
	(pc) =	sbr.rel @p1 .LBB2_2-.Ltmp2, $3  }
0x25: {  	_ =	sdelay $0x1  }
0x26: {  	s8 =	sshra.s32 s7, $0x2  }
0x27: {  	s7 =	sadd.s32 $0x40, s7;
	[tilespmem:s8+$0x0] =	vst v0  }
0x28: {  	s7 =	simm.s32 $0x40;
	s8 =	simm.s32 $0x0  }
.LBB2_4:
0x29: {  	p1 =	sne.s32 s7, $0x9C00;
	[tilespmem:s8+$0x13A00] =	vst v0;
	s8 =	smov.u32 s7;
	s7 =	sadd.s32 $0x40, s7  }
.Ltmp3:
0x2a: {  	(pc) =	sbr.rel @p1 .LBB2_4-.Ltmp3, $2  }
0x2b: {  	_ =	sdelay $0x2  }
0x2c: {  	s8 =	sshra.s32 s8, $0x2  }
0x2d: {  	[tilespmem:s8+$0x13A00] =	vst v0  }
0x2e: {  	[tilespmem:s15], [sflag:$0x1] =	stream.linear.gather [hbm4b:s6+s20], $0x1400, $0x38;
	[tilespmem:$0x1E300] =	vst v63  }
0x2f: {  	_ = 	snop  }
0x30: {  	[tilespmem:s16], [sflag:$0x5] =	stream.linear.gather [hbm4b:s5+s20], $0x280, $0x38;
	[tilespmem:$0x1E300] =	vst v63  }
0x31: {  	s7 =	rddreg [dreg:$0x2]  }
0x32: {  	[tilespmem:s17], [sflag:$0x2] =	stream.linear.gather [hbm4b:s7+s20], $0x1400, $0x38;
	[tilespmem:$0x1E300] =	vst v63  }
0x33: {  	s10 =	rddreg [dreg:$0x3]  }
0x34: {  	[tilespmem:s18], [sflag:$0x6] =	stream.linear.gather [hbm4b:s10+s20], $0x280, $0x38;
	[tilespmem:$0x1E300] =	vst v63  }
0x35: {  	s11 =	rddreg [dreg:$0x4];
	s12 =	simm.s32 $0x18980  }
0x36: {  	[tilespmem:s12], [sflag:$0x3] =	stream.linear.gather [hbm4b:s11+s20], $0x1400, $0x38;
	[tilespmem:$0x1E300] =	vst v63  }
0x37: {  	s13 =	rddreg [dreg:$0x5];
	s14 =	simm.s32 $0x1B680;
	s11 =	simm.s32 $0x0  }
0x38: {  	[tilespmem:s14], [sflag:$0x7] =	stream.linear.gather [hbm4b:s13+s20], $0x280, $0x38;
	[tilespmem:$0x1E300] =	vst v63  }
.LBB2_6:
0x39: {  	s7 =	sshllo.u32 s11, $0x2  }
0x3a: {  	s8 =	smul.u32 $0x1400, s7;
	_ =	sdelay $0x1  }
0x3b: {  	s8 =	sadd.s32 s3, s8  }
0x3c: {  	s8 =	sshrl.u32 s8, $0x3  }
0x3d: {  	s7 =	smul.u32 $0x50, s7;
	s8 =	sadd.s32 s4, s8  }
0x3e: {  	[tilespmem:s21], [sflag:$0x4] =	stream.linear.gather [hbm4b:s8+s20], $0x1400, $0x38;
	[tilespmem:$0x1E300] =	vst v63  }
0x3f: {  	s7 =	sadd.s32 s5, s7  }
0x40: {  	[tilespmem:s22], [sflag:$0x8] =	stream.linear.gather [hbm4b:s7+s20], $0x280, $0x38;
	[tilespmem:$0x1E300] =	vst v63  }
0x41: {  	_ =	swait.ge [sflag:s23], $0x1400  }
0x42: {  	[sflag:s23] =	ssyncset.done $0x0  }
0x43: {  	[sflag:s23] =	ssyncadd.s32 $0xFFFFEC00  }
0x44: {  	_ =	swait.ge [sflag:s24], $0x280  }
0x45: {  	[sflag:s24] =	ssyncset.done $0x0  }
0x46: {  	s8 =	simm.s32 $0x1B180;
	[sflag:s24] =	ssyncadd.s32 $0xFFFFFD80  }
0x47: {  	v2 =	vld [tilespmem:s8+$0x0];
	_ =	sdelay $0x2  }
0x48: {  	s13 =	sand.u32 $0x70, s20;
	s9 =	sand.u32 $0x1C00, s20  }
0x49: {  	s7 =	sor.u32 s13, s9  }
0x4a: {  	v3 =	vshll.u32 v2, $0x3;
	v2 =	vld [tilespmem:s7+$0x16180];
	_ =	sdelay $0x4  }
0x4b: {  	[tilespmem:v3+s2+$0x0] =	vst.idx.add.f32.msk $0xffff, v2  }
0x4c: {  	v4 =	vor.u32 $0x1, v3;
	v2 =	vld [tilespmem:s7+$0x16200];
	_ =	sdelay $0x4  }
0x4d: {  	[tilespmem:v4+s2+$0x0] =	vst.idx.add.f32.msk $0xffff, v2  }
0x4e: {  	v4 =	vor.u32 $0x2, v3;
	v2 =	vld [tilespmem:s7+$0x16280];
	_ =	sdelay $0x4  }
0x4f: {  	[tilespmem:v4+s2+$0x0] =	vst.idx.add.f32.msk $0xffff, v2  }
0x50: {  	v4 =	vor.u32 $0x3, v3;
	v2 =	vld [tilespmem:s7+$0x16300];
	_ =	sdelay $0x4  }
0x51: {  	[tilespmem:v4+s2+$0x0] =	vst.idx.add.f32.msk $0xffff, v2  }
0x52: {  	v4 =	vor.u32 $0x4, v3;
	v2 =	vld [tilespmem:s7+$0x16380];
	_ =	sdelay $0x4  }
0x53: {  	[tilespmem:v4+s2+$0x0] =	vst.idx.add.f32.msk $0xffff, v2  }
0x54: {  	v4 =	vor.u32 $0x5, v3;
	v2 =	vld [tilespmem:s7+$0x16400];
	_ =	sdelay $0x4  }
0x55: {  	[tilespmem:v4+s2+$0x0] =	vst.idx.add.f32.msk $0xffff, v2  }
0x56: {  	v4 =	vor.u32 $0x6, v3;
	v2 =	vld [tilespmem:s7+$0x16480];
	_ =	sdelay $0x3  }
0x57: {  	s14 =	sor.u32 s20, s20  }
0x58: {  	s10 =	sor.u32 $0x380, s14;
	[tilespmem:v4+s2+$0x0] =	vst.idx.add.f32.msk $0xffff, v2  }
0x59: {  	s9 =	simm.s32 $0x10;
	v3 =	vor.u32 $0x7, v3;
	s7 =	sshll.u32 s11, $0x2;
	v2 =	vld [tilespmem:s10+$0x16180];
	s10 =	simm.s32 $0x0  }
.LBB2_7:
0x5a: {  	_ =	sdelay $0x3  }
0x5b: {  	p1 =	sne.s32 s9, $0x270;
	s10 =	sadd.s32 $0x80, s10;
	s8 =	sadd.s32 $0x10, s8;
	[tilespmem:v3+s2+$0x0] =	vst.idx.add.f32.msk $0xffff, v2  }
0x5c: {  	s12 =	smov.u32 s9;
	s9 =	sadd.s32 $0x10, s9;
	v2 =	vld [tilespmem:s8+$0x0];
	_ =	sdelay $0x2  }
0x5d: {  	s13 =	sand.u32 $0x70, s12;
	s14 =	sand.u32 $0x1C00, s10  }
0x5e: {  	s13 =	sor.u32 s13, s14  }
0x5f: {  	v3 =	vshll.u32 v2, $0x3;
	v2 =	vld [tilespmem:s13+$0x16180];
	_ =	sdelay $0x4  }
0x60: {  	[tilespmem:v3+s2+$0x0] =	vst.idx.add.f32.msk $0xffff, v2  }
0x61: {  	v4 =	vor.u32 $0x1, v3;
	v2 =	vld [tilespmem:s13+$0x16200];
	_ =	sdelay $0x4  }
0x62: {  	[tilespmem:v4+s2+$0x0] =	vst.idx.add.f32.msk $0xffff, v2  }
0x63: {  	v4 =	vor.u32 $0x2, v3;
	v2 =	vld [tilespmem:s13+$0x16280];
	_ =	sdelay $0x4  }
0x64: {  	[tilespmem:v4+s2+$0x0] =	vst.idx.add.f32.msk $0xffff, v2  }
0x65: {  	v4 =	vor.u32 $0x3, v3;
	v2 =	vld [tilespmem:s13+$0x16300];
	_ =	sdelay $0x4  }
0x66: {  	[tilespmem:v4+s2+$0x0] =	vst.idx.add.f32.msk $0xffff, v2  }
0x67: {  	v4 =	vor.u32 $0x4, v3;
	v2 =	vld [tilespmem:s13+$0x16380];
	_ =	sdelay $0x4  }
0x68: {  	[tilespmem:v4+s2+$0x0] =	vst.idx.add.f32.msk $0xffff, v2  }
0x69: {  	v4 =	vor.u32 $0x5, v3;
	v2 =	vld [tilespmem:s13+$0x16400];
	_ =	sdelay $0x4  }
0x6a: {  	[tilespmem:v4+s2+$0x0] =	vst.idx.add.f32.msk $0xffff, v2  }
0x6b: {  	v4 =	vor.u32 $0x6, v3;
	v2 =	vld [tilespmem:s13+$0x16480];
	_ =	sdelay $0x1  }
.Ltmp4:
0x6c: {  	(pc) =	sbr.rel @p1 .LBB2_7-.Ltmp4, $4  }
0x6d: {  	_ = 	snop  }
0x6e: {  	s12 =	sor.u32 s10, s12  }
0x6f: {  	s12 =	sor.u32 $0x380, s12;
	[tilespmem:v4+s2+$0x0] =	vst.idx.add.f32.msk $0xffff, v2  }
0x70: {  	v3 =	vor.u32 $0x7, v3;
	v2 =	vld [tilespmem:s12+$0x16180]  }
0x71: {  	s9 =	sadd.s32 $0x4, s7  }
0x72: {  	s8 =	smul.u32 $0x1400, s9;
	_ =	sdelay $0x1  }
0x73: {  	s8 =	sadd.s32 s3, s8  }
0x74: {  	s8 =	sshrl.u32 s8, $0x3  }
0x75: {  	s9 =	smul.u32 $0x50, s9;
	[tilespmem:v3+s2+$0x0] =	vst.idx.add.f32.msk $0xffff, v2;
	s10 =	sadd.s32 s4, s8;
	s8 =	simm.s32 $0x0  }
0x76: {  	[tilespmem:s15], [sflag:$0x1] =	stream.linear.gather [hbm4b:s10+s8], $0x1400, $0x38;
	[tilespmem:$0x1E300] =	vst v63  }
0x77: {  	s9 =	sadd.s32 s5, s9  }
0x78: {  	[tilespmem:s16], [sflag:$0x5] =	stream.linear.gather [hbm4b:s9+s8], $0x280, $0x38;
	[tilespmem:$0x1E300] =	vst v63  }
0x79: {  	_ =	swait.ge [sflag:s25], $0x1400  }
0x7a: {  	[sflag:s25] =	ssyncset.done $0x0  }
0x7b: {  	[sflag:s25] =	ssyncadd.s32 $0xFFFFEC00  }
0x7c: {  	_ =	swait.ge [sflag:s26], $0x280  }
0x7d: {  	[sflag:s26] =	ssyncset.done $0x0  }
0x7e: {  	s9 =	simm.s32 $0x1B400;
	[sflag:s26] =	ssyncadd.s32 $0xFFFFFD80  }
0x7f: {  	v2 =	vld [tilespmem:s9+$0x0];
	_ =	sdelay $0x2  }
0x80: {  	s14 =	sand.u32 $0x70, s8;
	s12 =	sand.u32 $0x1C00, s8  }
0x81: {  	s10 =	sor.u32 s14, s12  }
0x82: {  	v3 =	vshll.u32 v2, $0x3;
	v2 =	vld [tilespmem:s10+$0x17580];
	_ =	sdelay $0x4  }
0x83: {  	s10 =	sadd.s32 $0x17580, s10;
	[tilespmem:v3+s2+$0x0] =	vst.idx.add.f32.msk $0xffff, v2  }
0x84: {  	v4 =	vor.u32 $0x1, v3;
	v2 =	vld [tilespmem:s10+$0x80];
	_ =	sdelay $0x4  }
0x85: {  	[tilespmem:v4+s2+$0x0] =	vst.idx.add.f32.msk $0xffff, v2  }
0x86: {  	v4 =	vor.u32 $0x2, v3;
	v2 =	vld [tilespmem:s10+$0x100];
	_ =	sdelay $0x4  }
0x87: {  	[tilespmem:v4+s2+$0x0] =	vst.idx.add.f32.msk $0xffff, v2  }
0x88: {  	v4 =	vor.u32 $0x3, v3;
	v2 =	vld [tilespmem:s10+$0x180];
	_ =	sdelay $0x4  }
0x89: {  	[tilespmem:v4+s2+$0x0] =	vst.idx.add.f32.msk $0xffff, v2  }
0x8a: {  	v4 =	vor.u32 $0x4, v3;
	v2 =	vld [tilespmem:s10+$0x200];
	_ =	sdelay $0x4  }
0x8b: {  	[tilespmem:v4+s2+$0x0] =	vst.idx.add.f32.msk $0xffff, v2  }
0x8c: {  	v4 =	vor.u32 $0x5, v3;
	v2 =	vld [tilespmem:s10+$0x280];
	_ =	sdelay $0x4  }
0x8d: {  	[tilespmem:v4+s2+$0x0] =	vst.idx.add.f32.msk $0xffff, v2  }
0x8e: {  	v4 =	vor.u32 $0x6, v3;
	v2 =	vld [tilespmem:s10+$0x300];
	_ =	sdelay $0x3  }
0x8f: {  	s13 =	sor.u32 s8, s8  }
0x90: {  	s14 =	sor.u32 $0x380, s13;
	[tilespmem:v4+s2+$0x0] =	vst.idx.add.f32.msk $0xffff, v2  }
0x91: {  	v3 =	vor.u32 $0x7, v3;
	s10 =	simm.s32 $0x10;
	v2 =	vld [tilespmem:s14+$0x17580]  }
.LBB2_9:
0x92: {  	_ =	sdelay $0x3  }
0x93: {  	p1 =	sne.s32 s10, $0x270;
	s8 =	sadd.s32 $0x80, s8;
	s9 =	sadd.s32 $0x10, s9;
	[tilespmem:v3+s2+$0x0] =	vst.idx.add.f32.msk $0xffff, v2  }
0x94: {  	s12 =	smov.u32 s10;
	s10 =	sadd.s32 $0x10, s10;
	v2 =	vld [tilespmem:s9+$0x0];
	_ =	sdelay $0x2  }
0x95: {  	s13 =	sand.u32 $0x70, s12;
	s14 =	sand.u32 $0x1C00, s8  }
0x96: {  	s13 =	sor.u32 s13, s14  }
0x97: {  	v3 =	vshll.u32 v2, $0x3;
	v2 =	vld [tilespmem:s13+$0x17580];
	_ =	sdelay $0x4  }
0x98: {  	s13 =	sadd.s32 $0x17580, s13;
	[tilespmem:v3+s2+$0x0] =	vst.idx.add.f32.msk $0xffff, v2  }
0x99: {  	v4 =	vor.u32 $0x1, v3;
	v2 =	vld [tilespmem:s13+$0x80];
	_ =	sdelay $0x4  }
0x9a: {  	[tilespmem:v4+s2+$0x0] =	vst.idx.add.f32.msk $0xffff, v2  }
0x9b: {  	v4 =	vor.u32 $0x2, v3;
	v2 =	vld [tilespmem:s13+$0x100];
	_ =	sdelay $0x4  }
0x9c: {  	[tilespmem:v4+s2+$0x0] =	vst.idx.add.f32.msk $0xffff, v2  }
0x9d: {  	v4 =	vor.u32 $0x3, v3;
	v2 =	vld [tilespmem:s13+$0x180];
	_ =	sdelay $0x4  }
0x9e: {  	[tilespmem:v4+s2+$0x0] =	vst.idx.add.f32.msk $0xffff, v2  }
0x9f: {  	v4 =	vor.u32 $0x4, v3;
	v2 =	vld [tilespmem:s13+$0x200];
	_ =	sdelay $0x4  }
0xa0: {  	[tilespmem:v4+s2+$0x0] =	vst.idx.add.f32.msk $0xffff, v2  }
0xa1: {  	v4 =	vor.u32 $0x5, v3;
	v2 =	vld [tilespmem:s13+$0x280];
	_ =	sdelay $0x4  }
0xa2: {  	[tilespmem:v4+s2+$0x0] =	vst.idx.add.f32.msk $0xffff, v2  }
0xa3: {  	v4 =	vor.u32 $0x6, v3;
	v2 =	vld [tilespmem:s13+$0x300];
	_ =	sdelay $0x1  }
.Ltmp5:
0xa4: {  	(pc) =	sbr.rel @p1 .LBB2_9-.Ltmp5, $4  }
0xa5: {  	_ = 	snop  }
0xa6: {  	s12 =	sor.u32 s8, s12  }
0xa7: {  	s12 =	sor.u32 $0x380, s12;
	[tilespmem:v4+s2+$0x0] =	vst.idx.add.f32.msk $0xffff, v2  }
0xa8: {  	v3 =	vor.u32 $0x7, v3;
	v2 =	vld [tilespmem:s12+$0x17580]  }
0xa9: {  	s9 =	sadd.s32 $0x5, s7  }
0xaa: {  	s8 =	smul.u32 $0x1400, s9;
	_ =	sdelay $0x1  }
0xab: {  	s8 =	sadd.s32 s3, s8  }
0xac: {  	s8 =	sshrl.u32 s8, $0x3  }
0xad: {  	s9 =	smul.u32 $0x50, s9;
	[tilespmem:v3+s2+$0x0] =	vst.idx.add.f32.msk $0xffff, v2;
	s10 =	sadd.s32 s4, s8;
	s8 =	simm.s32 $0x0  }
0xae: {  	[tilespmem:s17], [sflag:$0x2] =	stream.linear.gather [hbm4b:s10+s8], $0x1400, $0x38;
	[tilespmem:$0x1E300] =	vst v63  }
0xaf: {  	s9 =	sadd.s32 s5, s9  }
0xb0: {  	[tilespmem:s18], [sflag:$0x6] =	stream.linear.gather [hbm4b:s9+s8], $0x280, $0x38;
	[tilespmem:$0x1E300] =	vst v63  }
0xb1: {  	_ =	swait.ge [sflag:s28], $0x1400  }
0xb2: {  	[sflag:s28] =	ssyncset.done $0x0  }
0xb3: {  	[sflag:s28] =	ssyncadd.s32 $0xFFFFEC00  }
0xb4: {  	_ =	swait.ge [sflag:s29], $0x280  }
0xb5: {  	[sflag:s29] =	ssyncset.done $0x0  }
0xb6: {  	s9 =	simm.s32 $0x1B680;
	[sflag:s29] =	ssyncadd.s32 $0xFFFFFD80  }
0xb7: {  	v2 =	vld [tilespmem:s9+$0x0];
	_ =	sdelay $0x2  }
0xb8: {  	s14 =	sand.u32 $0x70, s8;
	s12 =	sand.u32 $0x1C00, s8  }
0xb9: {  	s10 =	sor.u32 s14, s12  }
0xba: {  	v3 =	vshll.u32 v2, $0x3;
	v2 =	vld [tilespmem:s10+$0x18980];
	_ =	sdelay $0x4  }
0xbb: {  	s10 =	sadd.s32 $0x18980, s10;
	[tilespmem:v3+s2+$0x0] =	vst.idx.add.f32.msk $0xffff, v2  }
0xbc: {  	v4 =	vor.u32 $0x1, v3;
	v2 =	vld [tilespmem:s10+$0x80];
	_ =	sdelay $0x4  }
0xbd: {  	[tilespmem:v4+s2+$0x0] =	vst.idx.add.f32.msk $0xffff, v2  }
0xbe: {  	v4 =	vor.u32 $0x2, v3;
	v2 =	vld [tilespmem:s10+$0x100];
	_ =	sdelay $0x4  }
0xbf: {  	[tilespmem:v4+s2+$0x0] =	vst.idx.add.f32.msk $0xffff, v2  }
0xc0: {  	v4 =	vor.u32 $0x3, v3;
	v2 =	vld [tilespmem:s10+$0x180];
	_ =	sdelay $0x4  }
0xc1: {  	[tilespmem:v4+s2+$0x0] =	vst.idx.add.f32.msk $0xffff, v2  }
0xc2: {  	v4 =	vor.u32 $0x4, v3;
	v2 =	vld [tilespmem:s10+$0x200];
	_ =	sdelay $0x4  }
0xc3: {  	[tilespmem:v4+s2+$0x0] =	vst.idx.add.f32.msk $0xffff, v2  }
0xc4: {  	v4 =	vor.u32 $0x5, v3;
	v2 =	vld [tilespmem:s10+$0x280];
	_ =	sdelay $0x4  }
0xc5: {  	[tilespmem:v4+s2+$0x0] =	vst.idx.add.f32.msk $0xffff, v2  }
0xc6: {  	v4 =	vor.u32 $0x6, v3;
	v2 =	vld [tilespmem:s10+$0x300];
	_ =	sdelay $0x3  }
0xc7: {  	s13 =	sor.u32 s8, s8  }
0xc8: {  	s14 =	sor.u32 $0x380, s13;
	[tilespmem:v4+s2+$0x0] =	vst.idx.add.f32.msk $0xffff, v2  }
0xc9: {  	v3 =	vor.u32 $0x7, v3;
	s10 =	simm.s32 $0x10;
	v2 =	vld [tilespmem:s14+$0x18980]  }
.LBB2_11:
0xca: {  	_ =	sdelay $0x3  }
0xcb: {  	p1 =	sne.s32 s10, $0x270;
	s8 =	sadd.s32 $0x80, s8;
	s9 =	sadd.s32 $0x10, s9;
	[tilespmem:v3+s2+$0x0] =	vst.idx.add.f32.msk $0xffff, v2  }
0xcc: {  	s12 =	smov.u32 s10;
	s10 =	sadd.s32 $0x10, s10;
	v2 =	vld [tilespmem:s9+$0x0];
	_ =	sdelay $0x2  }
0xcd: {  	s13 =	sand.u32 $0x70, s12;
	s14 =	sand.u32 $0x1C00, s8  }
0xce: {  	s13 =	sor.u32 s13, s14  }
0xcf: {  	v3 =	vshll.u32 v2, $0x3;
	v2 =	vld [tilespmem:s13+$0x18980];
	_ =	sdelay $0x4  }
0xd0: {  	s13 =	sadd.s32 $0x18980, s13;
	[tilespmem:v3+s2+$0x0] =	vst.idx.add.f32.msk $0xffff, v2  }
0xd1: {  	v4 =	vor.u32 $0x1, v3;
	v2 =	vld [tilespmem:s13+$0x80];
	_ =	sdelay $0x4  }
0xd2: {  	[tilespmem:v4+s2+$0x0] =	vst.idx.add.f32.msk $0xffff, v2  }
0xd3: {  	v4 =	vor.u32 $0x2, v3;
	v2 =	vld [tilespmem:s13+$0x100];
	_ =	sdelay $0x4  }
0xd4: {  	[tilespmem:v4+s2+$0x0] =	vst.idx.add.f32.msk $0xffff, v2  }
0xd5: {  	v4 =	vor.u32 $0x3, v3;
	v2 =	vld [tilespmem:s13+$0x180];
	_ =	sdelay $0x4  }
0xd6: {  	[tilespmem:v4+s2+$0x0] =	vst.idx.add.f32.msk $0xffff, v2  }
0xd7: {  	v4 =	vor.u32 $0x4, v3;
	v2 =	vld [tilespmem:s13+$0x200];
	_ =	sdelay $0x4  }
0xd8: {  	[tilespmem:v4+s2+$0x0] =	vst.idx.add.f32.msk $0xffff, v2  }
0xd9: {  	v4 =	vor.u32 $0x5, v3;
	v2 =	vld [tilespmem:s13+$0x280];
	_ =	sdelay $0x4  }
0xda: {  	[tilespmem:v4+s2+$0x0] =	vst.idx.add.f32.msk $0xffff, v2  }
0xdb: {  	v4 =	vor.u32 $0x6, v3;
	v2 =	vld [tilespmem:s13+$0x300];
	_ =	sdelay $0x1  }
.Ltmp6:
0xdc: {  	(pc) =	sbr.rel @p1 .LBB2_11-.Ltmp6, $4  }
0xdd: {  	_ = 	snop  }
0xde: {  	s12 =	sor.u32 s8, s12  }
0xdf: {  	s12 =	sor.u32 $0x380, s12;
	[tilespmem:v4+s2+$0x0] =	vst.idx.add.f32.msk $0xffff, v2  }
0xe0: {  	v3 =	vor.u32 $0x7, v3;
	v2 =	vld [tilespmem:s12+$0x18980]  }
0xe1: {  	p1 =	seq.s32 s11, $0x3D  }
0xe2: {  	s7 =	sadd.s32 @!p1 $0x6, s7  }
0xe3: {  	s8 =	smul.u32 @!p1 $0x1400, s7;
	_ =	sdelay $0x1  }
0xe4: {  	s8 =	sadd.s32 @!p1 s3, s8  }
0xe5: {  	s9 =	simm.s32 @!p1 $0x0;
	s8 =	sshrl.u32 @!p1 s8, $0x3  }
0xe6: {  	s10 =	simm.s32 @!p1 $0x18980;
	s7 =	smul.u32 @!p1 $0x50, s7;
	[tilespmem:v3+s2+$0x0] =	vst.idx.add.f32.msk $0xffff, v2;
	s8 =	sadd.s32 @!p1 s4, s8  }
0xe7: {  	[tilespmem:s10], [sflag:$0x3] =	stream.linear.gather @!p1 [hbm4b:s8+s9], $0x1400, $0x38;
	[tilespmem:$0x1E300] =	vst v63  }
0xe8: {  	s7 =	sadd.s32 @!p1 s5, s7;
	s8 =	simm.s32 @!p1 $0x1B680  }
0xe9: {  	[tilespmem:s8], [sflag:$0x7] =	stream.linear.gather @!p1 [hbm4b:s7+s9], $0x280, $0x38;
	[tilespmem:$0x1E300] =	vst v63  }
0xea: {  	_ =	swait.ge [sflag:s30], $0x1400  }
0xeb: {  	[sflag:s30] =	ssyncset.done $0x0  }
0xec: {  	[sflag:s30] =	ssyncadd.s32 $0xFFFFEC00  }
0xed: {  	_ =	swait.ge [sflag:s31], $0x280  }
0xee: {  	[sflag:s31] =	ssyncset.done $0x0  }
0xef: {  	s7 =	simm.s32 $0x1B900;
	[sflag:s31] =	ssyncadd.s32 $0xFFFFFD80  }
0xf0: {  	v2 =	vld [tilespmem:s7+$0x0];
	_ =	sdelay $0x1  }
0xf1: {  	s8 =	simm.s32 $0x0  }
0xf2: {  	s10 =	sand.u32 $0x70, s8;
	s12 =	sand.u32 $0x1C00, s8  }
0xf3: {  	s9 =	sor.u32 s10, s12  }
0xf4: {  	v3 =	vshll.u32 v2, $0x3;
	v2 =	vld [tilespmem:s9+$0x19D80];
	_ =	sdelay $0x4  }
0xf5: {  	s9 =	sadd.s32 $0x19D80, s9;
	[tilespmem:v3+s2+$0x0] =	vst.idx.add.f32.msk $0xffff, v2  }
0xf6: {  	v4 =	vor.u32 $0x1, v3;
	v2 =	vld [tilespmem:s9+$0x80];
	_ =	sdelay $0x4  }
0xf7: {  	[tilespmem:v4+s2+$0x0] =	vst.idx.add.f32.msk $0xffff, v2  }
0xf8: {  	v4 =	vor.u32 $0x2, v3;
	v2 =	vld [tilespmem:s9+$0x100];
	_ =	sdelay $0x4  }
0xf9: {  	[tilespmem:v4+s2+$0x0] =	vst.idx.add.f32.msk $0xffff, v2  }
0xfa: {  	v4 =	vor.u32 $0x3, v3;
	v2 =	vld [tilespmem:s9+$0x180];
	_ =	sdelay $0x4  }
0xfb: {  	[tilespmem:v4+s2+$0x0] =	vst.idx.add.f32.msk $0xffff, v2  }
0xfc: {  	v4 =	vor.u32 $0x4, v3;
	v2 =	vld [tilespmem:s9+$0x200];
	_ =	sdelay $0x4  }
0xfd: {  	[tilespmem:v4+s2+$0x0] =	vst.idx.add.f32.msk $0xffff, v2  }
0xfe: {  	v4 =	vor.u32 $0x5, v3;
	v2 =	vld [tilespmem:s9+$0x280];
	_ =	sdelay $0x4  }
0xff: {  	[tilespmem:v4+s2+$0x0] =	vst.idx.add.f32.msk $0xffff, v2  }
0x100: {  	v4 =	vor.u32 $0x6, v3;
	v2 =	vld [tilespmem:s9+$0x300];
	_ =	sdelay $0x3  }
0x101: {  	s13 =	sor.u32 s8, s8  }
0x102: {  	s14 =	sor.u32 $0x380, s13;
	[tilespmem:v4+s2+$0x0] =	vst.idx.add.f32.msk $0xffff, v2  }
0x103: {  	v3 =	vor.u32 $0x7, v3;
	s9 =	simm.s32 $0x10;
	v2 =	vld [tilespmem:s14+$0x19D80]  }
.LBB2_13:
0x104: {  	_ =	sdelay $0x3  }
0x105: {  	p1 =	sne.s32 s9, $0x270;
	s8 =	sadd.s32 $0x80, s8;
	s7 =	sadd.s32 $0x10, s7;
	[tilespmem:v3+s2+$0x0] =	vst.idx.add.f32.msk $0xffff, v2  }
0x106: {  	s10 =	smov.u32 s9;
	s9 =	sadd.s32 $0x10, s9;
	v2 =	vld [tilespmem:s7+$0x0];
	_ =	sdelay $0x2  }
0x107: {  	s12 =	sand.u32 $0x70, s10;
	s13 =	sand.u32 $0x1C00, s8  }
0x108: {  	s12 =	sor.u32 s12, s13  }
0x109: {  	v3 =	vshll.u32 v2, $0x3;
	v2 =	vld [tilespmem:s12+$0x19D80];
	_ =	sdelay $0x4  }
0x10a: {  	s12 =	sadd.s32 $0x19D80, s12;
	[tilespmem:v3+s2+$0x0] =	vst.idx.add.f32.msk $0xffff, v2  }
0x10b: {  	v4 =	vor.u32 $0x1, v3;
	v2 =	vld [tilespmem:s12+$0x80];
	_ =	sdelay $0x4  }
0x10c: {  	[tilespmem:v4+s2+$0x0] =	vst.idx.add.f32.msk $0xffff, v2  }
0x10d: {  	v4 =	vor.u32 $0x2, v3;
	v2 =	vld [tilespmem:s12+$0x100];
	_ =	sdelay $0x4  }
0x10e: {  	[tilespmem:v4+s2+$0x0] =	vst.idx.add.f32.msk $0xffff, v2  }
0x10f: {  	v4 =	vor.u32 $0x3, v3;
	v2 =	vld [tilespmem:s12+$0x180];
	_ =	sdelay $0x4  }
0x110: {  	[tilespmem:v4+s2+$0x0] =	vst.idx.add.f32.msk $0xffff, v2  }
0x111: {  	v4 =	vor.u32 $0x4, v3;
	v2 =	vld [tilespmem:s12+$0x200];
	_ =	sdelay $0x4  }
0x112: {  	[tilespmem:v4+s2+$0x0] =	vst.idx.add.f32.msk $0xffff, v2  }
0x113: {  	v4 =	vor.u32 $0x5, v3;
	v2 =	vld [tilespmem:s12+$0x280];
	_ =	sdelay $0x4  }
0x114: {  	[tilespmem:v4+s2+$0x0] =	vst.idx.add.f32.msk $0xffff, v2  }
0x115: {  	v4 =	vor.u32 $0x6, v3;
	v2 =	vld [tilespmem:s12+$0x300];
	_ =	sdelay $0x1  }
.Ltmp7:
0x116: {  	(pc) =	sbr.rel @p1 .LBB2_13-.Ltmp7, $4  }
0x117: {  	_ = 	snop  }
0x118: {  	s10 =	sor.u32 s8, s10  }
0x119: {  	s10 =	sor.u32 $0x380, s10;
	[tilespmem:v4+s2+$0x0] =	vst.idx.add.f32.msk $0xffff, v2  }
0x11a: {  	v3 =	vor.u32 $0x7, v3;
	v2 =	vld [tilespmem:s10+$0x19D80]  }
0x11b: {  	s11 =	sadd.s32 $0x1, s11  }
0x11c: {  	p1 =	sne.s32 s11, $0x3E  }
.Ltmp8:
0x11d: {  	_ = 	snop;
	(pc) =	sbr.rel @p1 .LBB2_6-.Ltmp8, $2  }
0x11e: {  	_ =	sdelay $0x2  }
0x11f: {  	[tilespmem:v3+s2+$0x0] =	vst.idx.add.f32.msk $0xffff, v2  }
0x120: {  	_ =	swait.ge [sflag:s23], $0x1400  }
0x121: {  	[sflag:s23] =	ssyncset.done $0x0  }
0x122: {  	[sflag:s23] =	ssyncadd.s32 $0xFFFFEC00  }
0x123: {  	_ =	swait.ge [sflag:s24], $0x280  }
0x124: {  	[sflag:s24] =	ssyncset.done $0x0  }
0x125: {  	s7 =	simm.s32 $0x1B180;
	[sflag:s24] =	ssyncadd.s32 $0xFFFFFD80  }
0x126: {  	v2 =	vld [tilespmem:s7+$0x0];
	_ =	sdelay $0x1  }
0x127: {  	s8 =	simm.s32 $0x0  }
0x128: {  	s9 =	sand.u32 $0x70, s8;
	s10 =	sand.u32 $0x1C00, s8  }
0x129: {  	s9 =	sor.u32 s9, s10  }
0x12a: {  	v3 =	vshll.u32 v2, $0x3;
	v2 =	vld [tilespmem:s9+$0x16180];
	_ =	sdelay $0x4  }
0x12b: {  	[tilespmem:v3+s2+$0x0] =	vst.idx.add.f32.msk $0xffff, v2  }
0x12c: {  	v4 =	vor.u32 $0x1, v3;
	v2 =	vld [tilespmem:s9+$0x16200];
	_ =	sdelay $0x4  }
0x12d: {  	[tilespmem:v4+s2+$0x0] =	vst.idx.add.f32.msk $0xffff, v2  }
0x12e: {  	v4 =	vor.u32 $0x2, v3;
	v2 =	vld [tilespmem:s9+$0x16280];
	_ =	sdelay $0x4  }
0x12f: {  	[tilespmem:v4+s2+$0x0] =	vst.idx.add.f32.msk $0xffff, v2  }
0x130: {  	v4 =	vor.u32 $0x3, v3;
	v2 =	vld [tilespmem:s9+$0x16300];
	_ =	sdelay $0x4  }
0x131: {  	[tilespmem:v4+s2+$0x0] =	vst.idx.add.f32.msk $0xffff, v2  }
0x132: {  	v4 =	vor.u32 $0x4, v3;
	v2 =	vld [tilespmem:s9+$0x16380];
	_ =	sdelay $0x4  }
0x133: {  	[tilespmem:v4+s2+$0x0] =	vst.idx.add.f32.msk $0xffff, v2  }
0x134: {  	v4 =	vor.u32 $0x5, v3;
	v2 =	vld [tilespmem:s9+$0x16400];
	_ =	sdelay $0x4  }
0x135: {  	[tilespmem:v4+s2+$0x0] =	vst.idx.add.f32.msk $0xffff, v2  }
0x136: {  	v4 =	vor.u32 $0x6, v3;
	v2 =	vld [tilespmem:s9+$0x16480];
	_ =	sdelay $0x3  }
0x137: {  	s13 =	sor.u32 s8, s8  }
0x138: {  	s14 =	sor.u32 $0x380, s13;
	[tilespmem:v4+s2+$0x0] =	vst.idx.add.f32.msk $0xffff, v2  }
0x139: {  	v3 =	vor.u32 $0x7, v3;
	s9 =	simm.s32 $0x10;
	v2 =	vld [tilespmem:s14+$0x16180]  }
.LBB2_16:
0x13a: {  	_ =	sdelay $0x3  }
0x13b: {  	p1 =	sne.s32 s9, $0x270;
	s8 =	sadd.s32 $0x80, s8;
	s7 =	sadd.s32 $0x10, s7;
	[tilespmem:v3+s2+$0x0] =	vst.idx.add.f32.msk $0xffff, v2  }
0x13c: {  	s10 =	smov.u32 s9;
	s9 =	sadd.s32 $0x10, s9;
	v2 =	vld [tilespmem:s7+$0x0];
	_ =	sdelay $0x2  }
0x13d: {  	s11 =	sand.u32 $0x70, s10;
	s12 =	sand.u32 $0x1C00, s8  }
0x13e: {  	s11 =	sor.u32 s11, s12  }
0x13f: {  	v3 =	vshll.u32 v2, $0x3;
	v2 =	vld [tilespmem:s11+$0x16180];
	_ =	sdelay $0x4  }
0x140: {  	[tilespmem:v3+s2+$0x0] =	vst.idx.add.f32.msk $0xffff, v2  }
0x141: {  	v4 =	vor.u32 $0x1, v3;
	v2 =	vld [tilespmem:s11+$0x16200];
	_ =	sdelay $0x4  }
0x142: {  	[tilespmem:v4+s2+$0x0] =	vst.idx.add.f32.msk $0xffff, v2  }
0x143: {  	v4 =	vor.u32 $0x2, v3;
	v2 =	vld [tilespmem:s11+$0x16280];
	_ =	sdelay $0x4  }
0x144: {  	[tilespmem:v4+s2+$0x0] =	vst.idx.add.f32.msk $0xffff, v2  }
0x145: {  	v4 =	vor.u32 $0x3, v3;
	v2 =	vld [tilespmem:s11+$0x16300];
	_ =	sdelay $0x4  }
0x146: {  	[tilespmem:v4+s2+$0x0] =	vst.idx.add.f32.msk $0xffff, v2  }
0x147: {  	v4 =	vor.u32 $0x4, v3;
	v2 =	vld [tilespmem:s11+$0x16380];
	_ =	sdelay $0x4  }
0x148: {  	[tilespmem:v4+s2+$0x0] =	vst.idx.add.f32.msk $0xffff, v2  }
0x149: {  	v4 =	vor.u32 $0x5, v3;
	v2 =	vld [tilespmem:s11+$0x16400];
	_ =	sdelay $0x4  }
0x14a: {  	[tilespmem:v4+s2+$0x0] =	vst.idx.add.f32.msk $0xffff, v2  }
0x14b: {  	v4 =	vor.u32 $0x6, v3;
	v2 =	vld [tilespmem:s11+$0x16480];
	_ =	sdelay $0x1  }
.Ltmp9:
0x14c: {  	(pc) =	sbr.rel @p1 .LBB2_16-.Ltmp9, $4  }
0x14d: {  	_ = 	snop  }
0x14e: {  	s10 =	sor.u32 s8, s10  }
0x14f: {  	s10 =	sor.u32 $0x380, s10;
	[tilespmem:v4+s2+$0x0] =	vst.idx.add.f32.msk $0xffff, v2  }
0x150: {  	v3 =	vor.u32 $0x7, v3;
	v2 =	vld [tilespmem:s10+$0x16180]  }
0x151: {  	_ =	sdelay $0x3  }
0x152: {  	[tilespmem:v3+s2+$0x0] =	vst.idx.add.f32.msk $0xffff, v2  }
0x153: {  	_ =	swait.ge [sflag:s25], $0x1400  }
0x154: {  	[sflag:s25] =	ssyncset.done $0x0  }
0x155: {  	[sflag:s25] =	ssyncadd.s32 $0xFFFFEC00  }
0x156: {  	_ =	swait.ge [sflag:s26], $0x280  }
0x157: {  	[sflag:s26] =	ssyncset.done $0x0  }
0x158: {  	s7 =	simm.s32 $0x1B400;
	[sflag:s26] =	ssyncadd.s32 $0xFFFFFD80  }
0x159: {  	v2 =	vld [tilespmem:s7+$0x0];
	_ =	sdelay $0x1  }
0x15a: {  	s8 =	simm.s32 $0x0  }
0x15b: {  	s9 =	sand.u32 $0x70, s8;
	s10 =	sand.u32 $0x1C00, s8  }
0x15c: {  	s9 =	sor.u32 s9, s10  }
0x15d: {  	v3 =	vshll.u32 v2, $0x3;
	v2 =	vld [tilespmem:s9+$0x17580];
	_ =	sdelay $0x4  }
0x15e: {  	s9 =	sadd.s32 $0x17580, s9;
	[tilespmem:v3+s2+$0x0] =	vst.idx.add.f32.msk $0xffff, v2  }
0x15f: {  	v4 =	vor.u32 $0x1, v3;
	v2 =	vld [tilespmem:s9+$0x80];
	_ =	sdelay $0x4  }
0x160: {  	[tilespmem:v4+s2+$0x0] =	vst.idx.add.f32.msk $0xffff, v2  }
0x161: {  	v4 =	vor.u32 $0x2, v3;
	v2 =	vld [tilespmem:s9+$0x100];
	_ =	sdelay $0x4  }
0x162: {  	[tilespmem:v4+s2+$0x0] =	vst.idx.add.f32.msk $0xffff, v2  }
0x163: {  	v4 =	vor.u32 $0x3, v3;
	v2 =	vld [tilespmem:s9+$0x180];
	_ =	sdelay $0x4  }
0x164: {  	[tilespmem:v4+s2+$0x0] =	vst.idx.add.f32.msk $0xffff, v2  }
0x165: {  	v4 =	vor.u32 $0x4, v3;
	v2 =	vld [tilespmem:s9+$0x200];
	_ =	sdelay $0x4  }
0x166: {  	[tilespmem:v4+s2+$0x0] =	vst.idx.add.f32.msk $0xffff, v2  }
0x167: {  	v4 =	vor.u32 $0x5, v3;
	v2 =	vld [tilespmem:s9+$0x280];
	_ =	sdelay $0x4  }
0x168: {  	[tilespmem:v4+s2+$0x0] =	vst.idx.add.f32.msk $0xffff, v2  }
0x169: {  	v4 =	vor.u32 $0x6, v3;
	v2 =	vld [tilespmem:s9+$0x300];
	_ =	sdelay $0x3  }
0x16a: {  	s13 =	sor.u32 s8, s8  }
0x16b: {  	s14 =	sor.u32 $0x380, s13;
	[tilespmem:v4+s2+$0x0] =	vst.idx.add.f32.msk $0xffff, v2  }
0x16c: {  	v3 =	vor.u32 $0x7, v3;
	s9 =	simm.s32 $0x10;
	v2 =	vld [tilespmem:s14+$0x17580]  }
.LBB2_18:
0x16d: {  	_ =	sdelay $0x3  }
0x16e: {  	p1 =	sne.s32 s9, $0x270;
	s8 =	sadd.s32 $0x80, s8;
	s7 =	sadd.s32 $0x10, s7;
	[tilespmem:v3+s2+$0x0] =	vst.idx.add.f32.msk $0xffff, v2  }
0x16f: {  	s10 =	smov.u32 s9;
	s9 =	sadd.s32 $0x10, s9;
	v2 =	vld [tilespmem:s7+$0x0];
	_ =	sdelay $0x2  }
0x170: {  	s11 =	sand.u32 $0x70, s10;
	s12 =	sand.u32 $0x1C00, s8  }
0x171: {  	s11 =	sor.u32 s11, s12  }
0x172: {  	v3 =	vshll.u32 v2, $0x3;
	v2 =	vld [tilespmem:s11+$0x17580];
	_ =	sdelay $0x4  }
0x173: {  	s11 =	sadd.s32 $0x17580, s11;
	[tilespmem:v3+s2+$0x0] =	vst.idx.add.f32.msk $0xffff, v2  }
0x174: {  	v4 =	vor.u32 $0x1, v3;
	v2 =	vld [tilespmem:s11+$0x80];
	_ =	sdelay $0x4  }
0x175: {  	[tilespmem:v4+s2+$0x0] =	vst.idx.add.f32.msk $0xffff, v2  }
0x176: {  	v4 =	vor.u32 $0x2, v3;
	v2 =	vld [tilespmem:s11+$0x100];
	_ =	sdelay $0x4  }
0x177: {  	[tilespmem:v4+s2+$0x0] =	vst.idx.add.f32.msk $0xffff, v2  }
0x178: {  	v4 =	vor.u32 $0x3, v3;
	v2 =	vld [tilespmem:s11+$0x180];
	_ =	sdelay $0x4  }
0x179: {  	[tilespmem:v4+s2+$0x0] =	vst.idx.add.f32.msk $0xffff, v2  }
0x17a: {  	v4 =	vor.u32 $0x4, v3;
	v2 =	vld [tilespmem:s11+$0x200];
	_ =	sdelay $0x4  }
0x17b: {  	[tilespmem:v4+s2+$0x0] =	vst.idx.add.f32.msk $0xffff, v2  }
0x17c: {  	v4 =	vor.u32 $0x5, v3;
	v2 =	vld [tilespmem:s11+$0x280];
	_ =	sdelay $0x4  }
0x17d: {  	[tilespmem:v4+s2+$0x0] =	vst.idx.add.f32.msk $0xffff, v2  }
0x17e: {  	v4 =	vor.u32 $0x6, v3;
	v2 =	vld [tilespmem:s11+$0x300];
	_ =	sdelay $0x1  }
.Ltmp10:
0x17f: {  	(pc) =	sbr.rel @p1 .LBB2_18-.Ltmp10, $4  }
0x180: {  	_ = 	snop  }
0x181: {  	s10 =	sor.u32 s8, s10  }
0x182: {  	s10 =	sor.u32 $0x380, s10;
	[tilespmem:v4+s2+$0x0] =	vst.idx.add.f32.msk $0xffff, v2  }
0x183: {  	v3 =	vor.u32 $0x7, v3;
	v2 =	vld [tilespmem:s10+$0x17580]  }
.Ltmp11:
0x184: {  	_ = 	snop;
	(pc) =	sbr.rel @p0 .LBB2_23-.Ltmp11, $2  }
0x185: {  	_ =	sdelay $0x2  }
0x186: {  	[tilespmem:v3+s2+$0x0] =	vst.idx.add.f32.msk $0xffff, v2  }
0x187: {  	s7 =	simm.s32 $0x0;
	s8 =	rddreg [dreg:$0x6];
	s9 =	simm.s32 $0x1BB80  }
0x188: {  	[tilespmem:s9], [sflag:$0x9] =	stream.linear.gather [hbm4b:s8+s7], $0x2710, $0x38;
	[tilespmem:$0x1E300] =	vst v63  }
0x189: {  	_ =	swait.ge [sflag:s0], $0x2710  }
0x18a: {  	[sflag:s0] =	ssyncset.done $0x0  }
0x18b: {  	s8 =	simm.s32 $0x0;
	s7 =	simm.s32 $0x40;
	[sflag:s0] =	ssyncadd.s32 $0xFFFFD8F0  }
.LBB2_21:
0x18c: {  	p1 =	sne.s32 s7, $0x9C00;
	v2 =	vld [tilespmem:s8+$0x1BB80];
	_ =	sdelay $0x3  }
.Ltmp12:
0x18d: {  	(pc) =	sbr.rel @p1 .LBB2_21-.Ltmp12, $2  }
0x18e: {  	_ =	sdelay $0x2  }
0x18f: {  	s8 =	sshra.s32 s7, $0x2;
	s7 =	sadd.s32 $0x40, s7;
	[tilespmem:v2+s1+$0x0] =	vst.idx.add.f32.msk $0xffff, v1  }
0x190: {  	v2 =	vld [tilespmem:s8+$0x1BB80];
	_ =	sdelay $0x3  }
.Ltmp13:
0x191: {  	_ = 	snop;
	(pc) =	sbr.rel .LBB2_23-.Ltmp13, $2  }
0x192: {  	_ =	sdelay $0x2  }
0x193: {  	[tilespmem:v2+s1+$0x0] =	vst.idx.add.f32.msk $0xffff, v1  }
.LBB2_24:
0x194: {  	_ =	sfence.sel $0x180000  }
0x195: {  	[bflag:$0x0] =	sbarrier.arrive $0xFFFF  }
0x196: {  	_ =	strace $0x9000004A  }
0x197: {  	s0 =	stileid.u32;
	[bflag:$0x2] =	sbarrier.arrive $0xFFFF  }
0x198: {  	p0 =	sne.s32 s0, $0x0;
	s0 =	rddreg [dreg:$0x1]  }
0x199: {  	s0 =	sadd.s32 @!p0 $0x100000, s0  }
0x19a: {  	[sflag:s0] =	ssyncadd.tile.s32 @!p0 $0x1;
	_ =	shalt  }
.Lfunc_end2:
_tile_overlayer_lowered:
.L_overlay_start_2:
0x19b: {  	(tag) =	ssettag $0x2  }
0x19c: {  	s0 =	rddreg [dreg:$0x0];
	s2 =	stileid.u32  }
0x19d: {  	s1 =	rddreg [dreg:$0x1];
	p0 =	sne.s32 s2, $0x0  }
0x19e: {  	s3 =	rddreg [dreg:$0x2];
	[bflag:$0x3] =	sbarrier.arrive $0xFFFF;
	s2 =	simm.s32 @!p0 $0x1C09  }
0x19f: {  	[timem:s3], [sflag:s2] =	dma.local @!p0 [hbm:s0], s1  }
0x1a0: {  	s0 =	simm.s32 @!p0 $0x9  }
0x1a1: {  	_ =	swait.ge @!p0 [sflag:s0], s1  }
0x1a2: {  	s1 =	ssub.s32 @!p0 $0x0, s1;
	[sflag:s0] =	ssyncset.done @!p0 $0x0  }
0x1a3: {  	[sflag:s0] =	ssyncadd.s32 @!p0 s1  }
0x1a4: {  	[bflag:$0x3] =	sbarrier.arrive $0xFFFF  }
0x1a5: {  	_ =	shalt  }

// kernel: kernel.7.cloned.1.call-start
scs
__scs_entry_jumppad:
0x0: {  	(pc) =	sbr.rel $0x88, $3  }
0x1: {  	(tag) =	ssettag $0x0;
	lr =	simm.s32 $0x1  }
0x2: {  	[smem:$0x3F8E] =	sst lr;
	_ =	strace $0xD0000000  }
0x3: {  	_ = 	snop  }
0x4: {  	_ = 	snop  }
0x5: {  	_ = 	snop  }
0x6: {  	_ = 	snop  }
0x7: {  	_ = 	snop  }
__scs_overlays_trampoline_lowered:
0x8: {  	[smem:$0x3F9D] =	sst s0  }
0x9: {  	[smem:$0x3F9E] =	sst s1  }
0xa: {  	[smem:$0x3F9F] =	sst s2  }
0xb: {  	[smem:$0x3FA0] =	sst s3  }
0xc: {  	[smem:$0x3FA1] =	sst s4  }
0xd: {  	[smem:$0x3FA2] =	sst s5  }
0xe: {  	[smem:$0x3FA3] =	sst s6  }
0xf: {  	[smem:$0x3FA4] =	sst s7  }
0x10: {  	[smem:$0x3FA5] =	sst s8  }
0x11: {  	[smem:$0x3FA6] =	sst s9;
	s0 =	simm.s32 @!p0 $0x0  }
0x12: {  	s1 =	sld [smem:$0x3F8C];
	s0 =	simm.s32 @p0 $0x1  }
0x13: {  	[smem:$0x3FA7] =	sst s0;
	s0 =	simm.s32 @!p1 $0x0  }
0x14: {  	s2 =	sld [smem:$0x3F8B];
	s0 =	simm.s32 @p1 $0x1  }
0x15: {  	[smem:$0x3FA8] =	sst s0;
	s0 =	simm.s32 @!p2 $0x0  }
0x16: {  	s3 =	sld [smem:$0x3FDB];
	s0 =	simm.s32 @p2 $0x1  }
0x17: {  	s4 =	simm.s32 $0x1BF5;
	[smem:$0x3FAA] =	sst s0  }
0x18: {  	s0 =	sld [smem:$0x3F8D];
	_ =	swait.ge [sflag:s4], $0x0  }
0x19: {  	s7 =	sld [smem:$0x3F8E]  }
0x1a: {  	s8 =	sadd.s32 $0xFFFFE003, lr  }
0x1b: {  	s9 =	sadd.s32 $0xFFFFFEF7, lr;
	s5 =	simm.s32 $0xFFFFFFFF;
	p2 =	slt.u32 s8, $0xFFFFF086  }
0x1c: {  	p1 =	slt.u32 s9, $0xF7A;
	s5 =	simm.s32 @!p2 $0x0  }
0x1d: {  	s5 =	simm.s32 @p1 $0x1;
	p0 =	seq.s32 s7, s2  }
0x1e: {  	s7 =	smul.u32 @!p0 $0xF7A, s2;
	p2 =	seq.s32 @!p0 s5, $0x0  }
0x1f: {  	s9 =	smul.u32 $0xF7A, s1;
	s8 =	simm.s32 @!p0 $0x1BF5;
	p2 =	por !p2, p0  }
0x20: {  	[sflag:s8] =	ssyncset.s32 @!p0 $0xFFFFF086;
	s6 =	sadd.s32 @!p0 s3, s7;
	s7 =	simm.s32 @!p0 $0x108  }
0x21: {  	s3 =	sadd.s32 s3, s9;
	s6 =	sadd.s32 @!p0 $0x88, s6;
	s7 =	simm.s32 @p2 $0x1082  }
0x22: {  	[simem:s7], [sflag:s8] =	dma.local @!p0 [hbm:s6], $0xF7A  }
0x23: {  	s9 =	sor.u32 $0xD0000000, s2;
	s6 =	simm.s32 $0x108;
	_ =	swait.ge @!p0 [sflag:s8], $0x0  }
0x24: {  	s3 =	sadd.s32 $0x88, s3;
	s6 =	simm.s32 @!p1 $0x1082;
	[sflag:s4] =	ssyncset.s32 $0xFFFFF086  }
0x25: {  	[simem:s6], [sflag:s4] =	dma.local [hbm:s3], $0xF7A  }
0x26: {  	[smem:$0x3F8E] =	sst s1;
	(tag) =	ssettag s2;
	_ =	strace s9  }
0x27: {  	s1 =	sld [smem:$0x3F9E]  }
0x28: {  	s2 =	sld [smem:$0x3F9F]  }
0x29: {  	s4 =	sld [smem:$0x3FA1]  }
0x2a: {  	p0 =	seq.s32 s5, $0x0;
	s5 =	sld [smem:$0x3FA2]  }
0x2b: {  	s6 =	sld [smem:$0x3FA3]  }
0x2c: {  	s7 =	sld [smem:$0x3FA4]  }
0x2d: {  	s3 =	simm.s32 $0x108;
	s8 =	sld [smem:$0x3FA5]  }
0x2e: {  	s3 =	simm.s32 @!p0 $0x1082;
	s9 =	sld [smem:$0x3FA6]  }
0x2f: {  	lr =	sadd.s32 s0, s3;
	s0 =	sld [smem:$0x3F9D]  }
0x30: {  	s3 =	sld [smem:$0x3FA0]  }
0x31: {  	[smem:$0x3FA9] =	sst s10  }
0x32: {  	s10 =	sld [smem:$0x3FA7];
	_ =	sdelay $0x3  }
0x33: {  	p0 =	seq.s32 s10, $0x1;
	s10 =	sld [smem:$0x3FA9];
	_ =	sdelay $0x3  }
0x34: {  	[smem:$0x3FA9] =	sst s10  }
0x35: {  	s10 =	sld [smem:$0x3FA8];
	_ =	sdelay $0x3  }
0x36: {  	p1 =	seq.s32 s10, $0x1;
	s10 =	sld [smem:$0x3FA9];
	_ =	sdelay $0x3  }
0x37: {  	[smem:$0x3FA9] =	sst s10  }
0x38: {  	s10 =	sld [smem:$0x3FAA]  }
0x39: {  	_ = 	snop;
	(pc) =	sbr.ind lr, $3  }
0x3a: {  	_ = 	snop  }
0x3b: {  	_ = 	snop  }
0x3c: {  	p2 =	seq.s32 s10, $0x1;
	s10 =	sld [smem:$0x3FA9]  }
0x3d: {  	_ =	shalt  }
0x3e: {  	_ =	shalt  }
0x3f: {  	_ =	shalt  }
0x40: {  	_ =	shalt  }
0x41: {  	_ =	shalt  }
0x42: {  	_ =	shalt  }
0x43: {  	_ =	shalt  }
0x44: {  	_ =	shalt  }
0x45: {  	_ =	shalt  }
0x46: {  	_ =	shalt  }
0x47: {  	_ =	shalt  }
0x48: {  	_ =	shalt  }
0x49: {  	_ =	shalt  }
0x4a: {  	_ =	shalt  }
0x4b: {  	_ =	shalt  }
0x4c: {  	_ =	shalt  }
0x4d: {  	_ =	shalt  }
0x4e: {  	_ =	shalt  }
0x4f: {  	_ =	shalt  }
0x50: {  	_ =	shalt  }
0x51: {  	_ =	shalt  }
0x52: {  	_ =	shalt  }
0x53: {  	_ =	shalt  }
0x54: {  	_ =	shalt  }
0x55: {  	_ =	shalt  }
0x56: {  	_ =	shalt  }
0x57: {  	_ =	shalt  }
0x58: {  	_ =	shalt  }
0x59: {  	_ =	shalt  }
0x5a: {  	_ =	shalt  }
0x5b: {  	_ =	shalt  }
0x5c: {  	_ =	shalt  }
0x5d: {  	_ =	shalt  }
0x5e: {  	_ =	shalt  }
0x5f: {  	_ =	shalt  }
0x60: {  	_ =	shalt  }
0x61: {  	_ =	shalt  }
0x62: {  	_ =	shalt  }
0x63: {  	_ =	shalt  }
0x64: {  	_ =	shalt  }
0x65: {  	_ =	shalt  }
0x66: {  	_ =	shalt  }
0x67: {  	_ =	shalt  }
0x68: {  	_ =	shalt  }
0x69: {  	_ =	shalt  }
0x6a: {  	_ =	shalt  }
0x6b: {  	_ =	shalt  }
0x6c: {  	_ =	shalt  }
0x6d: {  	_ =	shalt  }
0x6e: {  	_ =	shalt  }
0x6f: {  	_ =	shalt  }
0x70: {  	_ =	shalt  }
0x71: {  	_ =	shalt  }
0x72: {  	_ =	shalt  }
0x73: {  	_ =	shalt  }
0x74: {  	_ =	shalt  }
0x75: {  	_ =	shalt  }
0x76: {  	_ =	shalt  }
0x77: {  	_ =	shalt  }
0x78: {  	_ =	shalt  }
0x79: {  	_ =	shalt  }
0x7a: {  	_ =	shalt  }
0x7b: {  	_ =	shalt  }
0x7c: {  	_ =	shalt  }
0x7d: {  	_ =	shalt  }
0x7e: {  	_ =	shalt  }
0x7f: {  	_ =	shalt  }
0x80: {  	_ =	shalt  }
0x81: {  	_ =	shalt  }
0x82: {  	_ =	shalt  }
0x83: {  	_ =	shalt  }
0x84: {  	_ =	shalt  }
0x85: {  	_ =	shalt  }
0x86: {  	_ =	shalt  }
0x87: {  	_ =	shalt  }
.Lfunc_end0:
.L_simem_size_0:
called_computation_lowered:
.L_overlay_start_0:
0x88: {  	s2 =	sld [smem:$0x3FD9]  }
0x89: {  	s3 =	sld [smem:$0x3FFE];
	_ =	sdelay $0x1  }
0x8a: {  	s1 =	srdreg.scid  }
0x8b: {  	s0 =	sand.u32 $0x1, s1  }
0x8c: {  	s14 =	sshll.u32 s0, $0xA;
	s2 =	sadd.s32 s3, s2  }
0x8d: {  	s2 =	sadd.s32 s2, s14  }
0x8e: {  	[smem:$0x3FB5] =	sst s2  }
0x8f: {  	_ = 	snop  }
0x90: {  	s2 =	sld [smem:$0x3FD0];
	_ =	sdelay $0x2  }
0x91: {  	s15 =	simm.s32 $0xA;
	s4 =	simm.s32 $0x10  }
0x92: {  	[smem:s4], [sflag:s15] =	dma.local [hbm:s2], $0x1  }
0x93: {  	_ =	swait.eq [sflag:s15], $0x1  }
0x94: {  	[sflag:s15] =	ssyncset.done $0x0  }
0x95: {  	[sflag:s15] =	ssyncadd.s32 $0xFFFFFFFF  }
0x96: {  	s16 =	sld [smem:$0x11];
	(tm) =	ssettm $0x1  }
0x97: {  	s17 =	sld [smem:$0x3FFB];
	_ =	sdelay $0x3  }
0x98: {  	_ =	strace s17  }
0x99: {  	s3 =	sld [smem:$0x3FFC];
	_ =	sdelay $0x3  }
0x9a: {  	_ =	strace s3  }
0x9b: {  	s3 =	sld [smem:$0x3FFD];
	_ =	sdelay $0x3  }
0x9c: {  	_ =	strace s3  }
0x9d: {  	_ =	strace $0x8FFFFFFF  }
0x9e: {  	s18 =	sld [smem:$0x3FDB];
	_ =	sdelay $0x1  }
0x9f: {  	s19 =	simm.s32 $_scs_section_size  }
0xa0: {  	s5 =	simm.s32 $_size__tile_overlayer_lowered;
	s6 =	simm.s32 $_tile_overlayer_lowered  }
0xa1: {  	s22 =	simm.s32 $0x1BFF;
	s21 =	sshll.u32 s6, $0x1;
	s3 =	sadd.s32 s19, s18  }
0xa2: {  	s7 =	simm.s32 $0x0;
	s20 =	sshll.u32 s5, $0x1;
	s5 =	sadd.s32 s21, s3  }
0xa3: {  	[timem:s7], [sflag:s22] =	dma.local [hbm:s5], s20  }
0xa4: {  	_ =	swait.ge [sflag:s22], s20  }
0xa5: {  	s4 =	ssub.s32 $0x0, s20;
	[sflag:s22] =	ssyncset.done $0x0  }
0xa6: {  	[sflag:s22] =	ssyncadd.s32 s4;
	_ =	sdelay $0x1  }
0xa7: {  	s23 =	simm.s32 $0x1B8B  }
0xa8: {  	_ =	swait.ge [sflag:s23], $0x1  }
0xa9: {  	[sflag:s23] =	ssyncset.done $0x0  }
0xaa: {  	s25 =	simm.s32 $0x1B8E;
	s24 =	sld [smem:$0x3FFE];
	[sflag:s23] =	ssyncadd.s32 $0xFFFFFFFF  }
0xab: {  	s26 =	simm.s32 $execute0_lowered;
	[smem:$0x3FD2] =	sst s25  }
0xac: {  	s5 =	sshll.u32 s26, $0x1;
	_ =	strace $0x80000046;
	[dreg:$0x1] =	wrdreg $0xFFFFFFFF  }
0xad: {  	s28 =	simm.s32 $_size_execute0_lowered;
	s3 =	sadd.s32 s3, s5;
	[dreg:$0x0] =	wrdreg $0x0  }
0xae: {  	s5 =	sshll.u32 s28, $0x1;
	[dreg:$0x2] =	wrdreg s3  }
0xaf: {  	[dreg:$0x3] =	wrdreg s5  }
0xb0: {  	[dreg:$0x4] =	wrdreg $0xC0  }
0xb1: {  	_ =	task [dreg:s7], $0x5FFFF  }
0xb2: {  	[dreg:$0x1] =	wrdreg $0xFFFFFFFF  }
0xb3: {  	[dreg:$0x0] =	wrdreg $0x60  }
0xb4: {  	[dreg:$0x2] =	wrdreg s16  }
0xb5: {  	[dreg:$0x3] =	wrdreg s24  }
0xb6: {  	[dreg:$0x4] =	wrdreg $0x9  }
0xb7: {  	_ =	task.clear_ibuf [dreg:s7], $0x5FFFF;
	_ =	strace $0x90000046  }
0xb8: {  	s29 =	simm.s32 $0x9;
	_ =	strace $0x80000048  }
0xb9: {  	_ =	swait.ge [sflag:s29], $0x1  }
0xba: {  	[sflag:s29] =	ssyncadd.s32 $0xFFFFFFFF  }
0xbb: {  	_ =	strace $0x90000048  }
0xbc: {  	_ =	sfence  }
0xbd: {  	s30 =	sld [smem:$0x0];
	_ =	sdelay $0x2  }
0xbe: {  	s31 =	sshll.u32 s1, $0xD;
	s1 =	sshrl.u32 s1, $0x2  }
0xbf: {  	s3 =	sand.u32 $0x4000, s31;
	s1 =	sadd.s32 s1, s30  }
0xc0: {  	s0 =	sor.u32 s3, s0;
	s1 =	sshll.u32 s1, $0x11  }
0xc1: {  	s0 =	sor.u32 s1, s0  }
0xc2: {  	s0 =	sadd.s32 $0x8F2B, s0  }
0xc3: {  	[sflag:s0] =	ssyncadd.remote.s32 $0x1  }
0xc4: {  	_ =	sfence.sel $0xFFFF  }
0xc5: {  	[dreg:$0x0] =	wrdreg $0xFFFFFFFF;
	(pc) =	sbr.abs _section_cstart, $3  }
0xc6: {  	[dreg:$0x1] =	wrdreg $0xFFFFFFFF  }
0xc7: {  	_ =	task.clear_ibuf [dreg:s7], $0x2FFFF;
	_ =	strace $0x9FFFFFFF  }
0xc8: {  	(tm) =	ssettm $0x7FFFFFFF  }
0xc9: {  	_ =	shalt  }
tec
execute0_lowered:
.L_overlay_start_1:
0x0: {  	(tag) =	ssettag $0x1  }
0x1: {  	s1 =	rddreg [dreg:$0x0]  }
0x2: {  	s0 =	rddreg [dreg:$0x1]  }
0x3: {  	s3 =	simm.s32 $0x0;
	s2 =	srdreg.scid;
	s15 =	stileid.u32  }
0x4: {  	s21 =	simm.s32 $0x80;
	s22 =	simm.s32 $0x180;
	s23 =	simm.s32 $0x5A00  }
0x5: {  	s24 =	simm.s32 $0x6200;
	s25 =	simm.s32 $0x6A00;
	s16 =	simm.s32 $0x9A00  }
0x6: {  	s17 =	simm.s32 $0xFA00;
	s31 =	simm.s32 $0x100;
	s30 =	simm.s32 $0xA200  }
0x7: {  	s28 =	simm.s32 $0xBA00;
	s29 =	simm.s32 $0xC200;
	[smem:$0x7FF] =	sst s3  }
0x8: {  	s4 =	sadd.s32 $0x10800, s0;
	_ =	strace $0x80000047;
	[dreg:$0x5] =	wrdreg s21  }
0x9: {  	s2 =	sand.u32 $0x1, s2;
	s7 =	sshll.u32 s15, $0x1;
	[dreg:$0x6] =	wrdreg s22  }
0xa: {  	s5 =	sadd.s32 $0x4800, s0;
	s6 =	sadd.s32 $0x9800, s0;
	[dreg:$0x7] =	wrdreg s23  }
0xb: {  	s8 =	sadd.s32 $0xACC00, s0;
	s13 =	smul.u32 $0x9C400, s15;
	[dreg:$0x8] =	wrdreg s24  }
0xc: {  	s26 =	smul.u32 $0x2710, s15;
	s15 =	simm.s32 $0x9200;
	[dreg:$0x9] =	wrdreg s25  }
0xd: {  	s11 =	sadd.s32 $0xA70C00, s0;
	s7 =	sor.u32 s2, s7;
	[dreg:$0xe] =	wrdreg s15  }
0xe: {  	s9 =	ssub.s32 $0x2, s2;
	s19 =	smul.u32 $0x4E200, s2;
	[dreg:$0xf] =	wrdreg s16  }
0xf: {  	s2 =	smul.u32 $0x1388, s2;
	[dreg:$0x10] =	wrdreg s17;
	s17 =	simm.s32 $0x5  }
0x10: {  	s21 =	simm.s32 $0x11200;
	s22 =	simm.s32 $0x11A00;
	s23 =	simm.s32 $0x12200  }
0x11: {  	s24 =	simm.s32 $0x12A00;
	s25 =	simm.s32 $0x13200;
	[dreg:$0x13] =	wrdreg s21  }
0x12: {  	s15 =	simm.s32 $0x5200;
	s16 =	simm.s32 $0xF200;
	[dreg:$0x14] =	wrdreg s22  }
0x13: {  	s10 =	smul.u32 $0x1388, s7;
	s12 =	sshrl.u32 s9, $0x1;
	[dreg:$0x15] =	wrdreg s23  }
0x14: {  	s20 =	sadd.s32 s13, s8;
	s13 =	sadd.s32 s13, s11;
	[dreg:$0x16] =	wrdreg s24  }
0x15: {  	s7 =	smul.u32 $0x271000, s7;
	[dreg:$0x17] =	wrdreg s25;
	s23 =	simm.s32 $0x4200  }
0x16: {  	s24 =	simm.s32 $0x4A00;
	s12 =	ssub.s32 s9, s12;
	s13 =	sadd.s32 s19, s13  }
0x17: {  	s2 =	sadd.s32 s2, s26;
	s26 =	simm.s32 $0x13A00;
	[dreg:$0x4] =	wrdreg s13  }
0x18: {  	s25 =	simm.s32 $0xAA00;
	s12 =	smax.u32 s12, $0x1;
	[dreg:$0x18] =	wrdreg s26  }
0x19: {  	s18 =	sshrl.u32 s10, $0x3;
	s13 =	simm.s32 $0x8200;
	[dreg:$0x1d] =	wrdreg s12  }
0x1a: {  	s10 =	sadd.s32 $0x10900, s0;
	s0 =	simm.s32 $0x0;
	[dreg:$0xc] =	wrdreg s13  }
0x1b: {  	s21 =	simm.s32 $0x2;
	s14 =	sadd.s32 s5, s18;
	[smem:$0x7FD] =	sst s0  }
0x1c: {  	s7 =	sshrl.u32 s7, $0x3;
	s9 =	sadd.s32 s6, s18;
	[dreg:$0x19] =	wrdreg s14  }
0x1d: {  	s7 =	sadd.s32 $0x4D800, s7;
	[dreg:$0x1a] =	wrdreg s9;
	s14 =	sadd.s32 s19, s20  }
0x1e: {  	s22 =	simm.s32 $0x4;
	s8 =	sadd.s32 s8, s7;
	[dreg:$0x3] =	wrdreg s14  }
0x1f: {  	s26 =	simm.s32 $0xB200;
	s7 =	sadd.s32 s11, s7;
	[dreg:$0x1b] =	wrdreg s8  }
0x20: {  	s12 =	simm.s32 $0x2A00;
	s11 =	simm.s32 $0x7A00;
	[dreg:$0x1c] =	wrdreg s7  }
0x21: {  	s13 =	simm.s32 $0x3200;
	s19 =	simm.s32 $0x10200;
	[dreg:$0xb] =	wrdreg s11  }
0x22: {  	s9 =	sadd.s32 $0x100, s1;
	s20 =	simm.s32 $0x10A00;
	[dreg:$0x11] =	wrdreg s19  }
0x23: {  	s8 =	simm.s32 $0x7200;
	s14 =	simm.s32 $0x8A00;
	[dreg:$0x12] =	wrdreg s20  }
0x24: {  	s7 =	sadd.s32 $0x50, s2;
	s2 =	sadd.s32 $0x28, s2;
	[dreg:$0xa] =	wrdreg s8  }
0x25: {  	s19 =	simm.s32 $0x200;
	s11 =	simm.s32 $0x2200;
	[dreg:$0x1e] =	wrdreg s7  }
0x26: {  	s20 =	simm.s32 $0x3;
	[dreg:$0xd] =	wrdreg s14;
	s2 =	sshrl.u32 s2, $0x3  }
0x27: {  	v2 =	vlaneseq.u32;
	s7 =	simm.s32 $0x1200;
	s8 =	simm.s32 $0x1A00;
	s18 =	sadd.s32 s2, s6  }
0x28: {  	vm0 =	vmmov $0xffff;
	v1 =	vshrl.u32 v2, $0x3;
	s14 =	simm.s32 $0x3A00;
	s2 =	sadd.s32 s2, s5;
	[dreg:$0x1f] =	wrdreg s18  }
0x29: {  	v0 =	vand.u32 $0x7, v2;
	v2 =	vor.u32 $0x8, v2;
	v1 =	vmul.u32 $0x8, v1;
	[smem:$0x7FC] =	sst s2;
	s2 =	simm.s32 $0xA00;
	s18 =	simm.s32 $0x1  }
.LBB2_1:
0x2a: {  	s0 =	rddreg [dreg:$0x19]  }
0x2b: {  	[tilespmem:s3], [sflag:$0x5] =	stream.linear.gather [hbm4b:s0+s3], $0x28, $0x38;
	[tilespmem:$0x14200] =	vst v63  }
0x2c: {  	_ =	swait.ge [sflag:s17], $0x28  }
0x2d: {  	[sflag:s17] =	ssyncset.done $0x0  }
0x2e: {  	s0 =	rddreg [dreg:$0x1a];
	[sflag:s17] =	ssyncadd.s32 $0xFFFFFFD8  }
0x2f: {  	[tilespmem:s31], [sflag:$0x5] =	stream.linear.gather [hbm4b:s0+s3], $0x28, $0x38;
	[tilespmem:$0x14200] =	vst v63  }
0x30: {  	_ =	swait.ge [sflag:s17], $0x28  }
0x31: {  	[sflag:s17] =	ssyncset.done $0x0  }
0x32: {  	[sflag:s17] =	ssyncadd.s32 $0xFFFFFFD8  }
0x33: {  	v3 =	vld [tilespmem:$0x0];
	_ =	sdelay $0x4  }
0x34: {  	v4 =	vshll.u32 v3, $0x2  }
0x35: {  	v3 =	vand.u32 $0x7, v3;
	v4 =	vand.u32 $0xFFFFFFE0, v4  }
0x36: {  	v3 =	vor.u32 v3, v4  }
0x37: {  	v4 =	vperm.xlane v3, v0;
	_ =	sdelay $0x1  }
0x38: {  	v4 =	vadd.s32 v1, v4;
	_ =	sdelay $0x1  }
0x39: {  	v3 =	vperm.xlane v3, v2;
	_ =	sdelay $0x1  }
0x3a: {  	v3 =	vadd.s32 v1, v3  }
0x3b: {  	[tilespmem:s19], [sflag:$0x1] =	stream.indirect_vreg.gather [hbm4b:s1+s3], $0x80, v4, vm0, $0xb8;
	[tilespmem:$0x14200] =	vst v63  }
0x3c: {  	_ = 	snop  }
0x3d: {  	[tilespmem:s2], [sflag:$0x1] =	stream.indirect_vreg.gather [hbm4b:s9+s3], $0x80, v4, vm0, $0xb8;
	[tilespmem:$0x14200] =	vst v63  }
0x3e: {  	_ = 	snop  }
0x3f: {  	[tilespmem:s7], [sflag:$0x1] =	stream.indirect_vreg.gather [hbm4b:s1+s3], $0x80, v3, vm0, $0xb8;
	[tilespmem:$0x14200] =	vst v63  }
0x40: {  	_ = 	snop  }
0x41: {  	[tilespmem:s8], [sflag:$0x1] =	stream.indirect_vreg.gather [hbm4b:s9+s3], $0x80, v3, vm0, $0xb8;
	[tilespmem:$0x14200] =	vst v63  }
0x42: {  	v3 =	vld [tilespmem:$0x10];
	_ =	sdelay $0x4  }
0x43: {  	v59 =	vshll.u32 v3, $0x2  }
0x44: {  	v3 =	vand.u32 $0x7, v3;
	v4 =	vand.u32 $0xFFFFFFE0, v59  }
0x45: {  	v3 =	vor.u32 v3, v4  }
0x46: {  	v4 =	vperm.xlane v3, v0;
	_ =	sdelay $0x1  }
0x47: {  	v4 =	vadd.s32 v1, v4;
	_ =	sdelay $0x1  }
0x48: {  	v3 =	vperm.xlane v3, v2;
	_ =	sdelay $0x1  }
0x49: {  	v3 =	vadd.s32 v1, v3  }
0x4a: {  	[tilespmem:s11], [sflag:$0x1] =	stream.indirect_vreg.gather [hbm4b:s1+s3], $0x80, v4, vm0, $0xb8;
	[tilespmem:$0x14200] =	vst v63  }
0x4b: {  	_ = 	snop  }
0x4c: {  	[tilespmem:s12], [sflag:$0x1] =	stream.indirect_vreg.gather [hbm4b:s9+s3], $0x80, v4, vm0, $0xb8;
	[tilespmem:$0x14200] =	vst v63  }
0x4d: {  	_ = 	snop  }
0x4e: {  	[tilespmem:s13], [sflag:$0x1] =	stream.indirect_vreg.gather [hbm4b:s1+s3], $0x80, v3, vm0, $0xb8;
	[tilespmem:$0x14200] =	vst v63  }
0x4f: {  	_ = 	snop  }
0x50: {  	[tilespmem:s14], [sflag:$0x1] =	stream.indirect_vreg.gather [hbm4b:s9+s3], $0x80, v3, vm0, $0xb8;
	[tilespmem:$0x14200] =	vst v63  }
0x51: {  	v3 =	vld.msk [tilespmem:$0x20], $0xff;
	_ =	sdelay $0x4  }
0x52: {  	v60 =	vshll.u32 v3, $0x2  }
0x53: {  	v3 =	vand.u32 $0x7, v3;
	v4 =	vand.u32 $0xFFFFFFE0, v60  }
0x54: {  	v3 =	vor.u32 v3, v4  }
0x55: {  	v3 =	vperm.xlane v3, v0;
	_ =	sdelay $0x1  }
0x56: {  	v3 =	vadd.s32 v1, v3;
	_ =	sdelay $0x4  }
0x57: {  	[tilespmem:s23], [sflag:$0x1] =	stream.indirect_vreg.gather [hbm4b:s1+s3], $0x80, v3, vm0, $0xb8;
	[tilespmem:$0x14200] =	vst v63  }
0x58: {  	_ = 	snop  }
0x59: {  	[tilespmem:s24], [sflag:$0x1] =	stream.indirect_vreg.gather [hbm4b:s9+s3], $0x80, v3, vm0, $0xb8;
	[tilespmem:$0x14200] =	vst v63  }
0x5a: {  	v3 =	vld [tilespmem:$0x100];
	_ =	sdelay $0x4  }
0x5b: {  	v61 =	vshll.u32 v3, $0x2  }
0x5c: {  	v3 =	vand.u32 $0x7, v3;
	v4 =	vand.u32 $0xFFFFFFE0, v61  }
0x5d: {  	v3 =	vor.u32 v3, v4  }
0x5e: {  	v4 =	vperm.xlane v3, v0;
	_ =	sdelay $0x1  }
0x5f: {  	v4 =	vadd.s32 v1, v4;
	_ =	sdelay $0x1  }
0x60: {  	v3 =	vperm.xlane v3, v2;
	_ =	sdelay $0x1  }
0x61: {  	v3 =	vadd.s32 v1, v3  }
0x62: {  	[tilespmem:s30], [sflag:$0x3] =	stream.indirect_vreg.gather [hbm4b:s4+s3], $0x80, v4, vm0, $0xb8;
	[tilespmem:$0x14200] =	vst v63  }
0x63: {  	_ = 	snop  }
0x64: {  	[tilespmem:s25], [sflag:$0x3] =	stream.indirect_vreg.gather [hbm4b:s10+s3], $0x80, v4, vm0, $0xb8;
	[tilespmem:$0x14200] =	vst v63  }
0x65: {  	_ = 	snop  }
0x66: {  	[tilespmem:s26], [sflag:$0x3] =	stream.indirect_vreg.gather [hbm4b:s4+s3], $0x80, v3, vm0, $0xb8;
	[tilespmem:$0x14200] =	vst v63  }
0x67: {  	_ = 	snop  }
0x68: {  	[tilespmem:s28], [sflag:$0x3] =	stream.indirect_vreg.gather [hbm4b:s10+s3], $0x80, v3, vm0, $0xb8;
	[tilespmem:$0x14200] =	vst v63  }
0x69: {  	v3 =	vld [tilespmem:$0x110];
	_ =	sdelay $0x4  }
0x6a: {  	v62 =	vshll.u32 v3, $0x2  }
0x6b: {  	v3 =	vand.u32 $0x7, v3;
	v4 =	vand.u32 $0xFFFFFFE0, v62  }
0x6c: {  	v3 =	vor.u32 v3, v4  }
0x6d: {  	v4 =	vperm.xlane v3, v0;
	_ =	sdelay $0x1  }
0x6e: {  	v4 =	vadd.s32 v1, v4;
	_ =	sdelay $0x1  }
0x6f: {  	v3 =	vperm.xlane v3, v2;
	_ =	sdelay $0x1  }
0x70: {  	v3 =	vadd.s32 v1, v3  }
0x71: {  	[tilespmem:s29], [sflag:$0x3] =	stream.indirect_vreg.gather [hbm4b:s4+s3], $0x80, v4, vm0, $0xb8;
	[tilespmem:$0x14200] =	vst v63  }
0x72: {  	s28 =	simm.s32 $0xCA00  }
0x73: {  	[tilespmem:s28], [sflag:$0x3] =	stream.indirect_vreg.gather [hbm4b:s10+s3], $0x80, v4, vm0, $0xb8;
	[tilespmem:$0x14200] =	vst v63  }
0x74: {  	s29 =	simm.s32 $0xD200  }
0x75: {  	[tilespmem:s29], [sflag:$0x3] =	stream.indirect_vreg.gather [hbm4b:s4+s3], $0x80, v3, vm0, $0xb8;
	[tilespmem:$0x14200] =	vst v63  }
0x76: {  	s31 =	simm.s32 $0xDA00  }
0x77: {  	[tilespmem:s31], [sflag:$0x3] =	stream.indirect_vreg.gather [hbm4b:s10+s3], $0x80, v3, vm0, $0xb8;
	[tilespmem:$0x14200] =	vst v63  }
0x78: {  	v3 =	vld.msk [tilespmem:$0x120], $0xff;
	_ =	sdelay $0x4  }
0x79: {  	v63 =	vshll.u32 v3, $0x2  }
0x7a: {  	v3 =	vand.u32 $0x7, v3;
	v4 =	vand.u32 $0xFFFFFFE0, v63  }
0x7b: {  	v3 =	vor.u32 v3, v4  }
0x7c: {  	v3 =	vperm.xlane v3, v0;
	_ =	sdelay $0x1  }
0x7d: {  	v3 =	vadd.s32 v1, v3;
	_ =	sdelay $0x1  }
0x7e: {  	s2 =	simm.s32 $0xEA00;
	s7 =	simm.s32 $0x4A00  }
0x7f: {  	s8 =	simm.s32 $0xAA00;
	s11 =	simm.s32 $0xB200;
	s23 =	sld [smem:$0x7FC]  }
0x80: {  	s12 =	simm.s32 $0xBA00;
	s14 =	simm.s32 $0xE200;
	s24 =	rddreg [dreg:$0x1f]  }
0x81: {  	[tilespmem:s14], [sflag:$0x3] =	stream.indirect_vreg.gather [hbm4b:s4+s3], $0x80, v3, vm0, $0xb8;
	[tilespmem:$0x14200] =	vst v63  }
0x82: {  	s13 =	simm.s32 $0xC200;
	s25 =	rddreg [dreg:$0x1e];
	s26 =	simm.s32 $0x0  }
0x83: {  	[tilespmem:s2], [sflag:$0x3] =	stream.indirect_vreg.gather [hbm4b:s10+s3], $0x80, v3, vm0, $0xb8;
	[tilespmem:$0x14200] =	vst v63  }
.LBB2_2:
0x84: {  	s28 =	rddreg [dreg:$0x5]  }
0x85: {  	[tilespmem:s28], [sflag:$0x5] =	stream.linear.gather [hbm4b:s23+s3], $0x28, $0x38;
	[tilespmem:$0x14200] =	vst v63  }
0x86: {  	_ =	swait.ge [sflag:s17], $0x28  }
0x87: {  	[sflag:s17] =	ssyncset.done $0x0  }
0x88: {  	s29 =	rddreg [dreg:$0x6];
	[sflag:s17] =	ssyncadd.s32 $0xFFFFFFD8  }
0x89: {  	[tilespmem:s29], [sflag:$0x5] =	stream.linear.gather [hbm4b:s24+s3], $0x28, $0x38;
	[tilespmem:$0x14200] =	vst v63  }
0x8a: {  	_ =	swait.ge [sflag:s17], $0x28  }
0x8b: {  	[sflag:s17] =	ssyncset.done $0x0  }
0x8c: {  	[sflag:s17] =	ssyncadd.s32 $0xFFFFFFD8  }
0x8d: {  	v3 =	vld [tilespmem:$0x80];
	_ =	sdelay $0x4  }
0x8e: {  	v4 =	vshll.u32 v3, $0x2  }
0x8f: {  	v3 =	vand.u32 $0x7, v3;
	v4 =	vand.u32 $0xFFFFFFE0, v4  }
0x90: {  	v3 =	vor.u32 v3, v4  }
0x91: {  	v4 =	vperm.xlane v3, v0;
	_ =	sdelay $0x1  }
0x92: {  	v4 =	vadd.s32 v1, v4;
	_ =	sdelay $0x1  }
0x93: {  	v3 =	vperm.xlane v3, v2;
	_ =	sdelay $0x1  }
0x94: {  	v3 =	vadd.s32 v1, v3  }
0x95: {  	[tilespmem:s15], [sflag:$0x2] =	stream.indirect_vreg.gather [hbm4b:s1+s3], $0x80, v4, vm0, $0xb8;
	[tilespmem:$0x14200] =	vst v63  }
0x96: {  	s0 =	rddreg [dreg:$0x7]  }
0x97: {  	[tilespmem:s0], [sflag:$0x2] =	stream.indirect_vreg.gather [hbm4b:s9+s3], $0x80, v4, vm0, $0xb8;
	[tilespmem:$0x14200] =	vst v63  }
0x98: {  	s29 =	rddreg [dreg:$0x8]  }
0x99: {  	[tilespmem:s29], [sflag:$0x2] =	stream.indirect_vreg.gather [hbm4b:s1+s3], $0x80, v3, vm0, $0xb8;
	[tilespmem:$0x14200] =	vst v63  }
0x9a: {  	s0 =	rddreg [dreg:$0x9]  }
0x9b: {  	[tilespmem:s0], [sflag:$0x2] =	stream.indirect_vreg.gather [hbm4b:s9+s3], $0x80, v3, vm0, $0xb8;
	[tilespmem:$0x14200] =	vst v63  }
0x9c: {  	v3 =	vld [tilespmem:$0x90];
	_ =	sdelay $0x4  }
0x9d: {  	v53 =	vshll.u32 v3, $0x2  }
0x9e: {  	v3 =	vand.u32 $0x7, v3;
	v4 =	vand.u32 $0xFFFFFFE0, v53  }
0x9f: {  	v3 =	vor.u32 v3, v4  }
0xa0: {  	v4 =	vperm.xlane v3, v0;
	_ =	sdelay $0x1  }
0xa1: {  	v4 =	vadd.s32 v1, v4;
	_ =	sdelay $0x1  }
0xa2: {  	v3 =	vperm.xlane v3, v2;
	_ =	sdelay $0x1  }
0xa3: {  	s28 =	rddreg [dreg:$0xa];
	v3 =	vadd.s32 v1, v3  }
0xa4: {  	[tilespmem:s28], [sflag:$0x2] =	stream.indirect_vreg.gather [hbm4b:s1+s3], $0x80, v4, vm0, $0xb8;
	[tilespmem:$0x14200] =	vst v63  }
0xa5: {  	s0 =	rddreg [dreg:$0xb]  }
0xa6: {  	[tilespmem:s0], [sflag:$0x2] =	stream.indirect_vreg.gather [hbm4b:s9+s3], $0x80, v4, vm0, $0xb8;
	[tilespmem:$0x14200] =	vst v63  }
0xa7: {  	s28 =	rddreg [dreg:$0xc]  }
0xa8: {  	[tilespmem:s28], [sflag:$0x2] =	stream.indirect_vreg.gather [hbm4b:s1+s3], $0x80, v3, vm0, $0xb8;
	[tilespmem:$0x14200] =	vst v63  }
0xa9: {  	s0 =	rddreg [dreg:$0xd]  }
0xaa: {  	[tilespmem:s0], [sflag:$0x2] =	stream.indirect_vreg.gather [hbm4b:s9+s3], $0x80, v3, vm0, $0xb8;
	[tilespmem:$0x14200] =	vst v63  }
0xab: {  	v3 =	vld.msk [tilespmem:$0xA0], $0xff;
	_ =	sdelay $0x4  }
0xac: {  	v54 =	vshll.u32 v3, $0x2  }
0xad: {  	v3 =	vand.u32 $0x7, v3;
	v4 =	vand.u32 $0xFFFFFFE0, v54  }
0xae: {  	v3 =	vor.u32 v3, v4  }
0xaf: {  	v3 =	vperm.xlane v3, v0;
	_ =	sdelay $0x1  }
0xb0: {  	v3 =	vadd.s32 v1, v3;
	_ =	sdelay $0x3  }
0xb1: {  	s28 =	rddreg [dreg:$0xe]  }
0xb2: {  	[tilespmem:s28], [sflag:$0x2] =	stream.indirect_vreg.gather [hbm4b:s1+s3], $0x80, v3, vm0, $0xb8;
	[tilespmem:$0x14200] =	vst v63  }
0xb3: {  	s0 =	rddreg [dreg:$0xf]  }
0xb4: {  	[tilespmem:s0], [sflag:$0x2] =	stream.indirect_vreg.gather [hbm4b:s9+s3], $0x80, v3, vm0, $0xb8;
	[tilespmem:$0x14200] =	vst v63  }
0xb5: {  	v3 =	vld [tilespmem:$0x180];
	_ =	sdelay $0x4  }
0xb6: {  	v55 =	vshll.u32 v3, $0x2  }
0xb7: {  	v3 =	vand.u32 $0x7, v3;
	v4 =	vand.u32 $0xFFFFFFE0, v55  }
0xb8: {  	v3 =	vor.u32 v3, v4  }
0xb9: {  	v4 =	vperm.xlane v3, v0;
	_ =	sdelay $0x1  }
0xba: {  	v4 =	vadd.s32 v1, v4;
	_ =	sdelay $0x1  }
0xbb: {  	v3 =	vperm.xlane v3, v2;
	_ =	sdelay $0x1  }
0xbc: {  	v3 =	vadd.s32 v1, v3  }
0xbd: {  	[tilespmem:s16], [sflag:$0x4] =	stream.indirect_vreg.gather [hbm4b:s4+s3], $0x80, v4, vm0, $0xb8;
	[tilespmem:$0x14200] =	vst v63  }
0xbe: {  	s0 =	rddreg [dreg:$0x10]  }
0xbf: {  	[tilespmem:s0], [sflag:$0x4] =	stream.indirect_vreg.gather [hbm4b:s10+s3], $0x80, v4, vm0, $0xb8;
	[tilespmem:$0x14200] =	vst v63  }
0xc0: {  	s29 =	rddreg [dreg:$0x11]  }
0xc1: {  	[tilespmem:s29], [sflag:$0x4] =	stream.indirect_vreg.gather [hbm4b:s4+s3], $0x80, v3, vm0, $0xb8;
	[tilespmem:$0x14200] =	vst v63  }
0xc2: {  	s0 =	rddreg [dreg:$0x12]  }
0xc3: {  	[tilespmem:s0], [sflag:$0x4] =	stream.indirect_vreg.gather [hbm4b:s10+s3], $0x80, v3, vm0, $0xb8;
	[tilespmem:$0x14200] =	vst v63  }
0xc4: {  	v3 =	vld [tilespmem:$0x190];
	_ =	sdelay $0x4  }
0xc5: {  	v56 =	vshll.u32 v3, $0x2  }
0xc6: {  	v3 =	vand.u32 $0x7, v3;
	v4 =	vand.u32 $0xFFFFFFE0, v56  }
0xc7: {  	v3 =	vor.u32 v3, v4  }
0xc8: {  	v4 =	vperm.xlane v3, v0;
	_ =	sdelay $0x1  }
0xc9: {  	v4 =	vadd.s32 v1, v4;
	_ =	sdelay $0x1  }
0xca: {  	v3 =	vperm.xlane v3, v2;
	_ =	sdelay $0x1  }
0xcb: {  	s28 =	rddreg [dreg:$0x13];
	v3 =	vadd.s32 v1, v3  }
0xcc: {  	[tilespmem:s28], [sflag:$0x4] =	stream.indirect_vreg.gather [hbm4b:s4+s3], $0x80, v4, vm0, $0xb8;
	[tilespmem:$0x14200] =	vst v63  }
0xcd: {  	s0 =	rddreg [dreg:$0x14]  }
0xce: {  	[tilespmem:s0], [sflag:$0x4] =	stream.indirect_vreg.gather [hbm4b:s10+s3], $0x80, v4, vm0, $0xb8;
	[tilespmem:$0x14200] =	vst v63  }
0xcf: {  	s28 =	rddreg [dreg:$0x15]  }
0xd0: {  	[tilespmem:s28], [sflag:$0x4] =	stream.indirect_vreg.gather [hbm4b:s4+s3], $0x80, v3, vm0, $0xb8;
	[tilespmem:$0x14200] =	vst v63  }
0xd1: {  	s0 =	rddreg [dreg:$0x16]  }
0xd2: {  	[tilespmem:s0], [sflag:$0x4] =	stream.indirect_vreg.gather [hbm4b:s10+s3], $0x80, v3, vm0, $0xb8;
	[tilespmem:$0x14200] =	vst v63  }
0xd3: {  	v3 =	vld.msk [tilespmem:$0x1A0], $0xff;
	_ =	sdelay $0x4  }
0xd4: {  	v57 =	vshll.u32 v3, $0x2  }
0xd5: {  	v3 =	vand.u32 $0x7, v3;
	v4 =	vand.u32 $0xFFFFFFE0, v57  }
0xd6: {  	v3 =	vor.u32 v3, v4  }
0xd7: {  	v3 =	vperm.xlane v3, v0;
	_ =	sdelay $0x1  }
0xd8: {  	v3 =	vadd.s32 v1, v3;
	_ =	sdelay $0x3  }
0xd9: {  	s28 =	rddreg [dreg:$0x17]  }
0xda: {  	[tilespmem:s28], [sflag:$0x4] =	stream.indirect_vreg.gather [hbm4b:s4+s3], $0x80, v3, vm0, $0xb8;
	[tilespmem:$0x14200] =	vst v63  }
0xdb: {  	s0 =	rddreg [dreg:$0x18]  }
0xdc: {  	[tilespmem:s0], [sflag:$0x4] =	stream.indirect_vreg.gather [hbm4b:s10+s3], $0x80, v3, vm0, $0xb8;
	[tilespmem:$0x14200] =	vst v63  }
0xdd: {  	_ =	swait.ge [sflag:s18], $0x5000  }
0xde: {  	[sflag:s18] =	ssyncset.done $0x0  }
0xdf: {  	[sflag:s18] =	ssyncadd.s32 $0xFFFFB000  }
0xe0: {  	_ =	swait.ge [sflag:s20], $0x5000  }
0xe1: {  	s29 =	rddreg [dreg:$0x3];
	[sflag:s20] =	ssyncset.done $0x0  }
0xe2: {  	[sflag:s20] =	ssyncadd.s32 $0xFFFFB000;
	s28 =	sadd.s32 s26, s29  }
0xe3: {  	[hbm4b:s28+s3] =	stream.linear.scatter [tilespmem:s19], [sflag:$0x5], $0x5000, $0x38;
	[tilespmem:$0x14200] =	vst v63  }
0xe4: {  	_ =	swait.ge [sflag:s17], $0x5000  }
0xe5: {  	s0 =	rddreg [dreg:$0x4];
	[sflag:s17] =	ssyncset.done $0x0  }
0xe6: {  	[sflag:s17] =	ssyncadd.s32 $0xFFFFB000;
	s29 =	sadd.s32 s26, s0  }
0xe7: {  	[hbm4b:s29+s3] =	stream.linear.scatter [tilespmem:s30], [sflag:$0x5], $0x5000, $0x38;
	[tilespmem:$0x14200] =	vst v63  }
0xe8: {  	_ =	swait.ge [sflag:s17], $0x5000  }
0xe9: {  	s31 =	sshrl.u32 s25, $0x3;
	[sflag:s17] =	ssyncset.done $0x0  }
0xea: {  	s0 =	sadd.s32 s5, s31;
	[sflag:s17] =	ssyncadd.s32 $0xFFFFB000  }
0xeb: {  	[tilespmem:s3], [sflag:$0x5] =	stream.linear.gather [hbm4b:s0+s3], $0x28, $0x38;
	[tilespmem:$0x14200] =	vst v63  }
0xec: {  	_ =	swait.ge [sflag:s17], $0x28  }
0xed: {  	[sflag:s17] =	ssyncset.done $0x0  }
0xee: {  	s0 =	sadd.s32 s6, s31;
	s31 =	simm.s32 $0x100;
	[sflag:s17] =	ssyncadd.s32 $0xFFFFFFD8  }
0xef: {  	[tilespmem:s31], [sflag:$0x5] =	stream.linear.gather [hbm4b:s0+s3], $0x28, $0x38;
	[tilespmem:$0x14200] =	vst v63  }
0xf0: {  	_ =	swait.ge [sflag:s17], $0x28  }
0xf1: {  	[sflag:s17] =	ssyncset.done $0x0  }
0xf2: {  	[sflag:s17] =	ssyncadd.s32 $0xFFFFFFD8  }
0xf3: {  	v3 =	vld [tilespmem:$0x0];
	_ =	sdelay $0x4  }
0xf4: {  	v58 =	vshll.u32 v3, $0x2  }
0xf5: {  	v3 =	vand.u32 $0x7, v3;
	v4 =	vand.u32 $0xFFFFFFE0, v58  }
0xf6: {  	v3 =	vor.u32 v3, v4  }
0xf7: {  	v4 =	vperm.xlane v3, v0;
	_ =	sdelay $0x1  }
0xf8: {  	v4 =	vadd.s32 v1, v4;
	_ =	sdelay $0x1  }
0xf9: {  	v3 =	vperm.xlane v3, v2;
	_ =	sdelay $0x1  }
0xfa: {  	v3 =	vadd.s32 v1, v3  }
0xfb: {  	[tilespmem:s19], [sflag:$0x1] =	stream.indirect_vreg.gather [hbm4b:s1+s3], $0x80, v4, vm0, $0xb8;
	[tilespmem:$0x14200] =	vst v63  }
0xfc: {  	s0 =	simm.s32 $0xA00  }
0xfd: {  	[tilespmem:s0], [sflag:$0x1] =	stream.indirect_vreg.gather [hbm4b:s9+s3], $0x80, v4, vm0, $0xb8;
	[tilespmem:$0x14200] =	vst v63  }
0xfe: {  	s0 =	simm.s32 $0x1200  }
0xff: {  	[tilespmem:s0], [sflag:$0x1] =	stream.indirect_vreg.gather [hbm4b:s1+s3], $0x80, v3, vm0, $0xb8;
	[tilespmem:$0x14200] =	vst v63  }
0x100: {  	s0 =	simm.s32 $0x1A00  }
0x101: {  	[tilespmem:s0], [sflag:$0x1] =	stream.indirect_vreg.gather [hbm4b:s9+s3], $0x80, v3, vm0, $0xb8;
	[tilespmem:$0x14200] =	vst v63  }
0x102: {  	v3 =	vld [tilespmem:$0x10];
	_ =	sdelay $0x4  }
0x103: {  	v59 =	vshll.u32 v3, $0x2  }
0x104: {  	v3 =	vand.u32 $0x7, v3;
	v4 =	vand.u32 $0xFFFFFFE0, v59  }
0x105: {  	v3 =	vor.u32 v3, v4  }
0x106: {  	v4 =	vperm.xlane v3, v0;
	_ =	sdelay $0x1  }
0x107: {  	v4 =	vadd.s32 v1, v4;
	_ =	sdelay $0x1  }
0x108: {  	v3 =	vperm.xlane v3, v2;
	_ =	sdelay $0x1  }
0x109: {  	s0 =	simm.s32 $0x2200;
	v3 =	vadd.s32 v1, v3  }
0x10a: {  	[tilespmem:s0], [sflag:$0x1] =	stream.indirect_vreg.gather [hbm4b:s1+s3], $0x80, v4, vm0, $0xb8;
	[tilespmem:$0x14200] =	vst v63  }
0x10b: {  	s0 =	simm.s32 $0x2A00  }
0x10c: {  	[tilespmem:s0], [sflag:$0x1] =	stream.indirect_vreg.gather [hbm4b:s9+s3], $0x80, v4, vm0, $0xb8;
	[tilespmem:$0x14200] =	vst v63  }
0x10d: {  	s0 =	simm.s32 $0x3200  }
0x10e: {  	[tilespmem:s0], [sflag:$0x1] =	stream.indirect_vreg.gather [hbm4b:s1+s3], $0x80, v3, vm0, $0xb8;
	[tilespmem:$0x14200] =	vst v63  }
0x10f: {  	s0 =	simm.s32 $0x3A00  }
0x110: {  	[tilespmem:s0], [sflag:$0x1] =	stream.indirect_vreg.gather [hbm4b:s9+s3], $0x80, v3, vm0, $0xb8;
	[tilespmem:$0x14200] =	vst v63  }
0x111: {  	v3 =	vld.msk [tilespmem:$0x20], $0xff;
	_ =	sdelay $0x4  }
0x112: {  	v60 =	vshll.u32 v3, $0x2  }
0x113: {  	v3 =	vand.u32 $0x7, v3;
	v4 =	vand.u32 $0xFFFFFFE0, v60  }
0x114: {  	v3 =	vor.u32 v3, v4  }
0x115: {  	v3 =	vperm.xlane v3, v0;
	_ =	sdelay $0x1  }
0x116: {  	v3 =	vadd.s32 v1, v3;
	_ =	sdelay $0x3  }
0x117: {  	s0 =	simm.s32 $0x4200  }
0x118: {  	[tilespmem:s0], [sflag:$0x1] =	stream.indirect_vreg.gather [hbm4b:s1+s3], $0x80, v3, vm0, $0xb8;
	[tilespmem:$0x14200] =	vst v63  }
0x119: {  	_ = 	snop  }
0x11a: {  	[tilespmem:s7], [sflag:$0x1] =	stream.indirect_vreg.gather [hbm4b:s9+s3], $0x80, v3, vm0, $0xb8;
	[tilespmem:$0x14200] =	vst v63  }
0x11b: {  	v3 =	vld [tilespmem:$0x100];
	_ =	sdelay $0x4  }
0x11c: {  	v61 =	vshll.u32 v3, $0x2  }
0x11d: {  	v3 =	vand.u32 $0x7, v3;
	v4 =	vand.u32 $0xFFFFFFE0, v61  }
0x11e: {  	v3 =	vor.u32 v3, v4  }
0x11f: {  	v4 =	vperm.xlane v3, v0;
	_ =	sdelay $0x1  }
0x120: {  	v4 =	vadd.s32 v1, v4;
	_ =	sdelay $0x1  }
0x121: {  	v3 =	vperm.xlane v3, v2;
	_ =	sdelay $0x1  }
0x122: {  	v3 =	vadd.s32 v1, v3  }
0x123: {  	[tilespmem:s30], [sflag:$0x3] =	stream.indirect_vreg.gather [hbm4b:s4+s3], $0x80, v4, vm0, $0xb8;
	[tilespmem:$0x14200] =	vst v63  }
0x124: {  	_ = 	snop  }
0x125: {  	[tilespmem:s8], [sflag:$0x3] =	stream.indirect_vreg.gather [hbm4b:s10+s3], $0x80, v4, vm0, $0xb8;
	[tilespmem:$0x14200] =	vst v63  }
0x126: {  	_ = 	snop  }
0x127: {  	[tilespmem:s11], [sflag:$0x3] =	stream.indirect_vreg.gather [hbm4b:s4+s3], $0x80, v3, vm0, $0xb8;
	[tilespmem:$0x14200] =	vst v63  }
0x128: {  	_ = 	snop  }
0x129: {  	[tilespmem:s12], [sflag:$0x3] =	stream.indirect_vreg.gather [hbm4b:s10+s3], $0x80, v3, vm0, $0xb8;
	[tilespmem:$0x14200] =	vst v63  }
0x12a: {  	v3 =	vld [tilespmem:$0x110];
	_ =	sdelay $0x4  }
0x12b: {  	v62 =	vshll.u32 v3, $0x2  }
0x12c: {  	v3 =	vand.u32 $0x7, v3;
	v4 =	vand.u32 $0xFFFFFFE0, v62  }
0x12d: {  	v3 =	vor.u32 v3, v4  }
0x12e: {  	v4 =	vperm.xlane v3, v0;
	_ =	sdelay $0x1  }
0x12f: {  	v4 =	vadd.s32 v1, v4;
	_ =	sdelay $0x1  }
0x130: {  	v3 =	vperm.xlane v3, v2;
	_ =	sdelay $0x1  }
0x131: {  	v3 =	vadd.s32 v1, v3  }
0x132: {  	[tilespmem:s13], [sflag:$0x3] =	stream.indirect_vreg.gather [hbm4b:s4+s3], $0x80, v4, vm0, $0xb8;
	[tilespmem:$0x14200] =	vst v63  }
0x133: {  	s0 =	simm.s32 $0xCA00  }
0x134: {  	[tilespmem:s0], [sflag:$0x3] =	stream.indirect_vreg.gather [hbm4b:s10+s3], $0x80, v4, vm0, $0xb8;
	[tilespmem:$0x14200] =	vst v63  }
0x135: {  	s0 =	simm.s32 $0xD200  }
0x136: {  	[tilespmem:s0], [sflag:$0x3] =	stream.indirect_vreg.gather [hbm4b:s4+s3], $0x80, v3, vm0, $0xb8;
	[tilespmem:$0x14200] =	vst v63  }
0x137: {  	s0 =	simm.s32 $0xDA00  }
0x138: {  	[tilespmem:s0], [sflag:$0x3] =	stream.indirect_vreg.gather [hbm4b:s10+s3], $0x80, v3, vm0, $0xb8;
	[tilespmem:$0x14200] =	vst v63  }
0x139: {  	v3 =	vld.msk [tilespmem:$0x120], $0xff;
	_ =	sdelay $0x4  }
0x13a: {  	v63 =	vshll.u32 v3, $0x2  }
0x13b: {  	v3 =	vand.u32 $0x7, v3;
	v4 =	vand.u32 $0xFFFFFFE0, v63  }
0x13c: {  	v3 =	vor.u32 v3, v4  }
0x13d: {  	v3 =	vperm.xlane v3, v0;
	_ =	sdelay $0x1  }
0x13e: {  	v3 =	vadd.s32 v1, v3;
	_ =	sdelay $0x4  }
0x13f: {  	[tilespmem:s14], [sflag:$0x3] =	stream.indirect_vreg.gather [hbm4b:s4+s3], $0x80, v3, vm0, $0xb8;
	[tilespmem:$0x14200] =	vst v63  }
0x140: {  	_ = 	snop  }
0x141: {  	[tilespmem:s2], [sflag:$0x3] =	stream.indirect_vreg.gather [hbm4b:s10+s3], $0x80, v3, vm0, $0xb8;
	[tilespmem:$0x14200] =	vst v63  }
0x142: {  	_ =	swait.ge [sflag:s21], $0x5000  }
0x143: {  	[sflag:s21] =	ssyncset.done $0x0  }
0x144: {  	[sflag:s21] =	ssyncadd.s32 $0xFFFFB000  }
0x145: {  	_ =	swait.ge [sflag:s22], $0x5000  }
0x146: {  	[sflag:s22] =	ssyncset.done $0x0  }
0x147: {  	s28 =	sadd.s32 $0xA00, s28;
	[sflag:s22] =	ssyncadd.s32 $0xFFFFB000  }
0x148: {  	[hbm4b:s28+s3] =	stream.linear.scatter [tilespmem:s15], [sflag:$0x5], $0x5000, $0x38;
	[tilespmem:$0x14200] =	vst v63  }
0x149: {  	_ =	swait.ge [sflag:s17], $0x5000  }
0x14a: {  	p0 =	sne.s32 s26, $0x4C400;
	[sflag:s17] =	ssyncset.done $0x0  }
.Ltmp0:
0x14b: {  	s29 =	sadd.s32 $0xA00, s29;
	[sflag:s17] =	ssyncadd.s32 $0xFFFFB000;
	(pc) =	sbr.rel @p0 .LBB2_2-.Ltmp0, $4  }
0x14c: {  	[hbm4b:s29+s3] =	stream.linear.scatter [tilespmem:s16], [sflag:$0x5], $0x5000, $0x38;
	[tilespmem:$0x14200] =	vst v63  }
0x14d: {  	_ =	swait.ge [sflag:s17], $0x5000  }
0x14e: {  	s25 =	sadd.s32 $0x50, s25;
	s23 =	sadd.s32 $0xA, s23;
	[sflag:s17] =	ssyncset.done $0x0  }
0x14f: {  	s24 =	sadd.s32 $0xA, s24;
	s26 =	sadd.s32 $0x1400, s26;
	[sflag:s17] =	ssyncadd.s32 $0xFFFFB000  }
0x150: {  	_ =	swait.ge [sflag:s18], $0x5000  }
0x151: {  	[sflag:s18] =	ssyncset.done $0x0  }
0x152: {  	[sflag:s18] =	ssyncadd.s32 $0xFFFFB000  }
0x153: {  	_ =	swait.ge [sflag:s20], $0x5000  }
0x154: {  	[sflag:s20] =	ssyncset.done $0x0  }
0x155: {  	s0 =	rddreg [dreg:$0x1b];
	[sflag:s20] =	ssyncadd.s32 $0xFFFFB000  }
0x156: {  	[hbm4b:s0+s3] =	stream.linear.scatter [tilespmem:s19], [sflag:$0x5], $0x5000, $0x38;
	[tilespmem:$0x14200] =	vst v63  }
0x157: {  	_ =	swait.ge [sflag:s17], $0x5000  }
0x158: {  	[sflag:s17] =	ssyncset.done $0x0  }
0x159: {  	s25 =	rddreg [dreg:$0x1c];
	[sflag:s17] =	ssyncadd.s32 $0xFFFFB000  }
0x15a: {  	[hbm4b:s25+s3] =	stream.linear.scatter [tilespmem:s30], [sflag:$0x5], $0x5000, $0x38;
	[tilespmem:$0x14200] =	vst v63  }
0x15b: {  	_ =	swait.ge [sflag:s17], $0x5000  }
0x15c: {  	s2 =	sld [smem:$0x7FD];
	_ =	sdelay $0x2  }
0x15d: {  	s26 =	rddreg [dreg:$0x1d];
	s2 =	sadd.s32 $0x1, s2  }
0x15e: {  	s7 =	simm.s32 $0x1200;
	s8 =	simm.s32 $0x1A00;
	p0 =	sne.s32 s2, s26  }
.Ltmp1:
0x15f: {  	s11 =	simm.s32 $0x2200;
	s12 =	simm.s32 $0x2A00;
	(pc) =	sbr.rel @p0 .LBB2_1-.Ltmp1, $4  }
0x160: {  	s13 =	simm.s32 $0x3200;
	s14 =	simm.s32 $0x3A00;
	s23 =	simm.s32 $0x4200  }
0x161: {  	s24 =	simm.s32 $0x4A00;
	s28 =	simm.s32 $0xBA00;
	[sflag:s17] =	ssyncset.done $0x0  }
0x162: {  	s29 =	simm.s32 $0xC200;
	s25 =	simm.s32 $0xAA00;
	[sflag:s17] =	ssyncadd.s32 $0xFFFFB000  }
0x163: {  	[smem:$0x7FD] =	sst s2;
	s2 =	simm.s32 $0xA00;
	s26 =	simm.s32 $0xB200  }
0x164: {  	_ =	sfence.sel $0x180000  }
0x165: {  	[bflag:$0x0] =	sbarrier.arrive $0xFFFF  }
0x166: {  	_ =	strace $0x90000047  }
0x167: {  	s0 =	stileid.u32;
	[bflag:$0x2] =	sbarrier.arrive $0xFFFF  }
0x168: {  	p0 =	sne.s32 s0, $0x0;
	s0 =	rddreg [dreg:$0x2]  }
0x169: {  	s0 =	sadd.s32 @!p0 $0x100000, s0  }
0x16a: {  	[sflag:s0] =	ssyncadd.tile.s32 @!p0 $0x1;
	_ =	shalt  }
.Lfunc_end2:
_tile_overlayer_lowered:
.L_overlay_start_2:
0x16b: {  	(tag) =	ssettag $0x2  }
0x16c: {  	s0 =	rddreg [dreg:$0x0];
	s2 =	stileid.u32  }
0x16d: {  	s1 =	rddreg [dreg:$0x1];
	p0 =	sne.s32 s2, $0x0  }
0x16e: {  	s3 =	rddreg [dreg:$0x2];
	[bflag:$0x3] =	sbarrier.arrive $0xFFFF;
	s2 =	simm.s32 @!p0 $0x1C05  }
0x16f: {  	[timem:s3], [sflag:s2] =	dma.local @!p0 [hbm:s0], s1  }
0x170: {  	s0 =	simm.s32 @!p0 $0x5  }
0x171: {  	_ =	swait.ge @!p0 [sflag:s0], s1  }
0x172: {  	s1 =	ssub.s32 @!p0 $0x0, s1;
	[sflag:s0] =	ssyncset.done @!p0 $0x0  }
0x173: {  	[sflag:s0] =	ssyncadd.s32 @!p0 s1  }
0x174: {  	[bflag:$0x3] =	sbarrier.arrive $0xFFFF  }
0x175: {  	_ =	shalt  }

</sc_bundles>
